<compile_context>
chip_gen: v7x
topology: tpu7x:2x2x1
jax: 0.10.2.dev20260603
libtpu: 0.0.44.dev20260713+nightly
codegen_flags: <defaults>
</compile_context>

<pallas_src>
import functools

import jax
import jax.numpy as jnp
from jax import lax
from jax.experimental import pallas as pl
from jax.experimental.pallas import tpu as pltpu
from jax.experimental.pallas import tpu_sc as plsc

B = 512
ROIS = 90
RP = 96
EPG = 2880
E = B * EPG
DIM = 96
NH = 2
HD = 48
ATTEN_S = 20
ZW = ROIS * DIM
NC = 2
NS = 16
NW = NC * NS
GPW = B // NW


def _adj_body(row_hbm, col_hbm, ew_hbm, out_hbm,
              r0, r1, c0, c1, w0, w1, acc0, acc1, se0, se1, so0, so1):
    wid = lax.axis_index("s") * NC + lax.axis_index("c")
    g0 = wid * GPW

    def load_edges(g, rb, cb, wb, se):
        sl = pl.ds(g * EPG, EPG)
        pltpu.async_copy(row_hbm.at[sl], rb, se)
        pltpu.async_copy(col_hbm.at[sl], cb, se)
        pltpu.async_copy(ew_hbm.at[sl], wb, se)

    def wait_edges(rb, cb, wb, se):
        sl = pl.ds(0, EPG)
        pltpu.make_async_copy(row_hbm.at[sl], rb, se).wait()
        pltpu.make_async_copy(col_hbm.at[sl], cb, se).wait()
        pltpu.make_async_copy(ew_hbm.at[sl], wb, se).wait()

    load_edges(g0, r0, c0, w0, se0)
    load_edges(g0 + 1, r1, c1, w1, se1)
    lanes = lax.iota(jnp.int32, 16)
    ones16 = jnp.ones((16,), jnp.float32)

    def process(g, p, rb, cb, wb, acc, se, so):
        @pl.when(p >= 2)
        def _():
            pltpu.make_async_copy(acc, out_hbm.at[0], so).wait()

        def zrow(r, c):
            for j in range(RP // 16):
                acc[r, pl.ds(j * 16, 16)] = jnp.zeros((16,), jnp.float32)
            return c

        lax.fori_loop(0, RP, zrow, 0, unroll=8)
        for j in range(RP // 16):
            dv = lanes + (j * 16)
            plsc.addupdate_scatter(acc, [dv, dv], ones16)
        wait_edges(rb, cb, wb, se)
        base = g * ROIS

        def edge(j, c):
            rv = rb[pl.ds(j * 16, 16)] - base
            cv = cb[pl.ds(j * 16, 16)] - base
            wv = wb[pl.ds(j * 16, 16)]
            plsc.addupdate_scatter(acc, [cv, rv], wv)
            return c

        lax.fori_loop(0, EPG // 16, edge, 0, unroll=8)
        pltpu.async_copy(acc, out_hbm.at[g], so)

        @pl.when(p < GPW - 2)
        def _():
            load_edges(g + 2, rb, cb, wb, se)

    def pair(p, c):
        gA = g0 + 2 * p
        process(gA, 2 * p, r0, c0, w0, acc0, se0, so0)
        process(gA + 1, 2 * p + 1, r1, c1, w1, acc1, se1, so1)
        return c

    lax.fori_loop(0, GPW // 2, pair, 0)
    pltpu.make_async_copy(acc0, out_hbm.at[0], so0).wait()
    pltpu.make_async_copy(acc1, out_hbm.at[0], so1).wait()


def _build_adjacency(row, col, ew):
    mesh = plsc.VectorSubcoreMesh(core_axis_name="c", subcore_axis_name="s")
    k = functools.partial(
        pl.kernel,
        mesh=mesh,
        compiler_params=pltpu.CompilerParams(needs_layout_passes=False),
        out_type=jax.ShapeDtypeStruct((B, RP, RP), jnp.float32),
        scratch_types=[
            pltpu.VMEM((EPG,), jnp.int32),
            pltpu.VMEM((EPG,), jnp.int32),
            pltpu.VMEM((EPG,), jnp.int32),
            pltpu.VMEM((EPG,), jnp.int32),
            pltpu.VMEM((EPG,), jnp.float32),
            pltpu.VMEM((EPG,), jnp.float32),
            pltpu.VMEM((RP, RP), jnp.float32),
            pltpu.VMEM((RP, RP), jnp.float32),
            pltpu.SemaphoreType.DMA,
            pltpu.SemaphoreType.DMA,
            pltpu.SemaphoreType.DMA,
            pltpu.SemaphoreType.DMA,
        ],
    )(_adj_body)
    return k(row, col, ew)


def _mm(a, w):
    return lax.dot_general(a, w, (((a.ndim - 1,), (0,)), ((), ())),
                           preferred_element_type=jnp.float32)


def _bmm(a, b):
    return lax.dot_general(a, b, (((2,), (1,)), ((0,), (0,))),
                           preferred_element_type=jnp.float32)


def _gnn_body(w_ref, x_ref, snps_ref,
              w1_ref, b1_ref, w2_ref, b2_ref, w3_ref, b3_ref,
              we_ref, be_ref, wd_ref, bd_ref, wa_ref, ba_ref,
              wq0_ref, bq0_ref, wq1_ref, bq1_ref,
              wk0_ref, bk0_ref, wk1_ref, bk1_ref,
              wv0_ref, bv0_ref, wv1_ref, bv1_ref,
              wo0_ref, wo1_ref, bo_ref,
              wc1a_ref, wc1b_ref, bc1_ref, wc2_ref, bc2_ref,
              wu1a_ref, wu1b_ref, bu1_ref, wu2_ref, bu2_ref,
              lc_ref, lu_ref, xhat_ref, z_ref):
    G = w_ref.shape[0]
    A = w_ref[...]
    onesRP = jnp.ones((RP, 1), jnp.float32)
    deg3 = _mm(A, onesRP)
    dinv3 = jnp.where(deg3 > 0, lax.rsqrt(deg3), 0.0)

    xg = x_ref[...]
    h0 = xg[:, :, None] * w1_ref[...][0][None, None, :]
    x1 = jnp.maximum(dinv3 * _bmm(A, dinv3 * h0) + b1_ref[...][0], 0.0)
    x2 = jnp.maximum(dinv3 * _bmm(A, dinv3 * _mm(x1, w2_ref[...]))
                     + b2_ref[...][0], 0.0)
    x3 = jnp.maximum(dinv3 * _bmm(A, dinv3 * _mm(x2, w3_ref[...]))
                     + b3_ref[...][0], 0.0)
    xcat = jnp.concatenate([x1, x2, x3], axis=2)

    snps = snps_ref[...]
    latent = jnp.tanh(_mm(snps, we_ref[...]) + be_ref[...][0])
    xhat_ref[...] = _mm(latent, wd_ref[...]) + bd_ref[...][0]

    ao = (_mm(snps, wa_ref[...]) + ba_ref[...][0]).reshape(G, ATTEN_S, DIM)

    scale = 1.0 / (HD ** 0.5)
    onesS = jnp.ones((ATTEN_S, 1), jnp.float32)
    head_w = ((wq0_ref, bq0_ref, wk0_ref, bk0_ref, wv0_ref, bv0_ref),
              (wq1_ref, bq1_ref, wk1_ref, bk1_ref, wv1_ref, bv1_ref))
    outs = []
    for wq, bq, wk, bk, wv, bv in head_w:
        qh = _mm(xcat, wq[...]) + bq[...][0]
        kh = _mm(ao, wk[...]) + bk[...][0]
        vh = _mm(ao, wv[...]) + bv[...][0]
        s = lax.dot_general(qh, kh, (((2,), (2,)), ((0,), (0,))),
                            preferred_element_type=jnp.float32) * scale
        m = jnp.max(s, axis=2, keepdims=True)
        p = jnp.exp(s - m)
        a = p * (1.0 / _mm(p, onesS))
        outs.append(_bmm(a, vh))
    attn = jnp.maximum(_mm(outs[0], wo0_ref[...]) + _mm(outs[1], wo1_ref[...])
                       + bo_ref[...][0], 0.0)
    y = ((xcat + attn) * 0.5)[:, :ROIS, :]
    yflat = y.reshape(G, ZW)
    z_ref[:, :ZW] = yflat
    z_ref[:, ZW:] = latent

    def lsm(v):
        mm_ = jnp.max(v, axis=-1, keepdims=True)
        ee = v - mm_
        return ee - jnp.log(jnp.sum(jnp.exp(ee), axis=-1, keepdims=True))

    hc = jnp.maximum(_mm(yflat, wc1a_ref[...]) + _mm(latent, wc1b_ref[...])
                     + bc1_ref[...][0], 0.0)
    lc_ref[...] = lsm(_mm(hc, wc2_ref[...]) + bc2_ref[...][0])
    hu = jnp.maximum(_mm(yflat, wu1a_ref[...]) + _mm(latent, wu1b_ref[...])
                     + bu1_ref[...][0], 0.0)
    lu_ref[...] = lsm(_mm(hu, wu2_ref[...]) + bu2_ref[...][0])


def _const_spec(arr):
    nd = arr.ndim
    return pl.BlockSpec(arr.shape, lambda i, _n=nd: (0,) * _n)


def _gnn_call(wmat3, xg96, snps, weights, G):
    grid = (B // G,)
    in_specs = [
        pl.BlockSpec((G, RP, RP), lambda i: (i, 0, 0)),
        pl.BlockSpec((G, RP), lambda i: (i, 0)),
        pl.BlockSpec((G, snps.shape[1]), lambda i: (i, 0)),
    ] + [_const_spec(w) for w in weights]
    out_specs = [
        pl.BlockSpec((G, 3), lambda i: (i, 0)),
        pl.BlockSpec((G, 2), lambda i: (i, 0)),
        pl.BlockSpec((G, 54), lambda i: (i, 0)),
        pl.BlockSpec((G, ZW + 64), lambda i: (i, 0)),
    ]
    out_shape = [
        jax.ShapeDtypeStruct((B, 3), jnp.float32),
        jax.ShapeDtypeStruct((B, 2), jnp.float32),
        jax.ShapeDtypeStruct((B, 54), jnp.float32),
        jax.ShapeDtypeStruct((B, ZW + 64), jnp.float32),
    ]
    return pl.pallas_call(
        _gnn_body, grid=grid, in_specs=in_specs, out_specs=out_specs,
        out_shape=out_shape,
    )(wmat3, xg96, snps, *weights)


def kernel(x, edge_index, edge_weight, batch, snps_feat, temperature,
           W1, b1, W2, b2, W3, b3, We, be, Wd, bd, Wa, ba, Wq, bq,
           Wk, bk, Wv, bv, Wo, bo, Wc1, bc1, Wc2, bc2, Wu1, bu1, Wu2, bu2):
    wmat3 = _build_adjacency(edge_index[0], edge_index[1], edge_weight)

    xg96 = jnp.pad(x.reshape(B, ROIS), ((0, 0), (0, RP - ROIS)))
    weights = [
        W1, b1.reshape(1, -1), W2, b2.reshape(1, -1), W3, b3.reshape(1, -1),
        We, be.reshape(1, -1), Wd, bd.reshape(1, -1), Wa, ba.reshape(1, -1),
        Wq[:, :HD], bq[:HD].reshape(1, -1), Wq[:, HD:], bq[HD:].reshape(1, -1),
        Wk[:, :HD], bk[:HD].reshape(1, -1), Wk[:, HD:], bk[HD:].reshape(1, -1),
        Wv[:, :HD], bv[:HD].reshape(1, -1), Wv[:, HD:], bv[HD:].reshape(1, -1),
        Wo[:HD], Wo[HD:], bo.reshape(1, -1),
        Wc1[:ZW], Wc1[ZW:], bc1.reshape(1, -1), Wc2, bc2.reshape(1, -1),
        Wu1[:ZW], Wu1[ZW:], bu1.reshape(1, -1), Wu2, bu2.reshape(1, -1),
    ]
    log_c, log_u, x_hat, out_z = _gnn_call(wmat3, xg96, snps_feat,
                                           weights, 64)
    return (log_c, log_u, x_hat, out_z)

# --- scband reference (transcript-rebuilt; emitter-appended) ---
"""Pipeline reference for scband-sgcn-gcn-clusterlabel-75007308858120 (READ-ONLY COPY).

The authoritative reference and input builder live on the scoring server;
editing this copy changes nothing except your own understanding.
"""

import jax, jax.numpy as jnp
import numpy as np

B = 512
ROIS = 90
N = B * ROIS
DEG = 32
E = N * DEG
NFEAT = 1
HIDDEN = 32
LAYERS = 3
DIM = HIDDEN * LAYERS
L_DIM = 64
SNPS = 54
HID_LIN = 64
NCLS = 3
NCLU = 2
ATTEN_S = 20
NH = 2
HD = DIM // NH
OUTZ = ROIS * DIM + L_DIM


def _lin(k, i, o):
    s = 1.0 / np.sqrt(i)
    return jax.random.uniform(k, (i, o), minval=-s, maxval=s, dtype=jnp.float32)


def setup_inputs(seed: int = 0):
    key = jax.random.key(seed)
    ks = jax.random.split(key, 24)
    x = jax.random.normal(ks[0], (N, NFEAT), dtype=jnp.float32)
    src = jax.random.randint(ks[1], (E,), 0, ROIS)
    dst = jax.random.randint(ks[2], (E,), 0, ROIS)
    offs = jnp.repeat(jnp.arange(B) * ROIS, ROIS * DEG)
    edge_index = jnp.stack([src + offs, dst + offs]).astype(jnp.int32)
    edge_weight = jax.random.uniform(ks[3], (E,), dtype=jnp.float32)
    batch = jnp.repeat(jnp.arange(B), ROIS).astype(jnp.int32)
    snps_feat = jax.random.normal(ks[4], (B, SNPS), dtype=jnp.float32)
    inp = {'x': x, 'edge_index': edge_index, 'edge_weight': edge_weight, 'batch': batch, 'snps_feat': snps_feat, 'temperature': 1}
    inp['W1'] = _lin(ks[5], NFEAT, HIDDEN); inp['b1'] = jnp.zeros((HIDDEN,), jnp.float32)
    inp['W2'] = _lin(ks[6], HIDDEN, HIDDEN); inp['b2'] = jnp.zeros((HIDDEN,), jnp.float32)
    inp['W3'] = _lin(ks[7], HIDDEN, HIDDEN); inp['b3'] = jnp.zeros((HIDDEN,), jnp.float32)
    inp['We'] = _lin(ks[8], SNPS, L_DIM); inp['be'] = jnp.zeros((L_DIM,), jnp.float32)
    inp['Wd'] = _lin(ks[9], L_DIM, SNPS); inp['bd'] = jnp.zeros((SNPS,), jnp.float32)
    inp['Wa'] = _lin(ks[10], SNPS, ATTEN_S * DIM); inp['ba'] = jnp.zeros((ATTEN_S * DIM,), jnp.float32)
    inp['Wq'] = _lin(ks[11], DIM, DIM); inp['bq'] = jnp.zeros((DIM,), jnp.float32)
    inp['Wk'] = _lin(ks[12], DIM, DIM); inp['bk'] = jnp.zeros((DIM,), jnp.float32)
    inp['Wv'] = _lin(ks[13], DIM, DIM); inp['bv'] = jnp.zeros((DIM,), jnp.float32)
    inp['Wo'] = _lin(ks[14], DIM, DIM); inp['bo'] = jnp.zeros((DIM,), jnp.float32)
    inp['Wc1'] = _lin(ks[15], OUTZ, HID_LIN); inp['bc1'] = jnp.zeros((HID_LIN,), jnp.float32)
    inp['Wc2'] = _lin(ks[16], HID_LIN, NCLS); inp['bc2'] = jnp.zeros((NCLS,), jnp.float32)
    inp['Wu1'] = _lin(ks[17], OUTZ, HID_LIN); inp['bu1'] = jnp.zeros((HID_LIN,), jnp.float32)
    inp['Wu2'] = _lin(ks[18], HID_LIN, NCLU); inp['bu2'] = jnp.zeros((NCLU,), jnp.float32)
    return inp


def _gcn(h_in, W, b, row, col, ew):
    h = h_in @ W
    loop = jnp.arange(N)
    r = jnp.concatenate([row, loop])
    c = jnp.concatenate([col, loop])
    w = jnp.concatenate([ew, jnp.ones((N,), ew.dtype)])
    deg = jax.ops.segment_sum(w, c, num_segments=N)
    dinv = jnp.where(deg > 0, 1.0 / jnp.sqrt(deg), 0.0)
    norm = dinv[r] * w * dinv[c]
    out = jax.ops.segment_sum(h[r] * norm[:, None], c, num_segments=N)
    return out + b


def _forward(x, edge_weight, snps_feat, W1, b1, W2, b2, W3, b3, We, be, Wd, bd, Wa, ba, Wq, bq, Wk, bk, Wv, bv, Wo, bo, Wc1, bc1, Wc2, bc2, Wu1, bu1, Wu2, bu2, edge_index, batch):
    row = edge_index[0]
    col = edge_index[1]
    x1 = jax.nn.relu(_gcn(x, W1, b1, row, col, edge_weight))
    x2 = jax.nn.relu(_gcn(x1, W2, b2, row, col, edge_weight))
    x3 = jax.nn.relu(_gcn(x2, W3, b3, row, col, edge_weight))
    xcat = jnp.concatenate([x1, x2, x3], axis=1)
    batch_x = xcat.reshape(B, ROIS, DIM)
    img_out = batch_x.reshape(B, -1)
    latent = jnp.tanh(snps_feat @ We + be)
    x_hat = latent @ Wd + bd
    atten_out = (snps_feat @ Wa + ba).reshape(B, ATTEN_S, DIM)
    q = (batch_x @ Wq + bq).reshape(B, ROIS, NH, HD).transpose(0, 2, 1, 3)
    k = (atten_out @ Wk + bk).reshape(B, ATTEN_S, NH, HD).transpose(0, 2, 1, 3)
    v = (atten_out @ Wv + bv).reshape(B, ATTEN_S, NH, HD).transpose(0, 2, 1, 3)
    scores = jnp.einsum('bhqd,bhkd->bhqk', q, k) / np.float32(np.sqrt(HD))
    a = jax.nn.softmax(scores, axis=-1)
    o = jnp.einsum('bhqk,bhkd->bhqd', a, v).transpose(0, 2, 1, 3).reshape(B, ROIS, DIM)
    attn_output = jax.nn.relu(o @ Wo + bo)
    xr = attn_output.reshape(B, -1)
    out_z = jnp.concatenate([(img_out + xr) / 2.0, latent], axis=-1)
    x_cluster = jax.nn.relu(out_z @ Wu1 + bu1) @ Wu2 + bu2
    x_classify = jax.nn.relu(out_z @ Wc1 + bc1) @ Wc2 + bc2
    return (jax.nn.log_softmax(x_classify, axis=-1), jax.nn.log_softmax(x_cluster, axis=-1), x_hat, out_z)


def reference(x, edge_index, edge_weight, batch, snps_feat, temperature, W1, b1, W2, b2, W3, b3, We, be, Wd, bd, Wa, ba, Wq, bq, Wk, bk, Wv, bv, Wo, bo, Wc1, bc1, Wc2, bc2, Wu1, bu1, Wu2, bu2):
    # eval mode: dropout disabled; temperature only used by gumbel sampling in training, ignored here
    return _forward(x, edge_weight, snps_feat, W1, b1, W2, b2, W3, b3, We, be, Wd, bd, Wa, ba, Wq, bq, Wk, bk, Wv, bv, Wo, bo, Wc1, bc1, Wc2, bc2, Wu1, bu1, Wu2, bu2, edge_index, batch)

if __name__ == "__main__":
    import jax
    _d = setup_inputs()
    print(jax.jit(kernel)(*tuple(_d.values())))

</pallas_src>

<mosaic_0001>
#map = affine_map<(d0, d1) -> (0)>
#map1 = affine_map<(d0, d1) -> (0, 0, 0)>
module attributes {stable_mosaic.version = 14 : i64} {
  func.func @_adj_body(%arg0: i32, %arg1: i32, %arg2: memref<1474560xi32, #tpu.memory_space<hbm>>, %arg3: memref<1474560xi32, #tpu.memory_space<hbm>>, %arg4: memref<1474560xf32, #tpu.memory_space<hbm>>, %arg5: memref<512x96x96xf32, #tpu.memory_space<hbm>>, %arg6: memref<2880xi32, #tpu.memory_space<vmem>>, %arg7: memref<2880xi32, #tpu.memory_space<vmem>>, %arg8: memref<2880xi32, #tpu.memory_space<vmem>>, %arg9: memref<2880xi32, #tpu.memory_space<vmem>>, %arg10: memref<2880xf32, #tpu.memory_space<vmem>>, %arg11: memref<2880xf32, #tpu.memory_space<vmem>>, %arg12: memref<96x96xf32, #tpu.memory_space<vmem>>, %arg13: memref<96x96xf32, #tpu.memory_space<vmem>>, %arg14: memref<!tpu.dma_semaphore, #tpu.memory_space<semaphore_mem>>, %arg15: memref<!tpu.dma_semaphore, #tpu.memory_space<semaphore_mem>>, %arg16: memref<!tpu.dma_semaphore, #tpu.memory_space<semaphore_mem>>, %arg17: memref<!tpu.dma_semaphore, #tpu.memory_space<semaphore_mem>>) attributes {dimension_semantics = [#tpu.dimension_semantics<core_parallel>, #tpu.dimension_semantics<subcore_parallel>], iteration_bounds = array<i64: 2, 16>, scalar_prefetch = 0 : i64, scratch_operands = 12 : i64, tpu.core_type = #tpu.core_type<sc_vector_subcore>, window_params = [{transform_indices = #map}, {transform_indices = #map}, {transform_indices = #map}, {transform_indices = #map1}]} {
    %mul3A = arith.constant 2 : i32
    %mul3A_0 = arith.muli %arg1, %mul3A : i32
    %add3A = arith.addi %mul3A_0, %arg0 : i32
    %mul3A_1 = arith.constant 16 : i32
    %mul3A_2 = arith.muli %add3A, %mul3A_1 : i32
    %mul3A_3 = arith.constant 2880 : i32
    %mul3A_4 = arith.muli %mul3A_2, %mul3A_3 : i32
    %dma_start3A = tpu.memref_slice %arg2[%mul3A_4] : memref<1474560xi32, #tpu.memory_space<hbm>> -> memref<2880xi32, #tpu.memory_space<hbm>>
    %dma_start3A_5 = tpu.memref_slice %arg2[%mul3A_4] : memref<1474560xi32, #tpu.memory_space<hbm>> -> memref<2880xi32, #tpu.memory_space<hbm>>
    tpu.enqueue_dma source(%dma_start3A_5 : memref<2880xi32, #tpu.memory_space<hbm>>) target(%arg6 : memref<2880xi32, #tpu.memory_space<vmem>>) target_semaphore(%arg14 : memref<!tpu.dma_semaphore, #tpu.memory_space<semaphore_mem>>)
    %dma_start3A_6 = tpu.memref_slice %arg3[%mul3A_4] : memref<1474560xi32, #tpu.memory_space<hbm>> -> memref<2880xi32, #tpu.memory_space<hbm>>
    %dma_start3A_7 = tpu.memref_slice %arg3[%mul3A_4] : memref<1474560xi32, #tpu.memory_space<hbm>> -> memref<2880xi32, #tpu.memory_space<hbm>>
    tpu.enqueue_dma source(%dma_start3A_7 : memref<2880xi32, #tpu.memory_space<hbm>>) target(%arg8 : memref<2880xi32, #tpu.memory_space<vmem>>) target_semaphore(%arg14 : memref<!tpu.dma_semaphore, #tpu.memory_space<semaphore_mem>>)
    %dma_start3A_8 = tpu.memref_slice %arg4[%mul3A_4] : memref<1474560xf32, #tpu.memory_space<hbm>> -> memref<2880xf32, #tpu.memory_space<hbm>>
    %dma_start3A_9 = tpu.memref_slice %arg4[%mul3A_4] : memref<1474560xf32, #tpu.memory_space<hbm>> -> memref<2880xf32, #tpu.memory_space<hbm>>
    tpu.enqueue_dma source(%dma_start3A_9 : memref<2880xf32, #tpu.memory_space<hbm>>) target(%arg10 : memref<2880xf32, #tpu.memory_space<vmem>>) target_semaphore(%arg14 : memref<!tpu.dma_semaphore, #tpu.memory_space<semaphore_mem>>)
    %add3A_10 = arith.constant 1 : i32
    %add3A_11 = arith.addi %mul3A_2, %add3A_10 : i32
    %mul3A_12 = arith.constant 2880 : i32
    %mul3A_13 = arith.muli %add3A_11, %mul3A_12 : i32
    %dma_start3A_14 = tpu.memref_slice %arg2[%mul3A_13] : memref<1474560xi32, #tpu.memory_space<hbm>> -> memref<2880xi32, #tpu.memory_space<hbm>>
    %dma_start3A_15 = tpu.memref_slice %arg2[%mul3A_13] : memref<1474560xi32, #tpu.memory_space<hbm>> -> memref<2880xi32, #tpu.memory_space<hbm>>
    tpu.enqueue_dma source(%dma_start3A_15 : memref<2880xi32, #tpu.memory_space<hbm>>) target(%arg7 : memref<2880xi32, #tpu.memory_space<vmem>>) target_semaphore(%arg15 : memref<!tpu.dma_semaphore, #tpu.memory_space<semaphore_mem>>)
    %dma_start3A_16 = tpu.memref_slice %arg3[%mul3A_13] : memref<1474560xi32, #tpu.memory_space<hbm>> -> memref<2880xi32, #tpu.memory_space<hbm>>
    %dma_start3A_17 = tpu.memref_slice %arg3[%mul3A_13] : memref<1474560xi32, #tpu.memory_space<hbm>> -> memref<2880xi32, #tpu.memory_space<hbm>>
    tpu.enqueue_dma source(%dma_start3A_17 : memref<2880xi32, #tpu.memory_space<hbm>>) target(%arg9 : memref<2880xi32, #tpu.memory_space<vmem>>) target_semaphore(%arg15 : memref<!tpu.dma_semaphore, #tpu.memory_space<semaphore_mem>>)
    %dma_start3A_18 = tpu.memref_slice %arg4[%mul3A_13] : memref<1474560xf32, #tpu.memory_space<hbm>> -> memref<2880xf32, #tpu.memory_space<hbm>>
    %dma_start3A_19 = tpu.memref_slice %arg4[%mul3A_13] : memref<1474560xf32, #tpu.memory_space<hbm>> -> memref<2880xf32, #tpu.memory_space<hbm>>
    tpu.enqueue_dma source(%dma_start3A_19 : memref<2880xf32, #tpu.memory_space<hbm>>) target(%arg11 : memref<2880xf32, #tpu.memory_space<vmem>>) target_semaphore(%arg15 : memref<!tpu.dma_semaphore, #tpu.memory_space<semaphore_mem>>)
    %iota3A = tpu.iota {dimensions = array<i32: 0>} : vector<16xi32>
    %broadcast_in_dim3A = arith.constant 1.000000e+00 : f32
    %broadcast_in_dim3A_20 = vector.broadcast %broadcast_in_dim3A : f32 to vector<16xf32>
    %scan3A = arith.constant 0 : i32
    %scan3A_21 = arith.constant 0 : i32
    %scan3A_22 = arith.constant 8 : i32
    %scan3A_23 = arith.addi %scan3A_21, %scan3A_22 : i32
    %scan3A_24 = arith.constant 1 : i32
    scf.for %scan3A_43 = %scan3A_21 to %scan3A_23 step %scan3A_24  : i32 {
      %mul3A_44 = arith.constant 2 : i32
      %mul3A_45 = arith.muli %mul3A_44, %scan3A_43 : i32
      %add3A_46 = arith.addi %mul3A_2, %mul3A_45 : i32
      %mul3A_47 = arith.constant 2 : i32
      %mul3A_48 = arith.muli %mul3A_47, %scan3A_43 : i32
      %ge3A = arith.constant 2 : i32
      %ge3A_49 = arith.cmpi sge, %mul3A_48, %ge3A : i32
      %convert_element_type3A = arith.extui %ge3A_49 : i1 to i32
      %cond3A = arith.constant 0 : i32
      %cond3A_50 = arith.cmpi ne, %convert_element_type3A, %cond3A : i32
      scf.if %cond3A_50 {
        %dma_wait3A_317 = arith.constant 0 : i32
        %dma_wait3A_318 = arith.constant 0 : i32
        %dma_wait3A_319 = arith.constant 0 : i32
        %dma_wait3A_320 = tpu.memref_slice %arg5[%dma_wait3A_317, %dma_wait3A_318, %dma_wait3A_319] : memref<512x96x96xf32, #tpu.memory_space<hbm>> -> memref<1x96x96xf32, #tpu.memory_space<hbm>>
        %dma_wait3A_321 = tpu.memref_squeeze %dma_wait3A_320 : memref<1x96x96xf32, #tpu.memory_space<hbm>> -> memref<96x96xf32, #tpu.memory_space<hbm>>
        %dma_wait3A_322 = arith.constant 0 : i32
        %dma_wait3A_323 = arith.constant 0 : i32
        %dma_wait3A_324 = tpu.memref_slice %arg5[%dma_wait3A_317, %dma_wait3A_322, %dma_wait3A_323] : memref<512x96x96xf32, #tpu.memory_space<hbm>> -> memref<1x96x96xf32, #tpu.memory_space<hbm>>
        %dma_wait3A_325 = tpu.memref_squeeze %dma_wait3A_324 : memref<1x96x96xf32, #tpu.memory_space<hbm>> -> memref<96x96xf32, #tpu.memory_space<hbm>>
        tpu.wait_dma2 semaphore(%arg16 : memref<!tpu.dma_semaphore, #tpu.memory_space<semaphore_mem>>) src(%arg12 : memref<96x96xf32, #tpu.memory_space<vmem>>) dst(%dma_wait3A_325 : memref<96x96xf32, #tpu.memory_space<hbm>>)
      } else {
      }
      %scan3A_51 = arith.constant 0 : i32
      %scan3A_52 = arith.constant 0 : i32
      %scan3A_53 = arith.constant 96 : i32
      %scan3A_54 = arith.addi %scan3A_52, %scan3A_53 : i32
      %scan3A_55 = arith.constant 8 : i32
      scf.for %scan3A_317 = %scan3A_52 to %scan3A_54 step %scan3A_55  : i32 {
        %broadcast_in_dim3A_318 = arith.constant 0.000000e+00 : f32
        %broadcast_in_dim3A_319 = vector.broadcast %broadcast_in_dim3A_318 : f32 to vector<16xf32>
        %swap3A = arith.index_cast %scan3A_317 : i32 to index
        %swap3A_320 = arith.constant 0 : index
        %swap3A_321 = tpu.vector_load %arg12[%swap3A, %swap3A_320] {strides = array<i32>} : memref<96x96xf32, #tpu.memory_space<vmem>>, vector<16xf32>,
        tpu.vector_store %arg12[%swap3A, %swap3A_320], %broadcast_in_dim3A_319 {strides = array<i32>} : memref<96x96xf32, #tpu.memory_space<vmem>>, vector<16xf32>,
        %broadcast_in_dim3A_322 = arith.constant 0.000000e+00 : f32
        %broadcast_in_dim3A_323 = vector.broadcast %broadcast_in_dim3A_322 : f32 to vector<16xf32>
        %swap3A_324 = arith.index_cast %scan3A_317 : i32 to index
        %swap3A_325 = arith.constant 16 : index
        %swap3A_326 = tpu.vector_load %arg12[%swap3A_324, %swap3A_325] {strides = array<i32>} : memref<96x96xf32, #tpu.memory_space<vmem>>, vector<16xf32>,
        tpu.vector_store %arg12[%swap3A_324, %swap3A_325], %broadcast_in_dim3A_323 {strides = array<i32>} : memref<96x96xf32, #tpu.memory_space<vmem>>, vector<16xf32>,
        %broadcast_in_dim3A_327 = arith.constant 0.000000e+00 : f32
        %broadcast_in_dim3A_328 = vector.broadcast %broadcast_in_dim3A_327 : f32 to vector<16xf32>
        %swap3A_329 = arith.index_cast %scan3A_317 : i32 to index
        %swap3A_330 = arith.constant 32 : index
        %swap3A_331 = tpu.vector_load %arg12[%swap3A_329, %swap3A_330] {strides = array<i32>} : memref<96x96xf32, #tpu.memory_space<vmem>>, vector<16xf32>,
        tpu.vector_store %arg12[%swap3A_329, %swap3A_330], %broadcast_in_dim3A_328 {strides = array<i32>} : memref<96x96xf32, #tpu.memory_space<vmem>>, vector<16xf32>,
        %broadcast_in_dim3A_332 = arith.constant 0.000000e+00 : f32
        %broadcast_in_dim3A_333 = vector.broadcast %broadcast_in_dim3A_332 : f32 to vector<16xf32>
        %swap3A_334 = arith.index_cast %scan3A_317 : i32 to index
        %swap3A_335 = arith.constant 48 : index
        %swap3A_336 = tpu.vector_load %arg12[%swap3A_334, %swap3A_335] {strides = array<i32>} : memref<96x96xf32, #tpu.memory_space<vmem>>, vector<16xf32>,
        tpu.vector_store %arg12[%swap3A_334, %swap3A_335], %broadcast_in_dim3A_333 {strides = array<i32>} : memref<96x96xf32, #tpu.memory_space<vmem>>, vector<16xf32>,
        %broadcast_in_dim3A_337 = arith.constant 0.000000e+00 : f32
        %broadcast_in_dim3A_338 = vector.broadcast %broadcast_in_dim3A_337 : f32 to vector<16xf32>
        %swap3A_339 = arith.index_cast %scan3A_317 : i32 to index
        %swap3A_340 = arith.constant 64 : index
        %swap3A_341 = tpu.vector_load %arg12[%swap3A_339, %swap3A_340] {strides = array<i32>} : memref<96x96xf32, #tpu.memory_space<vmem>>, vector<16xf32>,
        tpu.vector_store %arg12[%swap3A_339, %swap3A_340], %broadcast_in_dim3A_338 {strides = array<i32>} : memref<96x96xf32, #tpu.memory_space<vmem>>, vector<16xf32>,
        %broadcast_in_dim3A_342 = arith.constant 0.000000e+00 : f32
        %broadcast_in_dim3A_343 = vector.broadcast %broadcast_in_dim3A_342 : f32 to vector<16xf32>
        %swap3A_344 = arith.index_cast %scan3A_317 : i32 to index
        %swap3A_345 = arith.constant 80 : index
        %swap3A_346 = tpu.vector_load %arg12[%swap3A_344, %swap3A_345] {strides = array<i32>} : memref<96x96xf32, #tpu.memory_space<vmem>>, vector<16xf32>,
        tpu.vector_store %arg12[%swap3A_344, %swap3A_345], %broadcast_in_dim3A_343 {strides = array<i32>} : memref<96x96xf32, #tpu.memory_space<vmem>>, vector<16xf32>,
        %scan3A_347 = arith.constant 1 : i32
        %scan3A_348 = arith.addi %scan3A_317, %scan3A_347 : i32
        %broadcast_in_dim3A_349 = arith.constant 0.000000e+00 : f32
        %broadcast_in_dim3A_350 = vector.broadcast %broadcast_in_dim3A_349 : f32 to vector<16xf32>
        %swap3A_351 = arith.index_cast %scan3A_348 : i32 to index
        %swap3A_352 = arith.constant 0 : index
        %swap3A_353 = tpu.vector_load %arg12[%swap3A_351, %swap3A_352] {strides = array<i32>} : memref<96x96xf32, #tpu.memory_space<vmem>>, vector<16xf32>,
        tpu.vector_store %arg12[%swap3A_351, %swap3A_352], %broadcast_in_dim3A_350 {strides = array<i32>} : memref<96x96xf32, #tpu.memory_space<vmem>>, vector<16xf32>,
        %broadcast_in_dim3A_354 = arith.constant 0.000000e+00 : f32
        %broadcast_in_dim3A_355 = vector.broadcast %broadcast_in_dim3A_354 : f32 to vector<16xf32>
        %swap3A_356 = arith.index_cast %scan3A_348 : i32 to index
        %swap3A_357 = arith.constant 16 : index
        %swap3A_358 = tpu.vector_load %arg12[%swap3A_356, %swap3A_357] {strides = array<i32>} : memref<96x96xf32, #tpu.memory_space<vmem>>, vector<16xf32>,
        tpu.vector_store %arg12[%swap3A_356, %swap3A_357], %broadcast_in_dim3A_355 {strides = array<i32>} : memref<96x96xf32, #tpu.memory_space<vmem>>, vector<16xf32>,
        %broadcast_in_dim3A_359 = arith.constant 0.000000e+00 : f32
        %broadcast_in_dim3A_360 = vector.broadcast %broadcast_in_dim3A_359 : f32 to vector<16xf32>
        %swap3A_361 = arith.index_cast %scan3A_348 : i32 to index
        %swap3A_362 = arith.constant 32 : index
        %swap3A_363 = tpu.vector_load %arg12[%swap3A_361, %swap3A_362] {strides = array<i32>} : memref<96x96xf32, #tpu.memory_space<vmem>>, vector<16xf32>,
        tpu.vector_store %arg12[%swap3A_361, %swap3A_362], %broadcast_in_dim3A_360 {strides = array<i32>} : memref<96x96xf32, #tpu.memory_space<vmem>>, vector<16xf32>,
        %broadcast_in_dim3A_364 = arith.constant 0.000000e+00 : f32
        %broadcast_in_dim3A_365 = vector.broadcast %broadcast_in_dim3A_364 : f32 to vector<16xf32>
        %swap3A_366 = arith.index_cast %scan3A_348 : i32 to index
        %swap3A_367 = arith.constant 48 : index
        %swap3A_368 = tpu.vector_load %arg12[%swap3A_366, %swap3A_367] {strides = array<i32>} : memref<96x96xf32, #tpu.memory_space<vmem>>, vector<16xf32>,
        tpu.vector_store %arg12[%swap3A_366, %swap3A_367], %broadcast_in_dim3A_365 {strides = array<i32>} : memref<96x96xf32, #tpu.memory_space<vmem>>, vector<16xf32>,
        %broadcast_in_dim3A_369 = arith.constant 0.000000e+00 : f32
        %broadcast_in_dim3A_370 = vector.broadcast %broadcast_in_dim3A_369 : f32 to vector<16xf32>
        %swap3A_371 = arith.index_cast %scan3A_348 : i32 to index
        %swap3A_372 = arith.constant 64 : index
        %swap3A_373 = tpu.vector_load %arg12[%swap3A_371, %swap3A_372] {strides = array<i32>} : memref<96x96xf32, #tpu.memory_space<vmem>>, vector<16xf32>,
        tpu.vector_store %arg12[%swap3A_371, %swap3A_372], %broadcast_in_dim3A_370 {strides = array<i32>} : memref<96x96xf32, #tpu.memory_space<vmem>>, vector<16xf32>,
        %broadcast_in_dim3A_374 = arith.constant 0.000000e+00 : f32
        %broadcast_in_dim3A_375 = vector.broadcast %broadcast_in_dim3A_374 : f32 to vector<16xf32>
        %swap3A_376 = arith.index_cast %scan3A_348 : i32 to index
        %swap3A_377 = arith.constant 80 : index
        %swap3A_378 = tpu.vector_load %arg12[%swap3A_376, %swap3A_377] {strides = array<i32>} : memref<96x96xf32, #tpu.memory_space<vmem>>, vector<16xf32>,
        tpu.vector_store %arg12[%swap3A_376, %swap3A_377], %broadcast_in_dim3A_375 {strides = array<i32>} : memref<96x96xf32, #tpu.memory_space<vmem>>, vector<16xf32>,
        %scan3A_379 = arith.constant 2 : i32
        %scan3A_380 = arith.addi %scan3A_317, %scan3A_379 : i32
        %broadcast_in_dim3A_381 = arith.constant 0.000000e+00 : f32
        %broadcast_in_dim3A_382 = vector.broadcast %broadcast_in_dim3A_381 : f32 to vector<16xf32>
        %swap3A_383 = arith.index_cast %scan3A_380 : i32 to index
        %swap3A_384 = arith.constant 0 : index
        %swap3A_385 = tpu.vector_load %arg12[%swap3A_383, %swap3A_384] {strides = array<i32>} : memref<96x96xf32, #tpu.memory_space<vmem>>, vector<16xf32>,
        tpu.vector_store %arg12[%swap3A_383, %swap3A_384], %broadcast_in_dim3A_382 {strides = array<i32>} : memref<96x96xf32, #tpu.memory_space<vmem>>, vector<16xf32>,
        %broadcast_in_dim3A_386 = arith.constant 0.000000e+00 : f32
        %broadcast_in_dim3A_387 = vector.broadcast %broadcast_in_dim3A_386 : f32 to vector<16xf32>
        %swap3A_388 = arith.index_cast %scan3A_380 : i32 to index
        %swap3A_389 = arith.constant 16 : index
        %swap3A_390 = tpu.vector_load %arg12[%swap3A_388, %swap3A_389] {strides = array<i32>} : memref<96x96xf32, #tpu.memory_space<vmem>>, vector<16xf32>,
        tpu.vector_store %arg12[%swap3A_388, %swap3A_389], %broadcast_in_dim3A_387 {strides = array<i32>} : memref<96x96xf32, #tpu.memory_space<vmem>>, vector<16xf32>,
        %broadcast_in_dim3A_391 = arith.constant 0.000000e+00 : f32
        %broadcast_in_dim3A_392 = vector.broadcast %broadcast_in_dim3A_391 : f32 to vector<16xf32>
        %swap3A_393 = arith.index_cast %scan3A_380 : i32 to index
        %swap3A_394 = arith.constant 32 : index
        %swap3A_395 = tpu.vector_load %arg12[%swap3A_393, %swap3A_394] {strides = array<i32>} : memref<96x96xf32, #tpu.memory_space<vmem>>, vector<16xf32>,
        tpu.vector_store %arg12[%swap3A_393, %swap3A_394], %broadcast_in_dim3A_392 {strides = array<i32>} : memref<96x96xf32, #tpu.memory_space<vmem>>, vector<16xf32>,
        %broadcast_in_dim3A_396 = arith.constant 0.000000e+00 : f32
        %broadcast_in_dim3A_397 = vector.broadcast %broadcast_in_dim3A_396 : f32 to vector<16xf32>
        %swap3A_398 = arith.index_cast %scan3A_380 : i32 to index
        %swap3A_399 = arith.constant 48 : index
        %swap3A_400 = tpu.vector_load %arg12[%swap3A_398, %swap3A_399] {strides = array<i32>} : memref<96x96xf32, #tpu.memory_space<vmem>>, vector<16xf32>,
        tpu.vector_store %arg12[%swap3A_398, %swap3A_399], %broadcast_in_dim3A_397 {strides = array<i32>} : memref<96x96xf32, #tpu.memory_space<vmem>>, vector<16xf32>,
        %broadcast_in_dim3A_401 = arith.constant 0.000000e+00 : f32
        %broadcast_in_dim3A_402 = vector.broadcast %broadcast_in_dim3A_401 : f32 to vector<16xf32>
        %swap3A_403 = arith.index_cast %scan3A_380 : i32 to index
        %swap3A_404 = arith.constant 64 : index
        %swap3A_405 = tpu.vector_load %arg12[%swap3A_403, %swap3A_404] {strides = array<i32>} : memref<96x96xf32, #tpu.memory_space<vmem>>, vector<16xf32>,
        tpu.vector_store %arg12[%swap3A_403, %swap3A_404], %broadcast_in_dim3A_402 {strides = array<i32>} : memref<96x96xf32, #tpu.memory_space<vmem>>, vector<16xf32>,
        %broadcast_in_dim3A_406 = arith.constant 0.000000e+00 : f32
        %broadcast_in_dim3A_407 = vector.broadcast %broadcast_in_dim3A_406 : f32 to vector<16xf32>
        %swap3A_408 = arith.index_cast %scan3A_380 : i32 to index
        %swap3A_409 = arith.constant 80 : index
        %swap3A_410 = tpu.vector_load %arg12[%swap3A_408, %swap3A_409] {strides = array<i32>} : memref<96x96xf32, #tpu.memory_space<vmem>>, vector<16xf32>,
        tpu.vector_store %arg12[%swap3A_408, %swap3A_409], %broadcast_in_dim3A_407 {strides = array<i32>} : memref<96x96xf32, #tpu.memory_space<vmem>>, vector<16xf32>,
        %scan3A_411 = arith.constant 3 : i32
        %scan3A_412 = arith.addi %scan3A_317, %scan3A_411 : i32
        %broadcast_in_dim3A_413 = arith.constant 0.000000e+00 : f32
        %broadcast_in_dim3A_414 = vector.broadcast %broadcast_in_dim3A_413 : f32 to vector<16xf32>
        %swap3A_415 = arith.index_cast %scan3A_412 : i32 to index
        %swap3A_416 = arith.constant 0 : index
        %swap3A_417 = tpu.vector_load %arg12[%swap3A_415, %swap3A_416] {strides = array<i32>} : memref<96x96xf32, #tpu.memory_space<vmem>>, vector<16xf32>,
        tpu.vector_store %arg12[%swap3A_415, %swap3A_416], %broadcast_in_dim3A_414 {strides = array<i32>} : memref<96x96xf32, #tpu.memory_space<vmem>>, vector<16xf32>,
        %broadcast_in_dim3A_418 = arith.constant 0.000000e+00 : f32
        %broadcast_in_dim3A_419 = vector.broadcast %broadcast_in_dim3A_418 : f32 to vector<16xf32>
        %swap3A_420 = arith.index_cast %scan3A_412 : i32 to index
        %swap3A_421 = arith.constant 16 : index
        %swap3A_422 = tpu.vector_load %arg12[%swap3A_420, %swap3A_421] {strides = array<i32>} : memref<96x96xf32, #tpu.memory_space<vmem>>, vector<16xf32>,
        tpu.vector_store %arg12[%swap3A_420, %swap3A_421], %broadcast_in_dim3A_419 {strides = array<i32>} : memref<96x96xf32, #tpu.memory_space<vmem>>, vector<16xf32>,
        %broadcast_in_dim3A_423 = arith.constant 0.000000e+00 : f32
        %broadcast_in_dim3A_424 = vector.broadcast %broadcast_in_dim3A_423 : f32 to vector<16xf32>
        %swap3A_425 = arith.index_cast %scan3A_412 : i32 to index
        %swap3A_426 = arith.constant 32 : index
        %swap3A_427 = tpu.vector_load %arg12[%swap3A_425, %swap3A_426] {strides = array<i32>} : memref<96x96xf32, #tpu.memory_space<vmem>>, vector<16xf32>,
        tpu.vector_store %arg12[%swap3A_425, %swap3A_426], %broadcast_in_dim3A_424 {strides = array<i32>} : memref<96x96xf32, #tpu.memory_space<vmem>>, vector<16xf32>,
        %broadcast_in_dim3A_428 = arith.constant 0.000000e+00 : f32
        %broadcast_in_dim3A_429 = vector.broadcast %broadcast_in_dim3A_428 : f32 to vector<16xf32>
        %swap3A_430 = arith.index_cast %scan3A_412 : i32 to index
        %swap3A_431 = arith.constant 48 : index
        %swap3A_432 = tpu.vector_load %arg12[%swap3A_430, %swap3A_431] {strides = array<i32>} : memref<96x96xf32, #tpu.memory_space<vmem>>, vector<16xf32>,
        tpu.vector_store %arg12[%swap3A_430, %swap3A_431], %broadcast_in_dim3A_429 {strides = array<i32>} : memref<96x96xf32, #tpu.memory_space<vmem>>, vector<16xf32>,
        %broadcast_in_dim3A_433 = arith.constant 0.000000e+00 : f32
        %broadcast_in_dim3A_434 = vector.broadcast %broadcast_in_dim3A_433 : f32 to vector<16xf32>
        %swap3A_435 = arith.index_cast %scan3A_412 : i32 to index
        %swap3A_436 = arith.constant 64 : index
        %swap3A_437 = tpu.vector_load %arg12[%swap3A_435, %swap3A_436] {strides = array<i32>} : memref<96x96xf32, #tpu.memory_space<vmem>>, vector<16xf32>,
        tpu.vector_store %arg12[%swap3A_435, %swap3A_436], %broadcast_in_dim3A_434 {strides = array<i32>} : memref<96x96xf32, #tpu.memory_space<vmem>>, vector<16xf32>,
        %broadcast_in_dim3A_438 = arith.constant 0.000000e+00 : f32
        %broadcast_in_dim3A_439 = vector.broadcast %broadcast_in_dim3A_438 : f32 to vector<16xf32>
        %swap3A_440 = arith.index_cast %scan3A_412 : i32 to index
        %swap3A_441 = arith.constant 80 : index
        %swap3A_442 = tpu.vector_load %arg12[%swap3A_440, %swap3A_441] {strides = array<i32>} : memref<96x96xf32, #tpu.memory_space<vmem>>, vector<16xf32>,
        tpu.vector_store %arg12[%swap3A_440, %swap3A_441], %broadcast_in_dim3A_439 {strides = array<i32>} : memref<96x96xf32, #tpu.memory_space<vmem>>, vector<16xf32>,
        %scan3A_443 = arith.constant 4 : i32
        %scan3A_444 = arith.addi %scan3A_317, %scan3A_443 : i32
        %broadcast_in_dim3A_445 = arith.constant 0.000000e+00 : f32
        %broadcast_in_dim3A_446 = vector.broadcast %broadcast_in_dim3A_445 : f32 to vector<16xf32>
        %swap3A_447 = arith.index_cast %scan3A_444 : i32 to index
        %swap3A_448 = arith.constant 0 : index
        %swap3A_449 = tpu.vector_load %arg12[%swap3A_447, %swap3A_448] {strides = array<i32>} : memref<96x96xf32, #tpu.memory_space<vmem>>, vector<16xf32>,
        tpu.vector_store %arg12[%swap3A_447, %swap3A_448], %broadcast_in_dim3A_446 {strides = array<i32>} : memref<96x96xf32, #tpu.memory_space<vmem>>, vector<16xf32>,
        %broadcast_in_dim3A_450 = arith.constant 0.000000e+00 : f32
        %broadcast_in_dim3A_451 = vector.broadcast %broadcast_in_dim3A_450 : f32 to vector<16xf32>
        %swap3A_452 = arith.index_cast %scan3A_444 : i32 to index
        %swap3A_453 = arith.constant 16 : index
        %swap3A_454 = tpu.vector_load %arg12[%swap3A_452, %swap3A_453] {strides = array<i32>} : memref<96x96xf32, #tpu.memory_space<vmem>>, vector<16xf32>,
        tpu.vector_store %arg12[%swap3A_452, %swap3A_453], %broadcast_in_dim3A_451 {strides = array<i32>} : memref<96x96xf32, #tpu.memory_space<vmem>>, vector<16xf32>,
        %broadcast_in_dim3A_455 = arith.constant 0.000000e+00 : f32
        %broadcast_in_dim3A_456 = vector.broadcast %broadcast_in_dim3A_455 : f32 to vector<16xf32>
        %swap3A_457 = arith.index_cast %scan3A_444 : i32 to index
        %swap3A_458 = arith.constant 32 : index
        %swap3A_459 = tpu.vector_load %arg12[%swap3A_457, %swap3A_458] {strides = array<i32>} : memref<96x96xf32, #tpu.memory_space<vmem>>, vector<16xf32>,
        tpu.vector_store %arg12[%swap3A_457, %swap3A_458], %broadcast_in_dim3A_456 {strides = array<i32>} : memref<96x96xf32, #tpu.memory_space<vmem>>, vector<16xf32>,
        %broadcast_in_dim3A_460 = arith.constant 0.000000e+00 : f32
        %broadcast_in_dim3A_461 = vector.broadcast %broadcast_in_dim3A_460 : f32 to vector<16xf32>
        %swap3A_462 = arith.index_cast %scan3A_444 : i32 to index
        %swap3A_463 = arith.constant 48 : index
        %swap3A_464 = tpu.vector_load %arg12[%swap3A_462, %swap3A_463] {strides = array<i32>} : memref<96x96xf32, #tpu.memory_space<vmem>>, vector<16xf32>,
        tpu.vector_store %arg12[%swap3A_462, %swap3A_463], %broadcast_in_dim3A_461 {strides = array<i32>} : memref<96x96xf32, #tpu.memory_space<vmem>>, vector<16xf32>,
        %broadcast_in_dim3A_465 = arith.constant 0.000000e+00 : f32
        %broadcast_in_dim3A_466 = vector.broadcast %broadcast_in_dim3A_465 : f32 to vector<16xf32>
        %swap3A_467 = arith.index_cast %scan3A_444 : i32 to index
        %swap3A_468 = arith.constant 64 : index
        %swap3A_469 = tpu.vector_load %arg12[%swap3A_467, %swap3A_468] {strides = array<i32>} : memref<96x96xf32, #tpu.memory_space<vmem>>, vector<16xf32>,
        tpu.vector_store %arg12[%swap3A_467, %swap3A_468], %broadcast_in_dim3A_466 {strides = array<i32>} : memref<96x96xf32, #tpu.memory_space<vmem>>, vector<16xf32>,
        %broadcast_in_dim3A_470 = arith.constant 0.000000e+00 : f32
        %broadcast_in_dim3A_471 = vector.broadcast %broadcast_in_dim3A_470 : f32 to vector<16xf32>
        %swap3A_472 = arith.index_cast %scan3A_444 : i32 to index
        %swap3A_473 = arith.constant 80 : index
        %swap3A_474 = tpu.vector_load %arg12[%swap3A_472, %swap3A_473] {strides = array<i32>} : memref<96x96xf32, #tpu.memory_space<vmem>>, vector<16xf32>,
        tpu.vector_store %arg12[%swap3A_472, %swap3A_473], %broadcast_in_dim3A_471 {strides = array<i32>} : memref<96x96xf32, #tpu.memory_space<vmem>>, vector<16xf32>,
        %scan3A_475 = arith.constant 5 : i32
        %scan3A_476 = arith.addi %scan3A_317, %scan3A_475 : i32
        %broadcast_in_dim3A_477 = arith.constant 0.000000e+00 : f32
        %broadcast_in_dim3A_478 = vector.broadcast %broadcast_in_dim3A_477 : f32 to vector<16xf32>
        %swap3A_479 = arith.index_cast %scan3A_476 : i32 to index
        %swap3A_480 = arith.constant 0 : index
        %swap3A_481 = tpu.vector_load %arg12[%swap3A_479, %swap3A_480] {strides = array<i32>} : memref<96x96xf32, #tpu.memory_space<vmem>>, vector<16xf32>,
        tpu.vector_store %arg12[%swap3A_479, %swap3A_480], %broadcast_in_dim3A_478 {strides = array<i32>} : memref<96x96xf32, #tpu.memory_space<vmem>>, vector<16xf32>,
        %broadcast_in_dim3A_482 = arith.constant 0.000000e+00 : f32
        %broadcast_in_dim3A_483 = vector.broadcast %broadcast_in_dim3A_482 : f32 to vector<16xf32>
        %swap3A_484 = arith.index_cast %scan3A_476 : i32 to index
        %swap3A_485 = arith.constant 16 : index
        %swap3A_486 = tpu.vector_load %arg12[%swap3A_484, %swap3A_485] {strides = array<i32>} : memref<96x96xf32, #tpu.memory_space<vmem>>, vector<16xf32>,
        tpu.vector_store %arg12[%swap3A_484, %swap3A_485], %broadcast_in_dim3A_483 {strides = array<i32>} : memref<96x96xf32, #tpu.memory_space<vmem>>, vector<16xf32>,
        %broadcast_in_dim3A_487 = arith.constant 0.000000e+00 : f32
        %broadcast_in_dim3A_488 = vector.broadcast %broadcast_in_dim3A_487 : f32 to vector<16xf32>
        %swap3A_489 = arith.index_cast %scan3A_476 : i32 to index
        %swap3A_490 = arith.constant 32 : index
        %swap3A_491 = tpu.vector_load %arg12[%swap3A_489, %swap3A_490] {strides = array<i32>} : memref<96x96xf32, #tpu.memory_space<vmem>>, vector<16xf32>,
        tpu.vector_store %arg12[%swap3A_489, %swap3A_490], %broadcast_in_dim3A_488 {strides = array<i32>} : memref<96x96xf32, #tpu.memory_space<vmem>>, vector<16xf32>,
        %broadcast_in_dim3A_492 = arith.constant 0.000000e+00 : f32
        %broadcast_in_dim3A_493 = vector.broadcast %broadcast_in_dim3A_492 : f32 to vector<16xf32>
        %swap3A_494 = arith.index_cast %scan3A_476 : i32 to index
        %swap3A_495 = arith.constant 48 : index
        %swap3A_496 = tpu.vector_load %arg12[%swap3A_494, %swap3A_495] {strides = array<i32>} : memref<96x96xf32, #tpu.memory_space<vmem>>, vector<16xf32>,
        tpu.vector_store %arg12[%swap3A_494, %swap3A_495], %broadcast_in_dim3A_493 {strides = array<i32>} : memref<96x96xf32, #tpu.memory_space<vmem>>, vector<16xf32>,
        %broadcast_in_dim3A_497 = arith.constant 0.000000e+00 : f32
        %broadcast_in_dim3A_498 = vector.broadcast %broadcast_in_dim3A_497 : f32 to vector<16xf32>
        %swap3A_499 = arith.index_cast %scan3A_476 : i32 to index
        %swap3A_500 = arith.constant 64 : index
        %swap3A_501 = tpu.vector_load %arg12[%swap3A_499, %swap3A_500] {strides = array<i32>} : memref<96x96xf32, #tpu.memory_space<vmem>>, vector<16xf32>,
        tpu.vector_store %arg12[%swap3A_499, %swap3A_500], %broadcast_in_dim3A_498 {strides = array<i32>} : memref<96x96xf32, #tpu.memory_space<vmem>>, vector<16xf32>,
        %broadcast_in_dim3A_502 = arith.constant 0.000000e+00 : f32
        %broadcast_in_dim3A_503 = vector.broadcast %broadcast_in_dim3A_502 : f32 to vector<16xf32>
        %swap3A_504 = arith.index_cast %scan3A_476 : i32 to index
        %swap3A_505 = arith.constant 80 : index
        %swap3A_506 = tpu.vector_load %arg12[%swap3A_504, %swap3A_505] {strides = array<i32>} : memref<96x96xf32, #tpu.memory_space<vmem>>, vector<16xf32>,
        tpu.vector_store %arg12[%swap3A_504, %swap3A_505], %broadcast_in_dim3A_503 {strides = array<i32>} : memref<96x96xf32, #tpu.memory_space<vmem>>, vector<16xf32>,
        %scan3A_507 = arith.constant 6 : i32
        %scan3A_508 = arith.addi %scan3A_317, %scan3A_507 : i32
        %broadcast_in_dim3A_509 = arith.constant 0.000000e+00 : f32
        %broadcast_in_dim3A_510 = vector.broadcast %broadcast_in_dim3A_509 : f32 to vector<16xf32>
        %swap3A_511 = arith.index_cast %scan3A_508 : i32 to index
        %swap3A_512 = arith.constant 0 : index
        %swap3A_513 = tpu.vector_load %arg12[%swap3A_511, %swap3A_512] {strides = array<i32>} : memref<96x96xf32, #tpu.memory_space<vmem>>, vector<16xf32>,
        tpu.vector_store %arg12[%swap3A_511, %swap3A_512], %broadcast_in_dim3A_510 {strides = array<i32>} : memref<96x96xf32, #tpu.memory_space<vmem>>, vector<16xf32>,
        %broadcast_in_dim3A_514 = arith.constant 0.000000e+00 : f32
        %broadcast_in_dim3A_515 = vector.broadcast %broadcast_in_dim3A_514 : f32 to vector<16xf32>
        %swap3A_516 = arith.index_cast %scan3A_508 : i32 to index
        %swap3A_517 = arith.constant 16 : index
        %swap3A_518 = tpu.vector_load %arg12[%swap3A_516, %swap3A_517] {strides = array<i32>} : memref<96x96xf32, #tpu.memory_space<vmem>>, vector<16xf32>,
        tpu.vector_store %arg12[%swap3A_516, %swap3A_517], %broadcast_in_dim3A_515 {strides = array<i32>} : memref<96x96xf32, #tpu.memory_space<vmem>>, vector<16xf32>,
        %broadcast_in_dim3A_519 = arith.constant 0.000000e+00 : f32
        %broadcast_in_dim3A_520 = vector.broadcast %broadcast_in_dim3A_519 : f32 to vector<16xf32>
        %swap3A_521 = arith.index_cast %scan3A_508 : i32 to index
        %swap3A_522 = arith.constant 32 : index
        %swap3A_523 = tpu.vector_load %arg12[%swap3A_521, %swap3A_522] {strides = array<i32>} : memref<96x96xf32, #tpu.memory_space<vmem>>, vector<16xf32>,
        tpu.vector_store %arg12[%swap3A_521, %swap3A_522], %broadcast_in_dim3A_520 {strides = array<i32>} : memref<96x96xf32, #tpu.memory_space<vmem>>, vector<16xf32>,
        %broadcast_in_dim3A_524 = arith.constant 0.000000e+00 : f32
        %broadcast_in_dim3A_525 = vector.broadcast %broadcast_in_dim3A_524 : f32 to vector<16xf32>
        %swap3A_526 = arith.index_cast %scan3A_508 : i32 to index
        %swap3A_527 = arith.constant 48 : index
        %swap3A_528 = tpu.vector_load %arg12[%swap3A_526, %swap3A_527] {strides = array<i32>} : memref<96x96xf32, #tpu.memory_space<vmem>>, vector<16xf32>,
        tpu.vector_store %arg12[%swap3A_526, %swap3A_527], %broadcast_in_dim3A_525 {strides = array<i32>} : memref<96x96xf32, #tpu.memory_space<vmem>>, vector<16xf32>,
        %broadcast_in_dim3A_529 = arith.constant 0.000000e+00 : f32
        %broadcast_in_dim3A_530 = vector.broadcast %broadcast_in_dim3A_529 : f32 to vector<16xf32>
        %swap3A_531 = arith.index_cast %scan3A_508 : i32 to index
        %swap3A_532 = arith.constant 64 : index
        %swap3A_533 = tpu.vector_load %arg12[%swap3A_531, %swap3A_532] {strides = array<i32>} : memref<96x96xf32, #tpu.memory_space<vmem>>, vector<16xf32>,
        tpu.vector_store %arg12[%swap3A_531, %swap3A_532], %broadcast_in_dim3A_530 {strides = array<i32>} : memref<96x96xf32, #tpu.memory_space<vmem>>, vector<16xf32>,
        %broadcast_in_dim3A_534 = arith.constant 0.000000e+00 : f32
        %broadcast_in_dim3A_535 = vector.broadcast %broadcast_in_dim3A_534 : f32 to vector<16xf32>
        %swap3A_536 = arith.index_cast %scan3A_508 : i32 to index
        %swap3A_537 = arith.constant 80 : index
        %swap3A_538 = tpu.vector_load %arg12[%swap3A_536, %swap3A_537] {strides = array<i32>} : memref<96x96xf32, #tpu.memory_space<vmem>>, vector<16xf32>,
        tpu.vector_store %arg12[%swap3A_536, %swap3A_537], %broadcast_in_dim3A_535 {strides = array<i32>} : memref<96x96xf32, #tpu.memory_space<vmem>>, vector<16xf32>,
        %scan3A_539 = arith.constant 7 : i32
        %scan3A_540 = arith.addi %scan3A_317, %scan3A_539 : i32
        %broadcast_in_dim3A_541 = arith.constant 0.000000e+00 : f32
        %broadcast_in_dim3A_542 = vector.broadcast %broadcast_in_dim3A_541 : f32 to vector<16xf32>
        %swap3A_543 = arith.index_cast %scan3A_540 : i32 to index
        %swap3A_544 = arith.constant 0 : index
        %swap3A_545 = tpu.vector_load %arg12[%swap3A_543, %swap3A_544] {strides = array<i32>} : memref<96x96xf32, #tpu.memory_space<vmem>>, vector<16xf32>,
        tpu.vector_store %arg12[%swap3A_543, %swap3A_544], %broadcast_in_dim3A_542 {strides = array<i32>} : memref<96x96xf32, #tpu.memory_space<vmem>>, vector<16xf32>,
        %broadcast_in_dim3A_546 = arith.constant 0.000000e+00 : f32
        %broadcast_in_dim3A_547 = vector.broadcast %broadcast_in_dim3A_546 : f32 to vector<16xf32>
        %swap3A_548 = arith.index_cast %scan3A_540 : i32 to index
        %swap3A_549 = arith.constant 16 : index
        %swap3A_550 = tpu.vector_load %arg12[%swap3A_548, %swap3A_549] {strides = array<i32>} : memref<96x96xf32, #tpu.memory_space<vmem>>, vector<16xf32>,
        tpu.vector_store %arg12[%swap3A_548, %swap3A_549], %broadcast_in_dim3A_547 {strides = array<i32>} : memref<96x96xf32, #tpu.memory_space<vmem>>, vector<16xf32>,
        %broadcast_in_dim3A_551 = arith.constant 0.000000e+00 : f32
        %broadcast_in_dim3A_552 = vector.broadcast %broadcast_in_dim3A_551 : f32 to vector<16xf32>
        %swap3A_553 = arith.index_cast %scan3A_540 : i32 to index
        %swap3A_554 = arith.constant 32 : index
        %swap3A_555 = tpu.vector_load %arg12[%swap3A_553, %swap3A_554] {strides = array<i32>} : memref<96x96xf32, #tpu.memory_space<vmem>>, vector<16xf32>,
        tpu.vector_store %arg12[%swap3A_553, %swap3A_554], %broadcast_in_dim3A_552 {strides = array<i32>} : memref<96x96xf32, #tpu.memory_space<vmem>>, vector<16xf32>,
        %broadcast_in_dim3A_556 = arith.constant 0.000000e+00 : f32
        %broadcast_in_dim3A_557 = vector.broadcast %broadcast_in_dim3A_556 : f32 to vector<16xf32>
        %swap3A_558 = arith.index_cast %scan3A_540 : i32 to index
        %swap3A_559 = arith.constant 48 : index
        %swap3A_560 = tpu.vector_load %arg12[%swap3A_558, %swap3A_559] {strides = array<i32>} : memref<96x96xf32, #tpu.memory_space<vmem>>, vector<16xf32>,
        tpu.vector_store %arg12[%swap3A_558, %swap3A_559], %broadcast_in_dim3A_557 {strides = array<i32>} : memref<96x96xf32, #tpu.memory_space<vmem>>, vector<16xf32>,
        %broadcast_in_dim3A_561 = arith.constant 0.000000e+00 : f32
        %broadcast_in_dim3A_562 = vector.broadcast %broadcast_in_dim3A_561 : f32 to vector<16xf32>
        %swap3A_563 = arith.index_cast %scan3A_540 : i32 to index
        %swap3A_564 = arith.constant 64 : index
        %swap3A_565 = tpu.vector_load %arg12[%swap3A_563, %swap3A_564] {strides = array<i32>} : memref<96x96xf32, #tpu.memory_space<vmem>>, vector<16xf32>,
        tpu.vector_store %arg12[%swap3A_563, %swap3A_564], %broadcast_in_dim3A_562 {strides = array<i32>} : memref<96x96xf32, #tpu.memory_space<vmem>>, vector<16xf32>,
        %broadcast_in_dim3A_566 = arith.constant 0.000000e+00 : f32
        %broadcast_in_dim3A_567 = vector.broadcast %broadcast_in_dim3A_566 : f32 to vector<16xf32>
        %swap3A_568 = arith.index_cast %scan3A_540 : i32 to index
        %swap3A_569 = arith.constant 80 : index
        %swap3A_570 = tpu.vector_load %arg12[%swap3A_568, %swap3A_569] {strides = array<i32>} : memref<96x96xf32, #tpu.memory_space<vmem>>, vector<16xf32>,
        tpu.vector_store %arg12[%swap3A_568, %swap3A_569], %broadcast_in_dim3A_567 {strides = array<i32>} : memref<96x96xf32, #tpu.memory_space<vmem>>, vector<16xf32>,
      }
      %scan3A_56 = arith.constant 96 : i32
      %add3A_57 = arith.constant 0 : i32
      %add3A_58 = vector.broadcast %add3A_57 : i32 to vector<16xi32>
      %add3A_59 = arith.addi %iota3A, %add3A_58 : vector<16xi32>
      tpu.vector_store_idx %arg12[%add3A_59, %add3A_59], %broadcast_in_dim3A_20 {add = true} : memref<96x96xf32, #tpu.memory_space<vmem>>[vector<16xi32>, vector<16xi32>], vector<16xf32>,
      %add3A_60 = arith.constant 16 : i32
      %add3A_61 = vector.broadcast %add3A_60 : i32 to vector<16xi32>
      %add3A_62 = arith.addi %iota3A, %add3A_61 : vector<16xi32>
      tpu.vector_store_idx %arg12[%add3A_62, %add3A_62], %broadcast_in_dim3A_20 {add = true} : memref<96x96xf32, #tpu.memory_space<vmem>>[vector<16xi32>, vector<16xi32>], vector<16xf32>,
      %add3A_63 = arith.constant 32 : i32
      %add3A_64 = vector.broadcast %add3A_63 : i32 to vector<16xi32>
      %add3A_65 = arith.addi %iota3A, %add3A_64 : vector<16xi32>
      tpu.vector_store_idx %arg12[%add3A_65, %add3A_65], %broadcast_in_dim3A_20 {add = true} : memref<96x96xf32, #tpu.memory_space<vmem>>[vector<16xi32>, vector<16xi32>], vector<16xf32>,
      %add3A_66 = arith.constant 48 : i32
      %add3A_67 = vector.broadcast %add3A_66 : i32 to vector<16xi32>
      %add3A_68 = arith.addi %iota3A, %add3A_67 : vector<16xi32>
      tpu.vector_store_idx %arg12[%add3A_68, %add3A_68], %broadcast_in_dim3A_20 {add = true} : memref<96x96xf32, #tpu.memory_space<vmem>>[vector<16xi32>, vector<16xi32>], vector<16xf32>,
      %add3A_69 = arith.constant 64 : i32
      %add3A_70 = vector.broadcast %add3A_69 : i32 to vector<16xi32>
      %add3A_71 = arith.addi %iota3A, %add3A_70 : vector<16xi32>
      tpu.vector_store_idx %arg12[%add3A_71, %add3A_71], %broadcast_in_dim3A_20 {add = true} : memref<96x96xf32, #tpu.memory_space<vmem>>[vector<16xi32>, vector<16xi32>], vector<16xf32>,
      %add3A_72 = arith.constant 80 : i32
      %add3A_73 = vector.broadcast %add3A_72 : i32 to vector<16xi32>
      %add3A_74 = arith.addi %iota3A, %add3A_73 : vector<16xi32>
      tpu.vector_store_idx %arg12[%add3A_74, %add3A_74], %broadcast_in_dim3A_20 {add = true} : memref<96x96xf32, #tpu.memory_space<vmem>>[vector<16xi32>, vector<16xi32>], vector<16xf32>,
      %dma_wait3A_75 = arith.constant 0 : i32
      %dma_wait3A_76 = tpu.memref_slice %arg2[%dma_wait3A_75] : memref<1474560xi32, #tpu.memory_space<hbm>> -> memref<2880xi32, #tpu.memory_space<hbm>>
      %dma_wait3A_77 = arith.constant 0 : i32
      %dma_wait3A_78 = tpu.memref_slice %arg2[%dma_wait3A_77] : memref<1474560xi32, #tpu.memory_space<hbm>> -> memref<2880xi32, #tpu.memory_space<hbm>>
      tpu.wait_dma2 semaphore(%arg14 : memref<!tpu.dma_semaphore, #tpu.memory_space<semaphore_mem>>) src(%dma_wait3A_78 : memref<2880xi32, #tpu.memory_space<hbm>>) dst(%arg6 : memref<2880xi32, #tpu.memory_space<vmem>>)
      %dma_wait3A_79 = arith.constant 0 : i32
      %dma_wait3A_80 = tpu.memref_slice %arg3[%dma_wait3A_79] : memref<1474560xi32, #tpu.memory_space<hbm>> -> memref<2880xi32, #tpu.memory_space<hbm>>
      %dma_wait3A_81 = arith.constant 0 : i32
      %dma_wait3A_82 = tpu.memref_slice %arg3[%dma_wait3A_81] : memref<1474560xi32, #tpu.memory_space<hbm>> -> memref<2880xi32, #tpu.memory_space<hbm>>
      tpu.wait_dma2 semaphore(%arg14 : memref<!tpu.dma_semaphore, #tpu.memory_space<semaphore_mem>>) src(%dma_wait3A_82 : memref<2880xi32, #tpu.memory_space<hbm>>) dst(%arg8 : memref<2880xi32, #tpu.memory_space<vmem>>)
      %dma_wait3A_83 = arith.constant 0 : i32
      %dma_wait3A_84 = tpu.memref_slice %arg4[%dma_wait3A_83] : memref<1474560xf32, #tpu.memory_space<hbm>> -> memref<2880xf32, #tpu.memory_space<hbm>>
      %dma_wait3A_85 = arith.constant 0 : i32
      %dma_wait3A_86 = tpu.memref_slice %arg4[%dma_wait3A_85] : memref<1474560xf32, #tpu.memory_space<hbm>> -> memref<2880xf32, #tpu.memory_space<hbm>>
      tpu.wait_dma2 semaphore(%arg14 : memref<!tpu.dma_semaphore, #tpu.memory_space<semaphore_mem>>) src(%dma_wait3A_86 : memref<2880xf32, #tpu.memory_space<hbm>>) dst(%arg10 : memref<2880xf32, #tpu.memory_space<vmem>>)
      %mul3A_87 = arith.constant 90 : i32
      %mul3A_88 = arith.muli %add3A_46, %mul3A_87 : i32
      %scan3A_89 = arith.constant 0 : i32
      %scan3A_90 = arith.constant 0 : i32
      %scan3A_91 = arith.constant 176 : i32
      %scan3A_92 = arith.addi %scan3A_90, %scan3A_91 : i32
      %scan3A_93 = arith.constant 8 : i32
      scf.for %scan3A_317 = %scan3A_90 to %scan3A_92 step %scan3A_93  : i32 {
        %mul3A_318 = arith.constant 16 : i32
        %mul3A_319 = arith.muli %scan3A_317, %mul3A_318 : i32
        %get3A_320 = arith.index_cast %mul3A_319 : i32 to index
        %get3A_321 = tpu.vector_load %arg6[%get3A_320] {strides = array<i32>} : memref<2880xi32, #tpu.memory_space<vmem>>, vector<16xi32>,
        %sub3A_322 = vector.broadcast %mul3A_88 : i32 to vector<16xi32>
        %sub3A_323 = arith.subi %get3A_321, %sub3A_322 : vector<16xi32>
        %mul3A_324 = arith.constant 16 : i32
        %mul3A_325 = arith.muli %scan3A_317, %mul3A_324 : i32
        %get3A_326 = arith.index_cast %mul3A_325 : i32 to index
        %get3A_327 = tpu.vector_load %arg8[%get3A_326] {strides = array<i32>} : memref<2880xi32, #tpu.memory_space<vmem>>, vector<16xi32>,
        %sub3A_328 = vector.broadcast %mul3A_88 : i32 to vector<16xi32>
        %sub3A_329 = arith.subi %get3A_327, %sub3A_328 : vector<16xi32>
        %mul3A_330 = arith.constant 16 : i32
        %mul3A_331 = arith.muli %scan3A_317, %mul3A_330 : i32
        %get3A_332 = arith.index_cast %mul3A_331 : i32 to index
        %get3A_333 = tpu.vector_load %arg10[%get3A_332] {strides = array<i32>} : memref<2880xf32, #tpu.memory_space<vmem>>, vector<16xf32>,
        tpu.vector_store_idx %arg12[%sub3A_329, %sub3A_323], %get3A_333 {add = true} : memref<96x96xf32, #tpu.memory_space<vmem>>[vector<16xi32>, vector<16xi32>], vector<16xf32>,
        %scan3A_334 = arith.constant 1 : i32
        %scan3A_335 = arith.addi %scan3A_317, %scan3A_334 : i32
        %mul3A_336 = arith.constant 16 : i32
        %mul3A_337 = arith.muli %scan3A_335, %mul3A_336 : i32
        %get3A_338 = arith.index_cast %mul3A_337 : i32 to index
        %get3A_339 = tpu.vector_load %arg6[%get3A_338] {strides = array<i32>} : memref<2880xi32, #tpu.memory_space<vmem>>, vector<16xi32>,
        %sub3A_340 = vector.broadcast %mul3A_88 : i32 to vector<16xi32>
        %sub3A_341 = arith.subi %get3A_339, %sub3A_340 : vector<16xi32>
        %mul3A_342 = arith.constant 16 : i32
        %mul3A_343 = arith.muli %scan3A_335, %mul3A_342 : i32
        %get3A_344 = arith.index_cast %mul3A_343 : i32 to index
        %get3A_345 = tpu.vector_load %arg8[%get3A_344] {strides = array<i32>} : memref<2880xi32, #tpu.memory_space<vmem>>, vector<16xi32>,
        %sub3A_346 = vector.broadcast %mul3A_88 : i32 to vector<16xi32>
        %sub3A_347 = arith.subi %get3A_345, %sub3A_346 : vector<16xi32>
        %mul3A_348 = arith.constant 16 : i32
        %mul3A_349 = arith.muli %scan3A_335, %mul3A_348 : i32
        %get3A_350 = arith.index_cast %mul3A_349 : i32 to index
        %get3A_351 = tpu.vector_load %arg10[%get3A_350] {strides = array<i32>} : memref<2880xf32, #tpu.memory_space<vmem>>, vector<16xf32>,
        tpu.vector_store_idx %arg12[%sub3A_347, %sub3A_341], %get3A_351 {add = true} : memref<96x96xf32, #tpu.memory_space<vmem>>[vector<16xi32>, vector<16xi32>], vector<16xf32>,
        %scan3A_352 = arith.constant 2 : i32
        %scan3A_353 = arith.addi %scan3A_317, %scan3A_352 : i32
        %mul3A_354 = arith.constant 16 : i32
        %mul3A_355 = arith.muli %scan3A_353, %mul3A_354 : i32
        %get3A_356 = arith.index_cast %mul3A_355 : i32 to index
        %get3A_357 = tpu.vector_load %arg6[%get3A_356] {strides = array<i32>} : memref<2880xi32, #tpu.memory_space<vmem>>, vector<16xi32>,
        %sub3A_358 = vector.broadcast %mul3A_88 : i32 to vector<16xi32>
        %sub3A_359 = arith.subi %get3A_357, %sub3A_358 : vector<16xi32>
        %mul3A_360 = arith.constant 16 : i32
        %mul3A_361 = arith.muli %scan3A_353, %mul3A_360 : i32
        %get3A_362 = arith.index_cast %mul3A_361 : i32 to index
        %get3A_363 = tpu.vector_load %arg8[%get3A_362] {strides = array<i32>} : memref<2880xi32, #tpu.memory_space<vmem>>, vector<16xi32>,
        %sub3A_364 = vector.broadcast %mul3A_88 : i32 to vector<16xi32>
        %sub3A_365 = arith.subi %get3A_363, %sub3A_364 : vector<16xi32>
        %mul3A_366 = arith.constant 16 : i32
        %mul3A_367 = arith.muli %scan3A_353, %mul3A_366 : i32
        %get3A_368 = arith.index_cast %mul3A_367 : i32 to index
        %get3A_369 = tpu.vector_load %arg10[%get3A_368] {strides = array<i32>} : memref<2880xf32, #tpu.memory_space<vmem>>, vector<16xf32>,
        tpu.vector_store_idx %arg12[%sub3A_365, %sub3A_359], %get3A_369 {add = true} : memref<96x96xf32, #tpu.memory_space<vmem>>[vector<16xi32>, vector<16xi32>], vector<16xf32>,
        %scan3A_370 = arith.constant 3 : i32
        %scan3A_371 = arith.addi %scan3A_317, %scan3A_370 : i32
        %mul3A_372 = arith.constant 16 : i32
        %mul3A_373 = arith.muli %scan3A_371, %mul3A_372 : i32
        %get3A_374 = arith.index_cast %mul3A_373 : i32 to index
        %get3A_375 = tpu.vector_load %arg6[%get3A_374] {strides = array<i32>} : memref<2880xi32, #tpu.memory_space<vmem>>, vector<16xi32>,
        %sub3A_376 = vector.broadcast %mul3A_88 : i32 to vector<16xi32>
        %sub3A_377 = arith.subi %get3A_375, %sub3A_376 : vector<16xi32>
        %mul3A_378 = arith.constant 16 : i32
        %mul3A_379 = arith.muli %scan3A_371, %mul3A_378 : i32
        %get3A_380 = arith.index_cast %mul3A_379 : i32 to index
        %get3A_381 = tpu.vector_load %arg8[%get3A_380] {strides = array<i32>} : memref<2880xi32, #tpu.memory_space<vmem>>, vector<16xi32>,
        %sub3A_382 = vector.broadcast %mul3A_88 : i32 to vector<16xi32>
        %sub3A_383 = arith.subi %get3A_381, %sub3A_382 : vector<16xi32>
        %mul3A_384 = arith.constant 16 : i32
        %mul3A_385 = arith.muli %scan3A_371, %mul3A_384 : i32
        %get3A_386 = arith.index_cast %mul3A_385 : i32 to index
        %get3A_387 = tpu.vector_load %arg10[%get3A_386] {strides = array<i32>} : memref<2880xf32, #tpu.memory_space<vmem>>, vector<16xf32>,
        tpu.vector_store_idx %arg12[%sub3A_383, %sub3A_377], %get3A_387 {add = true} : memref<96x96xf32, #tpu.memory_space<vmem>>[vector<16xi32>, vector<16xi32>], vector<16xf32>,
        %scan3A_388 = arith.constant 4 : i32
        %scan3A_389 = arith.addi %scan3A_317, %scan3A_388 : i32
        %mul3A_390 = arith.constant 16 : i32
        %mul3A_391 = arith.muli %scan3A_389, %mul3A_390 : i32
        %get3A_392 = arith.index_cast %mul3A_391 : i32 to index
        %get3A_393 = tpu.vector_load %arg6[%get3A_392] {strides = array<i32>} : memref<2880xi32, #tpu.memory_space<vmem>>, vector<16xi32>,
        %sub3A_394 = vector.broadcast %mul3A_88 : i32 to vector<16xi32>
        %sub3A_395 = arith.subi %get3A_393, %sub3A_394 : vector<16xi32>
        %mul3A_396 = arith.constant 16 : i32
        %mul3A_397 = arith.muli %scan3A_389, %mul3A_396 : i32
        %get3A_398 = arith.index_cast %mul3A_397 : i32 to index
        %get3A_399 = tpu.vector_load %arg8[%get3A_398] {strides = array<i32>} : memref<2880xi32, #tpu.memory_space<vmem>>, vector<16xi32>,
        %sub3A_400 = vector.broadcast %mul3A_88 : i32 to vector<16xi32>
        %sub3A_401 = arith.subi %get3A_399, %sub3A_400 : vector<16xi32>
        %mul3A_402 = arith.constant 16 : i32
        %mul3A_403 = arith.muli %scan3A_389, %mul3A_402 : i32
        %get3A_404 = arith.index_cast %mul3A_403 : i32 to index
        %get3A_405 = tpu.vector_load %arg10[%get3A_404] {strides = array<i32>} : memref<2880xf32, #tpu.memory_space<vmem>>, vector<16xf32>,
        tpu.vector_store_idx %arg12[%sub3A_401, %sub3A_395], %get3A_405 {add = true} : memref<96x96xf32, #tpu.memory_space<vmem>>[vector<16xi32>, vector<16xi32>], vector<16xf32>,
        %scan3A_406 = arith.constant 5 : i32
        %scan3A_407 = arith.addi %scan3A_317, %scan3A_406 : i32
        %mul3A_408 = arith.constant 16 : i32
        %mul3A_409 = arith.muli %scan3A_407, %mul3A_408 : i32
        %get3A_410 = arith.index_cast %mul3A_409 : i32 to index
        %get3A_411 = tpu.vector_load %arg6[%get3A_410] {strides = array<i32>} : memref<2880xi32, #tpu.memory_space<vmem>>, vector<16xi32>,
        %sub3A_412 = vector.broadcast %mul3A_88 : i32 to vector<16xi32>
        %sub3A_413 = arith.subi %get3A_411, %sub3A_412 : vector<16xi32>
        %mul3A_414 = arith.constant 16 : i32
        %mul3A_415 = arith.muli %scan3A_407, %mul3A_414 : i32
        %get3A_416 = arith.index_cast %mul3A_415 : i32 to index
        %get3A_417 = tpu.vector_load %arg8[%get3A_416] {strides = array<i32>} : memref<2880xi32, #tpu.memory_space<vmem>>, vector<16xi32>,
        %sub3A_418 = vector.broadcast %mul3A_88 : i32 to vector<16xi32>
        %sub3A_419 = arith.subi %get3A_417, %sub3A_418 : vector<16xi32>
        %mul3A_420 = arith.constant 16 : i32
        %mul3A_421 = arith.muli %scan3A_407, %mul3A_420 : i32
        %get3A_422 = arith.index_cast %mul3A_421 : i32 to index
        %get3A_423 = tpu.vector_load %arg10[%get3A_422] {strides = array<i32>} : memref<2880xf32, #tpu.memory_space<vmem>>, vector<16xf32>,
        tpu.vector_store_idx %arg12[%sub3A_419, %sub3A_413], %get3A_423 {add = true} : memref<96x96xf32, #tpu.memory_space<vmem>>[vector<16xi32>, vector<16xi32>], vector<16xf32>,
        %scan3A_424 = arith.constant 6 : i32
        %scan3A_425 = arith.addi %scan3A_317, %scan3A_424 : i32
        %mul3A_426 = arith.constant 16 : i32
        %mul3A_427 = arith.muli %scan3A_425, %mul3A_426 : i32
        %get3A_428 = arith.index_cast %mul3A_427 : i32 to index
        %get3A_429 = tpu.vector_load %arg6[%get3A_428] {strides = array<i32>} : memref<2880xi32, #tpu.memory_space<vmem>>, vector<16xi32>,
        %sub3A_430 = vector.broadcast %mul3A_88 : i32 to vector<16xi32>
        %sub3A_431 = arith.subi %get3A_429, %sub3A_430 : vector<16xi32>
        %mul3A_432 = arith.constant 16 : i32
        %mul3A_433 = arith.muli %scan3A_425, %mul3A_432 : i32
        %get3A_434 = arith.index_cast %mul3A_433 : i32 to index
        %get3A_435 = tpu.vector_load %arg8[%get3A_434] {strides = array<i32>} : memref<2880xi32, #tpu.memory_space<vmem>>, vector<16xi32>,
        %sub3A_436 = vector.broadcast %mul3A_88 : i32 to vector<16xi32>
        %sub3A_437 = arith.subi %get3A_435, %sub3A_436 : vector<16xi32>
        %mul3A_438 = arith.constant 16 : i32
        %mul3A_439 = arith.muli %scan3A_425, %mul3A_438 : i32
        %get3A_440 = arith.index_cast %mul3A_439 : i32 to index
        %get3A_441 = tpu.vector_load %arg10[%get3A_440] {strides = array<i32>} : memref<2880xf32, #tpu.memory_space<vmem>>, vector<16xf32>,
        tpu.vector_store_idx %arg12[%sub3A_437, %sub3A_431], %get3A_441 {add = true} : memref<96x96xf32, #tpu.memory_space<vmem>>[vector<16xi32>, vector<16xi32>], vector<16xf32>,
        %scan3A_442 = arith.constant 7 : i32
        %scan3A_443 = arith.addi %scan3A_317, %scan3A_442 : i32
        %mul3A_444 = arith.constant 16 : i32
        %mul3A_445 = arith.muli %scan3A_443, %mul3A_444 : i32
        %get3A_446 = arith.index_cast %mul3A_445 : i32 to index
        %get3A_447 = tpu.vector_load %arg6[%get3A_446] {strides = array<i32>} : memref<2880xi32, #tpu.memory_space<vmem>>, vector<16xi32>,
        %sub3A_448 = vector.broadcast %mul3A_88 : i32 to vector<16xi32>
        %sub3A_449 = arith.subi %get3A_447, %sub3A_448 : vector<16xi32>
        %mul3A_450 = arith.constant 16 : i32
        %mul3A_451 = arith.muli %scan3A_443, %mul3A_450 : i32
        %get3A_452 = arith.index_cast %mul3A_451 : i32 to index
        %get3A_453 = tpu.vector_load %arg8[%get3A_452] {strides = array<i32>} : memref<2880xi32, #tpu.memory_space<vmem>>, vector<16xi32>,
        %sub3A_454 = vector.broadcast %mul3A_88 : i32 to vector<16xi32>
        %sub3A_455 = arith.subi %get3A_453, %sub3A_454 : vector<16xi32>
        %mul3A_456 = arith.constant 16 : i32
        %mul3A_457 = arith.muli %scan3A_443, %mul3A_456 : i32
        %get3A_458 = arith.index_cast %mul3A_457 : i32 to index
        %get3A_459 = tpu.vector_load %arg10[%get3A_458] {strides = array<i32>} : memref<2880xf32, #tpu.memory_space<vmem>>, vector<16xf32>,
        tpu.vector_store_idx %arg12[%sub3A_455, %sub3A_449], %get3A_459 {add = true} : memref<96x96xf32, #tpu.memory_space<vmem>>[vector<16xi32>, vector<16xi32>], vector<16xf32>,
      }
      %scan3A_94 = arith.constant 176 : i32
      %scan3A_95 = arith.addi %scan3A_90, %scan3A_94 : i32
      %mul3A_96 = arith.constant 16 : i32
      %mul3A_97 = arith.muli %scan3A_95, %mul3A_96 : i32
      %get3A = arith.index_cast %mul3A_97 : i32 to index
      %get3A_98 = tpu.vector_load %arg6[%get3A] {strides = array<i32>} : memref<2880xi32, #tpu.memory_space<vmem>>, vector<16xi32>,
      %sub3A = vector.broadcast %mul3A_88 : i32 to vector<16xi32>
      %sub3A_99 = arith.subi %get3A_98, %sub3A : vector<16xi32>
      %mul3A_100 = arith.constant 16 : i32
      %mul3A_101 = arith.muli %scan3A_95, %mul3A_100 : i32
      %get3A_102 = arith.index_cast %mul3A_101 : i32 to index
      %get3A_103 = tpu.vector_load %arg8[%get3A_102] {strides = array<i32>} : memref<2880xi32, #tpu.memory_space<vmem>>, vector<16xi32>,
      %sub3A_104 = vector.broadcast %mul3A_88 : i32 to vector<16xi32>
      %sub3A_105 = arith.subi %get3A_103, %sub3A_104 : vector<16xi32>
      %mul3A_106 = arith.constant 16 : i32
      %mul3A_107 = arith.muli %scan3A_95, %mul3A_106 : i32
      %get3A_108 = arith.index_cast %mul3A_107 : i32 to index
      %get3A_109 = tpu.vector_load %arg10[%get3A_108] {strides = array<i32>} : memref<2880xf32, #tpu.memory_space<vmem>>, vector<16xf32>,
      tpu.vector_store_idx %arg12[%sub3A_105, %sub3A_99], %get3A_109 {add = true} : memref<96x96xf32, #tpu.memory_space<vmem>>[vector<16xi32>, vector<16xi32>], vector<16xf32>,
      %scan3A_110 = arith.constant 177 : i32
      %scan3A_111 = arith.addi %scan3A_90, %scan3A_110 : i32
      %mul3A_112 = arith.constant 16 : i32
      %mul3A_113 = arith.muli %scan3A_111, %mul3A_112 : i32
      %get3A_114 = arith.index_cast %mul3A_113 : i32 to index
      %get3A_115 = tpu.vector_load %arg6[%get3A_114] {strides = array<i32>} : memref<2880xi32, #tpu.memory_space<vmem>>, vector<16xi32>,
      %sub3A_116 = vector.broadcast %mul3A_88 : i32 to vector<16xi32>
      %sub3A_117 = arith.subi %get3A_115, %sub3A_116 : vector<16xi32>
      %mul3A_118 = arith.constant 16 : i32
      %mul3A_119 = arith.muli %scan3A_111, %mul3A_118 : i32
      %get3A_120 = arith.index_cast %mul3A_119 : i32 to index
      %get3A_121 = tpu.vector_load %arg8[%get3A_120] {strides = array<i32>} : memref<2880xi32, #tpu.memory_space<vmem>>, vector<16xi32>,
      %sub3A_122 = vector.broadcast %mul3A_88 : i32 to vector<16xi32>
      %sub3A_123 = arith.subi %get3A_121, %sub3A_122 : vector<16xi32>
      %mul3A_124 = arith.constant 16 : i32
      %mul3A_125 = arith.muli %scan3A_111, %mul3A_124 : i32
      %get3A_126 = arith.index_cast %mul3A_125 : i32 to index
      %get3A_127 = tpu.vector_load %arg10[%get3A_126] {strides = array<i32>} : memref<2880xf32, #tpu.memory_space<vmem>>, vector<16xf32>,
      tpu.vector_store_idx %arg12[%sub3A_123, %sub3A_117], %get3A_127 {add = true} : memref<96x96xf32, #tpu.memory_space<vmem>>[vector<16xi32>, vector<16xi32>], vector<16xf32>,
      %scan3A_128 = arith.constant 178 : i32
      %scan3A_129 = arith.addi %scan3A_90, %scan3A_128 : i32
      %mul3A_130 = arith.constant 16 : i32
      %mul3A_131 = arith.muli %scan3A_129, %mul3A_130 : i32
      %get3A_132 = arith.index_cast %mul3A_131 : i32 to index
      %get3A_133 = tpu.vector_load %arg6[%get3A_132] {strides = array<i32>} : memref<2880xi32, #tpu.memory_space<vmem>>, vector<16xi32>,
      %sub3A_134 = vector.broadcast %mul3A_88 : i32 to vector<16xi32>
      %sub3A_135 = arith.subi %get3A_133, %sub3A_134 : vector<16xi32>
      %mul3A_136 = arith.constant 16 : i32
      %mul3A_137 = arith.muli %scan3A_129, %mul3A_136 : i32
      %get3A_138 = arith.index_cast %mul3A_137 : i32 to index
      %get3A_139 = tpu.vector_load %arg8[%get3A_138] {strides = array<i32>} : memref<2880xi32, #tpu.memory_space<vmem>>, vector<16xi32>,
      %sub3A_140 = vector.broadcast %mul3A_88 : i32 to vector<16xi32>
      %sub3A_141 = arith.subi %get3A_139, %sub3A_140 : vector<16xi32>
      %mul3A_142 = arith.constant 16 : i32
      %mul3A_143 = arith.muli %scan3A_129, %mul3A_142 : i32
      %get3A_144 = arith.index_cast %mul3A_143 : i32 to index
      %get3A_145 = tpu.vector_load %arg10[%get3A_144] {strides = array<i32>} : memref<2880xf32, #tpu.memory_space<vmem>>, vector<16xf32>,
      tpu.vector_store_idx %arg12[%sub3A_141, %sub3A_135], %get3A_145 {add = true} : memref<96x96xf32, #tpu.memory_space<vmem>>[vector<16xi32>, vector<16xi32>], vector<16xf32>,
      %scan3A_146 = arith.constant 179 : i32
      %scan3A_147 = arith.addi %scan3A_90, %scan3A_146 : i32
      %mul3A_148 = arith.constant 16 : i32
      %mul3A_149 = arith.muli %scan3A_147, %mul3A_148 : i32
      %get3A_150 = arith.index_cast %mul3A_149 : i32 to index
      %get3A_151 = tpu.vector_load %arg6[%get3A_150] {strides = array<i32>} : memref<2880xi32, #tpu.memory_space<vmem>>, vector<16xi32>,
      %sub3A_152 = vector.broadcast %mul3A_88 : i32 to vector<16xi32>
      %sub3A_153 = arith.subi %get3A_151, %sub3A_152 : vector<16xi32>
      %mul3A_154 = arith.constant 16 : i32
      %mul3A_155 = arith.muli %scan3A_147, %mul3A_154 : i32
      %get3A_156 = arith.index_cast %mul3A_155 : i32 to index
      %get3A_157 = tpu.vector_load %arg8[%get3A_156] {strides = array<i32>} : memref<2880xi32, #tpu.memory_space<vmem>>, vector<16xi32>,
      %sub3A_158 = vector.broadcast %mul3A_88 : i32 to vector<16xi32>
      %sub3A_159 = arith.subi %get3A_157, %sub3A_158 : vector<16xi32>
      %mul3A_160 = arith.constant 16 : i32
      %mul3A_161 = arith.muli %scan3A_147, %mul3A_160 : i32
      %get3A_162 = arith.index_cast %mul3A_161 : i32 to index
      %get3A_163 = tpu.vector_load %arg10[%get3A_162] {strides = array<i32>} : memref<2880xf32, #tpu.memory_space<vmem>>, vector<16xf32>,
      tpu.vector_store_idx %arg12[%sub3A_159, %sub3A_153], %get3A_163 {add = true} : memref<96x96xf32, #tpu.memory_space<vmem>>[vector<16xi32>, vector<16xi32>], vector<16xf32>,
      %scan3A_164 = arith.constant 180 : i32
      %dma_start3A_165 = arith.constant 0 : i32
      %dma_start3A_166 = arith.constant 0 : i32
      %dma_start3A_167 = tpu.memref_slice %arg5[%add3A_46, %dma_start3A_165, %dma_start3A_166] : memref<512x96x96xf32, #tpu.memory_space<hbm>> -> memref<1x96x96xf32, #tpu.memory_space<hbm>>
      %dma_start3A_168 = tpu.memref_squeeze %dma_start3A_167 : memref<1x96x96xf32, #tpu.memory_space<hbm>> -> memref<96x96xf32, #tpu.memory_space<hbm>>
      %dma_start3A_169 = arith.constant 0 : i32
      %dma_start3A_170 = arith.constant 0 : i32
      %dma_start3A_171 = tpu.memref_slice %arg5[%add3A_46, %dma_start3A_169, %dma_start3A_170] : memref<512x96x96xf32, #tpu.memory_space<hbm>> -> memref<1x96x96xf32, #tpu.memory_space<hbm>>
      %dma_start3A_172 = tpu.memref_squeeze %dma_start3A_171 : memref<1x96x96xf32, #tpu.memory_space<hbm>> -> memref<96x96xf32, #tpu.memory_space<hbm>>
      tpu.enqueue_dma source(%arg12 : memref<96x96xf32, #tpu.memory_space<vmem>>) target(%dma_start3A_172 : memref<96x96xf32, #tpu.memory_space<hbm>>) target_semaphore(%arg16 : memref<!tpu.dma_semaphore, #tpu.memory_space<semaphore_mem>>)
      %lt3A = arith.constant 14 : i32
      %lt3A_173 = arith.cmpi slt, %mul3A_48, %lt3A : i32
      %convert_element_type3A_174 = arith.extui %lt3A_173 : i1 to i32
      %cond3A_175 = arith.constant 0 : i32
      %cond3A_176 = arith.cmpi ne, %convert_element_type3A_174, %cond3A_175 : i32
      scf.if %cond3A_176 {
        %add3A_317 = arith.constant 2 : i32
        %add3A_318 = arith.addi %add3A_46, %add3A_317 : i32
        %mul3A_319 = arith.constant 2880 : i32
        %mul3A_320 = arith.muli %add3A_318, %mul3A_319 : i32
        %dma_start3A_321 = tpu.memref_slice %arg2[%mul3A_320] : memref<1474560xi32, #tpu.memory_space<hbm>> -> memref<2880xi32, #tpu.memory_space<hbm>>
        %dma_start3A_322 = tpu.memref_slice %arg2[%mul3A_320] : memref<1474560xi32, #tpu.memory_space<hbm>> -> memref<2880xi32, #tpu.memory_space<hbm>>
        tpu.enqueue_dma source(%dma_start3A_322 : memref<2880xi32, #tpu.memory_space<hbm>>) target(%arg6 : memref<2880xi32, #tpu.memory_space<vmem>>) target_semaphore(%arg14 : memref<!tpu.dma_semaphore, #tpu.memory_space<semaphore_mem>>)
        %dma_start3A_323 = tpu.memref_slice %arg3[%mul3A_320] : memref<1474560xi32, #tpu.memory_space<hbm>> -> memref<2880xi32, #tpu.memory_space<hbm>>
        %dma_start3A_324 = tpu.memref_slice %arg3[%mul3A_320] : memref<1474560xi32, #tpu.memory_space<hbm>> -> memref<2880xi32, #tpu.memory_space<hbm>>
        tpu.enqueue_dma source(%dma_start3A_324 : memref<2880xi32, #tpu.memory_space<hbm>>) target(%arg8 : memref<2880xi32, #tpu.memory_space<vmem>>) target_semaphore(%arg14 : memref<!tpu.dma_semaphore, #tpu.memory_space<semaphore_mem>>)
        %dma_start3A_325 = tpu.memref_slice %arg4[%mul3A_320] : memref<1474560xf32, #tpu.memory_space<hbm>> -> memref<2880xf32, #tpu.memory_space<hbm>>
        %dma_start3A_326 = tpu.memref_slice %arg4[%mul3A_320] : memref<1474560xf32, #tpu.memory_space<hbm>> -> memref<2880xf32, #tpu.memory_space<hbm>>
        tpu.enqueue_dma source(%dma_start3A_326 : memref<2880xf32, #tpu.memory_space<hbm>>) target(%arg10 : memref<2880xf32, #tpu.memory_space<vmem>>) target_semaphore(%arg14 : memref<!tpu.dma_semaphore, #tpu.memory_space<semaphore_mem>>)
      } else {
      }
      %add3A_177 = arith.constant 1 : i32
      %add3A_178 = arith.addi %add3A_46, %add3A_177 : i32
      %mul3A_179 = arith.constant 2 : i32
      %mul3A_180 = arith.muli %mul3A_179, %scan3A_43 : i32
      %add3A_181 = arith.constant 1 : i32
      %add3A_182 = arith.addi %mul3A_180, %add3A_181 : i32
      %ge3A_183 = arith.constant 2 : i32
      %ge3A_184 = arith.cmpi sge, %add3A_182, %ge3A_183 : i32
      %convert_element_type3A_185 = arith.extui %ge3A_184 : i1 to i32
      %cond3A_186 = arith.constant 0 : i32
      %cond3A_187 = arith.cmpi ne, %convert_element_type3A_185, %cond3A_186 : i32
      scf.if %cond3A_187 {
        %dma_wait3A_317 = arith.constant 0 : i32
        %dma_wait3A_318 = arith.constant 0 : i32
        %dma_wait3A_319 = arith.constant 0 : i32
        %dma_wait3A_320 = tpu.memref_slice %arg5[%dma_wait3A_317, %dma_wait3A_318, %dma_wait3A_319] : memref<512x96x96xf32, #tpu.memory_space<hbm>> -> memref<1x96x96xf32, #tpu.memory_space<hbm>>
        %dma_wait3A_321 = tpu.memref_squeeze %dma_wait3A_320 : memref<1x96x96xf32, #tpu.memory_space<hbm>> -> memref<96x96xf32, #tpu.memory_space<hbm>>
        %dma_wait3A_322 = arith.constant 0 : i32
        %dma_wait3A_323 = arith.constant 0 : i32
        %dma_wait3A_324 = tpu.memref_slice %arg5[%dma_wait3A_317, %dma_wait3A_322, %dma_wait3A_323] : memref<512x96x96xf32, #tpu.memory_space<hbm>> -> memref<1x96x96xf32, #tpu.memory_space<hbm>>
        %dma_wait3A_325 = tpu.memref_squeeze %dma_wait3A_324 : memref<1x96x96xf32, #tpu.memory_space<hbm>> -> memref<96x96xf32, #tpu.memory_space<hbm>>
        tpu.wait_dma2 semaphore(%arg17 : memref<!tpu.dma_semaphore, #tpu.memory_space<semaphore_mem>>) src(%arg13 : memref<96x96xf32, #tpu.memory_space<vmem>>) dst(%dma_wait3A_325 : memref<96x96xf32, #tpu.memory_space<hbm>>)
      } else {
      }
      %scan3A_188 = arith.constant 0 : i32
      %scan3A_189 = arith.constant 0 : i32
      %scan3A_190 = arith.constant 96 : i32
      %scan3A_191 = arith.addi %scan3A_189, %scan3A_190 : i32
      %scan3A_192 = arith.constant 8 : i32
      scf.for %scan3A_317 = %scan3A_189 to %scan3A_191 step %scan3A_192  : i32 {
        %broadcast_in_dim3A_318 = arith.constant 0.000000e+00 : f32
        %broadcast_in_dim3A_319 = vector.broadcast %broadcast_in_dim3A_318 : f32 to vector<16xf32>
        %swap3A = arith.index_cast %scan3A_317 : i32 to index
        %swap3A_320 = arith.constant 0 : index
        %swap3A_321 = tpu.vector_load %arg13[%swap3A, %swap3A_320] {strides = array<i32>} : memref<96x96xf32, #tpu.memory_space<vmem>>, vector<16xf32>,
        tpu.vector_store %arg13[%swap3A, %swap3A_320], %broadcast_in_dim3A_319 {strides = array<i32>} : memref<96x96xf32, #tpu.memory_space<vmem>>, vector<16xf32>,
        %broadcast_in_dim3A_322 = arith.constant 0.000000e+00 : f32
        %broadcast_in_dim3A_323 = vector.broadcast %broadcast_in_dim3A_322 : f32 to vector<16xf32>
        %swap3A_324 = arith.index_cast %scan3A_317 : i32 to index
        %swap3A_325 = arith.constant 16 : index
        %swap3A_326 = tpu.vector_load %arg13[%swap3A_324, %swap3A_325] {strides = array<i32>} : memref<96x96xf32, #tpu.memory_space<vmem>>, vector<16xf32>,
        tpu.vector_store %arg13[%swap3A_324, %swap3A_325], %broadcast_in_dim3A_323 {strides = array<i32>} : memref<96x96xf32, #tpu.memory_space<vmem>>, vector<16xf32>,
        %broadcast_in_dim3A_327 = arith.constant 0.000000e+00 : f32
        %broadcast_in_dim3A_328 = vector.broadcast %broadcast_in_dim3A_327 : f32 to vector<16xf32>
        %swap3A_329 = arith.index_cast %scan3A_317 : i32 to index
        %swap3A_330 = arith.constant 32 : index
        %swap3A_331 = tpu.vector_load %arg13[%swap3A_329, %swap3A_330] {strides = array<i32>} : memref<96x96xf32, #tpu.memory_space<vmem>>, vector<16xf32>,
        tpu.vector_store %arg13[%swap3A_329, %swap3A_330], %broadcast_in_dim3A_328 {strides = array<i32>} : memref<96x96xf32, #tpu.memory_space<vmem>>, vector<16xf32>,
        %broadcast_in_dim3A_332 = arith.constant 0.000000e+00 : f32
        %broadcast_in_dim3A_333 = vector.broadcast %broadcast_in_dim3A_332 : f32 to vector<16xf32>
        %swap3A_334 = arith.index_cast %scan3A_317 : i32 to index
        %swap3A_335 = arith.constant 48 : index
        %swap3A_336 = tpu.vector_load %arg13[%swap3A_334, %swap3A_335] {strides = array<i32>} : memref<96x96xf32, #tpu.memory_space<vmem>>, vector<16xf32>,
        tpu.vector_store %arg13[%swap3A_334, %swap3A_335], %broadcast_in_dim3A_333 {strides = array<i32>} : memref<96x96xf32, #tpu.memory_space<vmem>>, vector<16xf32>,
        %broadcast_in_dim3A_337 = arith.constant 0.000000e+00 : f32
        %broadcast_in_dim3A_338 = vector.broadcast %broadcast_in_dim3A_337 : f32 to vector<16xf32>
        %swap3A_339 = arith.index_cast %scan3A_317 : i32 to index
        %swap3A_340 = arith.constant 64 : index
        %swap3A_341 = tpu.vector_load %arg13[%swap3A_339, %swap3A_340] {strides = array<i32>} : memref<96x96xf32, #tpu.memory_space<vmem>>, vector<16xf32>,
        tpu.vector_store %arg13[%swap3A_339, %swap3A_340], %broadcast_in_dim3A_338 {strides = array<i32>} : memref<96x96xf32, #tpu.memory_space<vmem>>, vector<16xf32>,
        %broadcast_in_dim3A_342 = arith.constant 0.000000e+00 : f32
        %broadcast_in_dim3A_343 = vector.broadcast %broadcast_in_dim3A_342 : f32 to vector<16xf32>
        %swap3A_344 = arith.index_cast %scan3A_317 : i32 to index
        %swap3A_345 = arith.constant 80 : index
        %swap3A_346 = tpu.vector_load %arg13[%swap3A_344, %swap3A_345] {strides = array<i32>} : memref<96x96xf32, #tpu.memory_space<vmem>>, vector<16xf32>,
        tpu.vector_store %arg13[%swap3A_344, %swap3A_345], %broadcast_in_dim3A_343 {strides = array<i32>} : memref<96x96xf32, #tpu.memory_space<vmem>>, vector<16xf32>,
        %scan3A_347 = arith.constant 1 : i32
        %scan3A_348 = arith.addi %scan3A_317, %scan3A_347 : i32
        %broadcast_in_dim3A_349 = arith.constant 0.000000e+00 : f32
        %broadcast_in_dim3A_350 = vector.broadcast %broadcast_in_dim3A_349 : f32 to vector<16xf32>
        %swap3A_351 = arith.index_cast %scan3A_348 : i32 to index
        %swap3A_352 = arith.constant 0 : index
        %swap3A_353 = tpu.vector_load %arg13[%swap3A_351, %swap3A_352] {strides = array<i32>} : memref<96x96xf32, #tpu.memory_space<vmem>>, vector<16xf32>,
        tpu.vector_store %arg13[%swap3A_351, %swap3A_352], %broadcast_in_dim3A_350 {strides = array<i32>} : memref<96x96xf32, #tpu.memory_space<vmem>>, vector<16xf32>,
        %broadcast_in_dim3A_354 = arith.constant 0.000000e+00 : f32
        %broadcast_in_dim3A_355 = vector.broadcast %broadcast_in_dim3A_354 : f32 to vector<16xf32>
        %swap3A_356 = arith.index_cast %scan3A_348 : i32 to index
        %swap3A_357 = arith.constant 16 : index
        %swap3A_358 = tpu.vector_load %arg13[%swap3A_356, %swap3A_357] {strides = array<i32>} : memref<96x96xf32, #tpu.memory_space<vmem>>, vector<16xf32>,
        tpu.vector_store %arg13[%swap3A_356, %swap3A_357], %broadcast_in_dim3A_355 {strides = array<i32>} : memref<96x96xf32, #tpu.memory_space<vmem>>, vector<16xf32>,
        %broadcast_in_dim3A_359 = arith.constant 0.000000e+00 : f32
        %broadcast_in_dim3A_360 = vector.broadcast %broadcast_in_dim3A_359 : f32 to vector<16xf32>
        %swap3A_361 = arith.index_cast %scan3A_348 : i32 to index
        %swap3A_362 = arith.constant 32 : index
        %swap3A_363 = tpu.vector_load %arg13[%swap3A_361, %swap3A_362] {strides = array<i32>} : memref<96x96xf32, #tpu.memory_space<vmem>>, vector<16xf32>,
        tpu.vector_store %arg13[%swap3A_361, %swap3A_362], %broadcast_in_dim3A_360 {strides = array<i32>} : memref<96x96xf32, #tpu.memory_space<vmem>>, vector<16xf32>,
        %broadcast_in_dim3A_364 = arith.constant 0.000000e+00 : f32
        %broadcast_in_dim3A_365 = vector.broadcast %broadcast_in_dim3A_364 : f32 to vector<16xf32>
        %swap3A_366 = arith.index_cast %scan3A_348 : i32 to index
        %swap3A_367 = arith.constant 48 : index
        %swap3A_368 = tpu.vector_load %arg13[%swap3A_366, %swap3A_367] {strides = array<i32>} : memref<96x96xf32, #tpu.memory_space<vmem>>, vector<16xf32>,
        tpu.vector_store %arg13[%swap3A_366, %swap3A_367], %broadcast_in_dim3A_365 {strides = array<i32>} : memref<96x96xf32, #tpu.memory_space<vmem>>, vector<16xf32>,
        %broadcast_in_dim3A_369 = arith.constant 0.000000e+00 : f32
        %broadcast_in_dim3A_370 = vector.broadcast %broadcast_in_dim3A_369 : f32 to vector<16xf32>
        %swap3A_371 = arith.index_cast %scan3A_348 : i32 to index
        %swap3A_372 = arith.constant 64 : index
        %swap3A_373 = tpu.vector_load %arg13[%swap3A_371, %swap3A_372] {strides = array<i32>} : memref<96x96xf32, #tpu.memory_space<vmem>>, vector<16xf32>,
        tpu.vector_store %arg13[%swap3A_371, %swap3A_372], %broadcast_in_dim3A_370 {strides = array<i32>} : memref<96x96xf32, #tpu.memory_space<vmem>>, vector<16xf32>,
        %broadcast_in_dim3A_374 = arith.constant 0.000000e+00 : f32
        %broadcast_in_dim3A_375 = vector.broadcast %broadcast_in_dim3A_374 : f32 to vector<16xf32>
        %swap3A_376 = arith.index_cast %scan3A_348 : i32 to index
        %swap3A_377 = arith.constant 80 : index
        %swap3A_378 = tpu.vector_load %arg13[%swap3A_376, %swap3A_377] {strides = array<i32>} : memref<96x96xf32, #tpu.memory_space<vmem>>, vector<16xf32>,
        tpu.vector_store %arg13[%swap3A_376, %swap3A_377], %broadcast_in_dim3A_375 {strides = array<i32>} : memref<96x96xf32, #tpu.memory_space<vmem>>, vector<16xf32>,
        %scan3A_379 = arith.constant 2 : i32
        %scan3A_380 = arith.addi %scan3A_317, %scan3A_379 : i32
        %broadcast_in_dim3A_381 = arith.constant 0.000000e+00 : f32
        %broadcast_in_dim3A_382 = vector.broadcast %broadcast_in_dim3A_381 : f32 to vector<16xf32>
        %swap3A_383 = arith.index_cast %scan3A_380 : i32 to index
        %swap3A_384 = arith.constant 0 : index
        %swap3A_385 = tpu.vector_load %arg13[%swap3A_383, %swap3A_384] {strides = array<i32>} : memref<96x96xf32, #tpu.memory_space<vmem>>, vector<16xf32>,
        tpu.vector_store %arg13[%swap3A_383, %swap3A_384], %broadcast_in_dim3A_382 {strides = array<i32>} : memref<96x96xf32, #tpu.memory_space<vmem>>, vector<16xf32>,
        %broadcast_in_dim3A_386 = arith.constant 0.000000e+00 : f32
        %broadcast_in_dim3A_387 = vector.broadcast %broadcast_in_dim3A_386 : f32 to vector<16xf32>
        %swap3A_388 = arith.index_cast %scan3A_380 : i32 to index
        %swap3A_389 = arith.constant 16 : index
        %swap3A_390 = tpu.vector_load %arg13[%swap3A_388, %swap3A_389] {strides = array<i32>} : memref<96x96xf32, #tpu.memory_space<vmem>>, vector<16xf32>,
        tpu.vector_store %arg13[%swap3A_388, %swap3A_389], %broadcast_in_dim3A_387 {strides = array<i32>} : memref<96x96xf32, #tpu.memory_space<vmem>>, vector<16xf32>,
        %broadcast_in_dim3A_391 = arith.constant 0.000000e+00 : f32
        %broadcast_in_dim3A_392 = vector.broadcast %broadcast_in_dim3A_391 : f32 to vector<16xf32>
        %swap3A_393 = arith.index_cast %scan3A_380 : i32 to index
        %swap3A_394 = arith.constant 32 : index
        %swap3A_395 = tpu.vector_load %arg13[%swap3A_393, %swap3A_394] {strides = array<i32>} : memref<96x96xf32, #tpu.memory_space<vmem>>, vector<16xf32>,
        tpu.vector_store %arg13[%swap3A_393, %swap3A_394], %broadcast_in_dim3A_392 {strides = array<i32>} : memref<96x96xf32, #tpu.memory_space<vmem>>, vector<16xf32>,
        %broadcast_in_dim3A_396 = arith.constant 0.000000e+00 : f32
        %broadcast_in_dim3A_397 = vector.broadcast %broadcast_in_dim3A_396 : f32 to vector<16xf32>
        %swap3A_398 = arith.index_cast %scan3A_380 : i32 to index
        %swap3A_399 = arith.constant 48 : index
        %swap3A_400 = tpu.vector_load %arg13[%swap3A_398, %swap3A_399] {strides = array<i32>} : memref<96x96xf32, #tpu.memory_space<vmem>>, vector<16xf32>,
        tpu.vector_store %arg13[%swap3A_398, %swap3A_399], %broadcast_in_dim3A_397 {strides = array<i32>} : memref<96x96xf32, #tpu.memory_space<vmem>>, vector<16xf32>,
        %broadcast_in_dim3A_401 = arith.constant 0.000000e+00 : f32
        %broadcast_in_dim3A_402 = vector.broadcast %broadcast_in_dim3A_401 : f32 to vector<16xf32>
        %swap3A_403 = arith.index_cast %scan3A_380 : i32 to index
        %swap3A_404 = arith.constant 64 : index
        %swap3A_405 = tpu.vector_load %arg13[%swap3A_403, %swap3A_404] {strides = array<i32>} : memref<96x96xf32, #tpu.memory_space<vmem>>, vector<16xf32>,
        tpu.vector_store %arg13[%swap3A_403, %swap3A_404], %broadcast_in_dim3A_402 {strides = array<i32>} : memref<96x96xf32, #tpu.memory_space<vmem>>, vector<16xf32>,
        %broadcast_in_dim3A_406 = arith.constant 0.000000e+00 : f32
        %broadcast_in_dim3A_407 = vector.broadcast %broadcast_in_dim3A_406 : f32 to vector<16xf32>
        %swap3A_408 = arith.index_cast %scan3A_380 : i32 to index
        %swap3A_409 = arith.constant 80 : index
        %swap3A_410 = tpu.vector_load %arg13[%swap3A_408, %swap3A_409] {strides = array<i32>} : memref<96x96xf32, #tpu.memory_space<vmem>>, vector<16xf32>,
        tpu.vector_store %arg13[%swap3A_408, %swap3A_409], %broadcast_in_dim3A_407 {strides = array<i32>} : memref<96x96xf32, #tpu.memory_space<vmem>>, vector<16xf32>,
        %scan3A_411 = arith.constant 3 : i32
        %scan3A_412 = arith.addi %scan3A_317, %scan3A_411 : i32
        %broadcast_in_dim3A_413 = arith.constant 0.000000e+00 : f32
        %broadcast_in_dim3A_414 = vector.broadcast %broadcast_in_dim3A_413 : f32 to vector<16xf32>
        %swap3A_415 = arith.index_cast %scan3A_412 : i32 to index
        %swap3A_416 = arith.constant 0 : index
        %swap3A_417 = tpu.vector_load %arg13[%swap3A_415, %swap3A_416] {strides = array<i32>} : memref<96x96xf32, #tpu.memory_space<vmem>>, vector<16xf32>,
        tpu.vector_store %arg13[%swap3A_415, %swap3A_416], %broadcast_in_dim3A_414 {strides = array<i32>} : memref<96x96xf32, #tpu.memory_space<vmem>>, vector<16xf32>,
        %broadcast_in_dim3A_418 = arith.constant 0.000000e+00 : f32
        %broadcast_in_dim3A_419 = vector.broadcast %broadcast_in_dim3A_418 : f32 to vector<16xf32>
        %swap3A_420 = arith.index_cast %scan3A_412 : i32 to index
        %swap3A_421 = arith.constant 16 : index
        %swap3A_422 = tpu.vector_load %arg13[%swap3A_420, %swap3A_421] {strides = array<i32>} : memref<96x96xf32, #tpu.memory_space<vmem>>, vector<16xf32>,
        tpu.vector_store %arg13[%swap3A_420, %swap3A_421], %broadcast_in_dim3A_419 {strides = array<i32>} : memref<96x96xf32, #tpu.memory_space<vmem>>, vector<16xf32>,
        %broadcast_in_dim3A_423 = arith.constant 0.000000e+00 : f32
        %broadcast_in_dim3A_424 = vector.broadcast %broadcast_in_dim3A_423 : f32 to vector<16xf32>
        %swap3A_425 = arith.index_cast %scan3A_412 : i32 to index
        %swap3A_426 = arith.constant 32 : index
        %swap3A_427 = tpu.vector_load %arg13[%swap3A_425, %swap3A_426] {strides = array<i32>} : memref<96x96xf32, #tpu.memory_space<vmem>>, vector<16xf32>,
        tpu.vector_store %arg13[%swap3A_425, %swap3A_426], %broadcast_in_dim3A_424 {strides = array<i32>} : memref<96x96xf32, #tpu.memory_space<vmem>>, vector<16xf32>,
        %broadcast_in_dim3A_428 = arith.constant 0.000000e+00 : f32
        %broadcast_in_dim3A_429 = vector.broadcast %broadcast_in_dim3A_428 : f32 to vector<16xf32>
        %swap3A_430 = arith.index_cast %scan3A_412 : i32 to index
        %swap3A_431 = arith.constant 48 : index
        %swap3A_432 = tpu.vector_load %arg13[%swap3A_430, %swap3A_431] {strides = array<i32>} : memref<96x96xf32, #tpu.memory_space<vmem>>, vector<16xf32>,
        tpu.vector_store %arg13[%swap3A_430, %swap3A_431], %broadcast_in_dim3A_429 {strides = array<i32>} : memref<96x96xf32, #tpu.memory_space<vmem>>, vector<16xf32>,
        %broadcast_in_dim3A_433 = arith.constant 0.000000e+00 : f32
        %broadcast_in_dim3A_434 = vector.broadcast %broadcast_in_dim3A_433 : f32 to vector<16xf32>
        %swap3A_435 = arith.index_cast %scan3A_412 : i32 to index
        %swap3A_436 = arith.constant 64 : index
        %swap3A_437 = tpu.vector_load %arg13[%swap3A_435, %swap3A_436] {strides = array<i32>} : memref<96x96xf32, #tpu.memory_space<vmem>>, vector<16xf32>,
        tpu.vector_store %arg13[%swap3A_435, %swap3A_436], %broadcast_in_dim3A_434 {strides = array<i32>} : memref<96x96xf32, #tpu.memory_space<vmem>>, vector<16xf32>,
        %broadcast_in_dim3A_438 = arith.constant 0.000000e+00 : f32
        %broadcast_in_dim3A_439 = vector.broadcast %broadcast_in_dim3A_438 : f32 to vector<16xf32>
        %swap3A_440 = arith.index_cast %scan3A_412 : i32 to index
        %swap3A_441 = arith.constant 80 : index
        %swap3A_442 = tpu.vector_load %arg13[%swap3A_440, %swap3A_441] {strides = array<i32>} : memref<96x96xf32, #tpu.memory_space<vmem>>, vector<16xf32>,
        tpu.vector_store %arg13[%swap3A_440, %swap3A_441], %broadcast_in_dim3A_439 {strides = array<i32>} : memref<96x96xf32, #tpu.memory_space<vmem>>, vector<16xf32>,
        %scan3A_443 = arith.constant 4 : i32
        %scan3A_444 = arith.addi %scan3A_317, %scan3A_443 : i32
        %broadcast_in_dim3A_445 = arith.constant 0.000000e+00 : f32
        %broadcast_in_dim3A_446 = vector.broadcast %broadcast_in_dim3A_445 : f32 to vector<16xf32>
        %swap3A_447 = arith.index_cast %scan3A_444 : i32 to index
        %swap3A_448 = arith.constant 0 : index
        %swap3A_449 = tpu.vector_load %arg13[%swap3A_447, %swap3A_448] {strides = array<i32>} : memref<96x96xf32, #tpu.memory_space<vmem>>, vector<16xf32>,
        tpu.vector_store %arg13[%swap3A_447, %swap3A_448], %broadcast_in_dim3A_446 {strides = array<i32>} : memref<96x96xf32, #tpu.memory_space<vmem>>, vector<16xf32>,
        %broadcast_in_dim3A_450 = arith.constant 0.000000e+00 : f32
        %broadcast_in_dim3A_451 = vector.broadcast %broadcast_in_dim3A_450 : f32 to vector<16xf32>
        %swap3A_452 = arith.index_cast %scan3A_444 : i32 to index
        %swap3A_453 = arith.constant 16 : index
        %swap3A_454 = tpu.vector_load %arg13[%swap3A_452, %swap3A_453] {strides = array<i32>} : memref<96x96xf32, #tpu.memory_space<vmem>>, vector<16xf32>,
        tpu.vector_store %arg13[%swap3A_452, %swap3A_453], %broadcast_in_dim3A_451 {strides = array<i32>} : memref<96x96xf32, #tpu.memory_space<vmem>>, vector<16xf32>,
        %broadcast_in_dim3A_455 = arith.constant 0.000000e+00 : f32
        %broadcast_in_dim3A_456 = vector.broadcast %broadcast_in_dim3A_455 : f32 to vector<16xf32>
        %swap3A_457 = arith.index_cast %scan3A_444 : i32 to index
        %swap3A_458 = arith.constant 32 : index
        %swap3A_459 = tpu.vector_load %arg13[%swap3A_457, %swap3A_458] {strides = array<i32>} : memref<96x96xf32, #tpu.memory_space<vmem>>, vector<16xf32>,
        tpu.vector_store %arg13[%swap3A_457, %swap3A_458], %broadcast_in_dim3A_456 {strides = array<i32>} : memref<96x96xf32, #tpu.memory_space<vmem>>, vector<16xf32>,
        %broadcast_in_dim3A_460 = arith.constant 0.000000e+00 : f32
        %broadcast_in_dim3A_461 = vector.broadcast %broadcast_in_dim3A_460 : f32 to vector<16xf32>
        %swap3A_462 = arith.index_cast %scan3A_444 : i32 to index
        %swap3A_463 = arith.constant 48 : index
        %swap3A_464 = tpu.vector_load %arg13[%swap3A_462, %swap3A_463] {strides = array<i32>} : memref<96x96xf32, #tpu.memory_space<vmem>>, vector<16xf32>,
        tpu.vector_store %arg13[%swap3A_462, %swap3A_463], %broadcast_in_dim3A_461 {strides = array<i32>} : memref<96x96xf32, #tpu.memory_space<vmem>>, vector<16xf32>,
        %broadcast_in_dim3A_465 = arith.constant 0.000000e+00 : f32
        %broadcast_in_dim3A_466 = vector.broadcast %broadcast_in_dim3A_465 : f32 to vector<16xf32>
        %swap3A_467 = arith.index_cast %scan3A_444 : i32 to index
        %swap3A_468 = arith.constant 64 : index
        %swap3A_469 = tpu.vector_load %arg13[%swap3A_467, %swap3A_468] {strides = array<i32>} : memref<96x96xf32, #tpu.memory_space<vmem>>, vector<16xf32>,
        tpu.vector_store %arg13[%swap3A_467, %swap3A_468], %broadcast_in_dim3A_466 {strides = array<i32>} : memref<96x96xf32, #tpu.memory_space<vmem>>, vector<16xf32>,
        %broadcast_in_dim3A_470 = arith.constant 0.000000e+00 : f32
        %broadcast_in_dim3A_471 = vector.broadcast %broadcast_in_dim3A_470 : f32 to vector<16xf32>
        %swap3A_472 = arith.index_cast %scan3A_444 : i32 to index
        %swap3A_473 = arith.constant 80 : index
        %swap3A_474 = tpu.vector_load %arg13[%swap3A_472, %swap3A_473] {strides = array<i32>} : memref<96x96xf32, #tpu.memory_space<vmem>>, vector<16xf32>,
        tpu.vector_store %arg13[%swap3A_472, %swap3A_473], %broadcast_in_dim3A_471 {strides = array<i32>} : memref<96x96xf32, #tpu.memory_space<vmem>>, vector<16xf32>,
        %scan3A_475 = arith.constant 5 : i32
        %scan3A_476 = arith.addi %scan3A_317, %scan3A_475 : i32
        %broadcast_in_dim3A_477 = arith.constant 0.000000e+00 : f32
        %broadcast_in_dim3A_478 = vector.broadcast %broadcast_in_dim3A_477 : f32 to vector<16xf32>
        %swap3A_479 = arith.index_cast %scan3A_476 : i32 to index
        %swap3A_480 = arith.constant 0 : index
        %swap3A_481 = tpu.vector_load %arg13[%swap3A_479, %swap3A_480] {strides = array<i32>} : memref<96x96xf32, #tpu.memory_space<vmem>>, vector<16xf32>,
        tpu.vector_store %arg13[%swap3A_479, %swap3A_480], %broadcast_in_dim3A_478 {strides = array<i32>} : memref<96x96xf32, #tpu.memory_space<vmem>>, vector<16xf32>,
        %broadcast_in_dim3A_482 = arith.constant 0.000000e+00 : f32
        %broadcast_in_dim3A_483 = vector.broadcast %broadcast_in_dim3A_482 : f32 to vector<16xf32>
        %swap3A_484 = arith.index_cast %scan3A_476 : i32 to index
        %swap3A_485 = arith.constant 16 : index
        %swap3A_486 = tpu.vector_load %arg13[%swap3A_484, %swap3A_485] {strides = array<i32>} : memref<96x96xf32, #tpu.memory_space<vmem>>, vector<16xf32>,
        tpu.vector_store %arg13[%swap3A_484, %swap3A_485], %broadcast_in_dim3A_483 {strides = array<i32>} : memref<96x96xf32, #tpu.memory_space<vmem>>, vector<16xf32>,
        %broadcast_in_dim3A_487 = arith.constant 0.000000e+00 : f32
        %broadcast_in_dim3A_488 = vector.broadcast %broadcast_in_dim3A_487 : f32 to vector<16xf32>
        %swap3A_489 = arith.index_cast %scan3A_476 : i32 to index
        %swap3A_490 = arith.constant 32 : index
        %swap3A_491 = tpu.vector_load %arg13[%swap3A_489, %swap3A_490] {strides = array<i32>} : memref<96x96xf32, #tpu.memory_space<vmem>>, vector<16xf32>,
        tpu.vector_store %arg13[%swap3A_489, %swap3A_490], %broadcast_in_dim3A_488 {strides = array<i32>} : memref<96x96xf32, #tpu.memory_space<vmem>>, vector<16xf32>,
        %broadcast_in_dim3A_492 = arith.constant 0.000000e+00 : f32
        %broadcast_in_dim3A_493 = vector.broadcast %broadcast_in_dim3A_492 : f32 to vector<16xf32>
        %swap3A_494 = arith.index_cast %scan3A_476 : i32 to index
        %swap3A_495 = arith.constant 48 : index
        %swap3A_496 = tpu.vector_load %arg13[%swap3A_494, %swap3A_495] {strides = array<i32>} : memref<96x96xf32, #tpu.memory_space<vmem>>, vector<16xf32>,
        tpu.vector_store %arg13[%swap3A_494, %swap3A_495], %broadcast_in_dim3A_493 {strides = array<i32>} : memref<96x96xf32, #tpu.memory_space<vmem>>, vector<16xf32>,
        %broadcast_in_dim3A_497 = arith.constant 0.000000e+00 : f32
        %broadcast_in_dim3A_498 = vector.broadcast %broadcast_in_dim3A_497 : f32 to vector<16xf32>
        %swap3A_499 = arith.index_cast %scan3A_476 : i32 to index
        %swap3A_500 = arith.constant 64 : index
        %swap3A_501 = tpu.vector_load %arg13[%swap3A_499, %swap3A_500] {strides = array<i32>} : memref<96x96xf32, #tpu.memory_space<vmem>>, vector<16xf32>,
        tpu.vector_store %arg13[%swap3A_499, %swap3A_500], %broadcast_in_dim3A_498 {strides = array<i32>} : memref<96x96xf32, #tpu.memory_space<vmem>>, vector<16xf32>,
        %broadcast_in_dim3A_502 = arith.constant 0.000000e+00 : f32
        %broadcast_in_dim3A_503 = vector.broadcast %broadcast_in_dim3A_502 : f32 to vector<16xf32>
        %swap3A_504 = arith.index_cast %scan3A_476 : i32 to index
        %swap3A_505 = arith.constant 80 : index
        %swap3A_506 = tpu.vector_load %arg13[%swap3A_504, %swap3A_505] {strides = array<i32>} : memref<96x96xf32, #tpu.memory_space<vmem>>, vector<16xf32>,
        tpu.vector_store %arg13[%swap3A_504, %swap3A_505], %broadcast_in_dim3A_503 {strides = array<i32>} : memref<96x96xf32, #tpu.memory_space<vmem>>, vector<16xf32>,
        %scan3A_507 = arith.constant 6 : i32
        %scan3A_508 = arith.addi %scan3A_317, %scan3A_507 : i32
        %broadcast_in_dim3A_509 = arith.constant 0.000000e+00 : f32
        %broadcast_in_dim3A_510 = vector.broadcast %broadcast_in_dim3A_509 : f32 to vector<16xf32>
        %swap3A_511 = arith.index_cast %scan3A_508 : i32 to index
        %swap3A_512 = arith.constant 0 : index
        %swap3A_513 = tpu.vector_load %arg13[%swap3A_511, %swap3A_512] {strides = array<i32>} : memref<96x96xf32, #tpu.memory_space<vmem>>, vector<16xf32>,
        tpu.vector_store %arg13[%swap3A_511, %swap3A_512], %broadcast_in_dim3A_510 {strides = array<i32>} : memref<96x96xf32, #tpu.memory_space<vmem>>, vector<16xf32>,
        %broadcast_in_dim3A_514 = arith.constant 0.000000e+00 : f32
        %broadcast_in_dim3A_515 = vector.broadcast %broadcast_in_dim3A_514 : f32 to vector<16xf32>
        %swap3A_516 = arith.index_cast %scan3A_508 : i32 to index
        %swap3A_517 = arith.constant 16 : index
        %swap3A_518 = tpu.vector_load %arg13[%swap3A_516, %swap3A_517] {strides = array<i32>} : memref<96x96xf32, #tpu.memory_space<vmem>>, vector<16xf32>,
        tpu.vector_store %arg13[%swap3A_516, %swap3A_517], %broadcast_in_dim3A_515 {strides = array<i32>} : memref<96x96xf32, #tpu.memory_space<vmem>>, vector<16xf32>,
        %broadcast_in_dim3A_519 = arith.constant 0.000000e+00 : f32
        %broadcast_in_dim3A_520 = vector.broadcast %broadcast_in_dim3A_519 : f32 to vector<16xf32>
        %swap3A_521 = arith.index_cast %scan3A_508 : i32 to index
        %swap3A_522 = arith.constant 32 : index
        %swap3A_523 = tpu.vector_load %arg13[%swap3A_521, %swap3A_522] {strides = array<i32>} : memref<96x96xf32, #tpu.memory_space<vmem>>, vector<16xf32>,
        tpu.vector_store %arg13[%swap3A_521, %swap3A_522], %broadcast_in_dim3A_520 {strides = array<i32>} : memref<96x96xf32, #tpu.memory_space<vmem>>, vector<16xf32>,
        %broadcast_in_dim3A_524 = arith.constant 0.000000e+00 : f32
        %broadcast_in_dim3A_525 = vector.broadcast %broadcast_in_dim3A_524 : f32 to vector<16xf32>
        %swap3A_526 = arith.index_cast %scan3A_508 : i32 to index
        %swap3A_527 = arith.constant 48 : index
        %swap3A_528 = tpu.vector_load %arg13[%swap3A_526, %swap3A_527] {strides = array<i32>} : memref<96x96xf32, #tpu.memory_space<vmem>>, vector<16xf32>,
        tpu.vector_store %arg13[%swap3A_526, %swap3A_527], %broadcast_in_dim3A_525 {strides = array<i32>} : memref<96x96xf32, #tpu.memory_space<vmem>>, vector<16xf32>,
        %broadcast_in_dim3A_529 = arith.constant 0.000000e+00 : f32
        %broadcast_in_dim3A_530 = vector.broadcast %broadcast_in_dim3A_529 : f32 to vector<16xf32>
        %swap3A_531 = arith.index_cast %scan3A_508 : i32 to index
        %swap3A_532 = arith.constant 64 : index
        %swap3A_533 = tpu.vector_load %arg13[%swap3A_531, %swap3A_532] {strides = array<i32>} : memref<96x96xf32, #tpu.memory_space<vmem>>, vector<16xf32>,
        tpu.vector_store %arg13[%swap3A_531, %swap3A_532], %broadcast_in_dim3A_530 {strides = array<i32>} : memref<96x96xf32, #tpu.memory_space<vmem>>, vector<16xf32>,
        %broadcast_in_dim3A_534 = arith.constant 0.000000e+00 : f32
        %broadcast_in_dim3A_535 = vector.broadcast %broadcast_in_dim3A_534 : f32 to vector<16xf32>
        %swap3A_536 = arith.index_cast %scan3A_508 : i32 to index
        %swap3A_537 = arith.constant 80 : index
        %swap3A_538 = tpu.vector_load %arg13[%swap3A_536, %swap3A_537] {strides = array<i32>} : memref<96x96xf32, #tpu.memory_space<vmem>>, vector<16xf32>,
        tpu.vector_store %arg13[%swap3A_536, %swap3A_537], %broadcast_in_dim3A_535 {strides = array<i32>} : memref<96x96xf32, #tpu.memory_space<vmem>>, vector<16xf32>,
        %scan3A_539 = arith.constant 7 : i32
        %scan3A_540 = arith.addi %scan3A_317, %scan3A_539 : i32
        %broadcast_in_dim3A_541 = arith.constant 0.000000e+00 : f32
        %broadcast_in_dim3A_542 = vector.broadcast %broadcast_in_dim3A_541 : f32 to vector<16xf32>
        %swap3A_543 = arith.index_cast %scan3A_540 : i32 to index
        %swap3A_544 = arith.constant 0 : index
        %swap3A_545 = tpu.vector_load %arg13[%swap3A_543, %swap3A_544] {strides = array<i32>} : memref<96x96xf32, #tpu.memory_space<vmem>>, vector<16xf32>,
        tpu.vector_store %arg13[%swap3A_543, %swap3A_544], %broadcast_in_dim3A_542 {strides = array<i32>} : memref<96x96xf32, #tpu.memory_space<vmem>>, vector<16xf32>,
        %broadcast_in_dim3A_546 = arith.constant 0.000000e+00 : f32
        %broadcast_in_dim3A_547 = vector.broadcast %broadcast_in_dim3A_546 : f32 to vector<16xf32>
        %swap3A_548 = arith.index_cast %scan3A_540 : i32 to index
        %swap3A_549 = arith.constant 16 : index
        %swap3A_550 = tpu.vector_load %arg13[%swap3A_548, %swap3A_549] {strides = array<i32>} : memref<96x96xf32, #tpu.memory_space<vmem>>, vector<16xf32>,
        tpu.vector_store %arg13[%swap3A_548, %swap3A_549], %broadcast_in_dim3A_547 {strides = array<i32>} : memref<96x96xf32, #tpu.memory_space<vmem>>, vector<16xf32>,
        %broadcast_in_dim3A_551 = arith.constant 0.000000e+00 : f32
        %broadcast_in_dim3A_552 = vector.broadcast %broadcast_in_dim3A_551 : f32 to vector<16xf32>
        %swap3A_553 = arith.index_cast %scan3A_540 : i32 to index
        %swap3A_554 = arith.constant 32 : index
        %swap3A_555 = tpu.vector_load %arg13[%swap3A_553, %swap3A_554] {strides = array<i32>} : memref<96x96xf32, #tpu.memory_space<vmem>>, vector<16xf32>,
        tpu.vector_store %arg13[%swap3A_553, %swap3A_554], %broadcast_in_dim3A_552 {strides = array<i32>} : memref<96x96xf32, #tpu.memory_space<vmem>>, vector<16xf32>,
        %broadcast_in_dim3A_556 = arith.constant 0.000000e+00 : f32
        %broadcast_in_dim3A_557 = vector.broadcast %broadcast_in_dim3A_556 : f32 to vector<16xf32>
        %swap3A_558 = arith.index_cast %scan3A_540 : i32 to index
        %swap3A_559 = arith.constant 48 : index
        %swap3A_560 = tpu.vector_load %arg13[%swap3A_558, %swap3A_559] {strides = array<i32>} : memref<96x96xf32, #tpu.memory_space<vmem>>, vector<16xf32>,
        tpu.vector_store %arg13[%swap3A_558, %swap3A_559], %broadcast_in_dim3A_557 {strides = array<i32>} : memref<96x96xf32, #tpu.memory_space<vmem>>, vector<16xf32>,
        %broadcast_in_dim3A_561 = arith.constant 0.000000e+00 : f32
        %broadcast_in_dim3A_562 = vector.broadcast %broadcast_in_dim3A_561 : f32 to vector<16xf32>
        %swap3A_563 = arith.index_cast %scan3A_540 : i32 to index
        %swap3A_564 = arith.constant 64 : index
        %swap3A_565 = tpu.vector_load %arg13[%swap3A_563, %swap3A_564] {strides = array<i32>} : memref<96x96xf32, #tpu.memory_space<vmem>>, vector<16xf32>,
        tpu.vector_store %arg13[%swap3A_563, %swap3A_564], %broadcast_in_dim3A_562 {strides = array<i32>} : memref<96x96xf32, #tpu.memory_space<vmem>>, vector<16xf32>,
        %broadcast_in_dim3A_566 = arith.constant 0.000000e+00 : f32
        %broadcast_in_dim3A_567 = vector.broadcast %broadcast_in_dim3A_566 : f32 to vector<16xf32>
        %swap3A_568 = arith.index_cast %scan3A_540 : i32 to index
        %swap3A_569 = arith.constant 80 : index
        %swap3A_570 = tpu.vector_load %arg13[%swap3A_568, %swap3A_569] {strides = array<i32>} : memref<96x96xf32, #tpu.memory_space<vmem>>, vector<16xf32>,
        tpu.vector_store %arg13[%swap3A_568, %swap3A_569], %broadcast_in_dim3A_567 {strides = array<i32>} : memref<96x96xf32, #tpu.memory_space<vmem>>, vector<16xf32>,
      }
      %scan3A_193 = arith.constant 96 : i32
      %add3A_194 = arith.constant 0 : i32
      %add3A_195 = vector.broadcast %add3A_194 : i32 to vector<16xi32>
      %add3A_196 = arith.addi %iota3A, %add3A_195 : vector<16xi32>
      tpu.vector_store_idx %arg13[%add3A_196, %add3A_196], %broadcast_in_dim3A_20 {add = true} : memref<96x96xf32, #tpu.memory_space<vmem>>[vector<16xi32>, vector<16xi32>], vector<16xf32>,
      %add3A_197 = arith.constant 16 : i32
      %add3A_198 = vector.broadcast %add3A_197 : i32 to vector<16xi32>
      %add3A_199 = arith.addi %iota3A, %add3A_198 : vector<16xi32>
      tpu.vector_store_idx %arg13[%add3A_199, %add3A_199], %broadcast_in_dim3A_20 {add = true} : memref<96x96xf32, #tpu.memory_space<vmem>>[vector<16xi32>, vector<16xi32>], vector<16xf32>,
      %add3A_200 = arith.constant 32 : i32
      %add3A_201 = vector.broadcast %add3A_200 : i32 to vector<16xi32>
      %add3A_202 = arith.addi %iota3A, %add3A_201 : vector<16xi32>
      tpu.vector_store_idx %arg13[%add3A_202, %add3A_202], %broadcast_in_dim3A_20 {add = true} : memref<96x96xf32, #tpu.memory_space<vmem>>[vector<16xi32>, vector<16xi32>], vector<16xf32>,
      %add3A_203 = arith.constant 48 : i32
      %add3A_204 = vector.broadcast %add3A_203 : i32 to vector<16xi32>
      %add3A_205 = arith.addi %iota3A, %add3A_204 : vector<16xi32>
      tpu.vector_store_idx %arg13[%add3A_205, %add3A_205], %broadcast_in_dim3A_20 {add = true} : memref<96x96xf32, #tpu.memory_space<vmem>>[vector<16xi32>, vector<16xi32>], vector<16xf32>,
      %add3A_206 = arith.constant 64 : i32
      %add3A_207 = vector.broadcast %add3A_206 : i32 to vector<16xi32>
      %add3A_208 = arith.addi %iota3A, %add3A_207 : vector<16xi32>
      tpu.vector_store_idx %arg13[%add3A_208, %add3A_208], %broadcast_in_dim3A_20 {add = true} : memref<96x96xf32, #tpu.memory_space<vmem>>[vector<16xi32>, vector<16xi32>], vector<16xf32>,
      %add3A_209 = arith.constant 80 : i32
      %add3A_210 = vector.broadcast %add3A_209 : i32 to vector<16xi32>
      %add3A_211 = arith.addi %iota3A, %add3A_210 : vector<16xi32>
      tpu.vector_store_idx %arg13[%add3A_211, %add3A_211], %broadcast_in_dim3A_20 {add = true} : memref<96x96xf32, #tpu.memory_space<vmem>>[vector<16xi32>, vector<16xi32>], vector<16xf32>,
      %dma_wait3A_212 = arith.constant 0 : i32
      %dma_wait3A_213 = tpu.memref_slice %arg2[%dma_wait3A_212] : memref<1474560xi32, #tpu.memory_space<hbm>> -> memref<2880xi32, #tpu.memory_space<hbm>>
      %dma_wait3A_214 = arith.constant 0 : i32
      %dma_wait3A_215 = tpu.memref_slice %arg2[%dma_wait3A_214] : memref<1474560xi32, #tpu.memory_space<hbm>> -> memref<2880xi32, #tpu.memory_space<hbm>>
      tpu.wait_dma2 semaphore(%arg15 : memref<!tpu.dma_semaphore, #tpu.memory_space<semaphore_mem>>) src(%dma_wait3A_215 : memref<2880xi32, #tpu.memory_space<hbm>>) dst(%arg7 : memref<2880xi32, #tpu.memory_space<vmem>>)
      %dma_wait3A_216 = arith.constant 0 : i32
      %dma_wait3A_217 = tpu.memref_slice %arg3[%dma_wait3A_216] : memref<1474560xi32, #tpu.memory_space<hbm>> -> memref<2880xi32, #tpu.memory_space<hbm>>
      %dma_wait3A_218 = arith.constant 0 : i32
      %dma_wait3A_219 = tpu.memref_slice %arg3[%dma_wait3A_218] : memref<1474560xi32, #tpu.memory_space<hbm>> -> memref<2880xi32, #tpu.memory_space<hbm>>
      tpu.wait_dma2 semaphore(%arg15 : memref<!tpu.dma_semaphore, #tpu.memory_space<semaphore_mem>>) src(%dma_wait3A_219 : memref<2880xi32, #tpu.memory_space<hbm>>) dst(%arg9 : memref<2880xi32, #tpu.memory_space<vmem>>)
      %dma_wait3A_220 = arith.constant 0 : i32
      %dma_wait3A_221 = tpu.memref_slice %arg4[%dma_wait3A_220] : memref<1474560xf32, #tpu.memory_space<hbm>> -> memref<2880xf32, #tpu.memory_space<hbm>>
      %dma_wait3A_222 = arith.constant 0 : i32
      %dma_wait3A_223 = tpu.memref_slice %arg4[%dma_wait3A_222] : memref<1474560xf32, #tpu.memory_space<hbm>> -> memref<2880xf32, #tpu.memory_space<hbm>>
      tpu.wait_dma2 semaphore(%arg15 : memref<!tpu.dma_semaphore, #tpu.memory_space<semaphore_mem>>) src(%dma_wait3A_223 : memref<2880xf32, #tpu.memory_space<hbm>>) dst(%arg11 : memref<2880xf32, #tpu.memory_space<vmem>>)
      %mul3A_224 = arith.constant 90 : i32
      %mul3A_225 = arith.muli %add3A_178, %mul3A_224 : i32
      %scan3A_226 = arith.constant 0 : i32
      %scan3A_227 = arith.constant 0 : i32
      %scan3A_228 = arith.constant 176 : i32
      %scan3A_229 = arith.addi %scan3A_227, %scan3A_228 : i32
      %scan3A_230 = arith.constant 8 : i32
      scf.for %scan3A_317 = %scan3A_227 to %scan3A_229 step %scan3A_230  : i32 {
        %mul3A_318 = arith.constant 16 : i32
        %mul3A_319 = arith.muli %scan3A_317, %mul3A_318 : i32
        %get3A_320 = arith.index_cast %mul3A_319 : i32 to index
        %get3A_321 = tpu.vector_load %arg7[%get3A_320] {strides = array<i32>} : memref<2880xi32, #tpu.memory_space<vmem>>, vector<16xi32>,
        %sub3A_322 = vector.broadcast %mul3A_225 : i32 to vector<16xi32>
        %sub3A_323 = arith.subi %get3A_321, %sub3A_322 : vector<16xi32>
        %mul3A_324 = arith.constant 16 : i32
        %mul3A_325 = arith.muli %scan3A_317, %mul3A_324 : i32
        %get3A_326 = arith.index_cast %mul3A_325 : i32 to index
        %get3A_327 = tpu.vector_load %arg9[%get3A_326] {strides = array<i32>} : memref<2880xi32, #tpu.memory_space<vmem>>, vector<16xi32>,
        %sub3A_328 = vector.broadcast %mul3A_225 : i32 to vector<16xi32>
        %sub3A_329 = arith.subi %get3A_327, %sub3A_328 : vector<16xi32>
        %mul3A_330 = arith.constant 16 : i32
        %mul3A_331 = arith.muli %scan3A_317, %mul3A_330 : i32
        %get3A_332 = arith.index_cast %mul3A_331 : i32 to index
        %get3A_333 = tpu.vector_load %arg11[%get3A_332] {strides = array<i32>} : memref<2880xf32, #tpu.memory_space<vmem>>, vector<16xf32>,
        tpu.vector_store_idx %arg13[%sub3A_329, %sub3A_323], %get3A_333 {add = true} : memref<96x96xf32, #tpu.memory_space<vmem>>[vector<16xi32>, vector<16xi32>], vector<16xf32>,
        %scan3A_334 = arith.constant 1 : i32
        %scan3A_335 = arith.addi %scan3A_317, %scan3A_334 : i32
        %mul3A_336 = arith.constant 16 : i32
        %mul3A_337 = arith.muli %scan3A_335, %mul3A_336 : i32
        %get3A_338 = arith.index_cast %mul3A_337 : i32 to index
        %get3A_339 = tpu.vector_load %arg7[%get3A_338] {strides = array<i32>} : memref<2880xi32, #tpu.memory_space<vmem>>, vector<16xi32>,
        %sub3A_340 = vector.broadcast %mul3A_225 : i32 to vector<16xi32>
        %sub3A_341 = arith.subi %get3A_339, %sub3A_340 : vector<16xi32>
        %mul3A_342 = arith.constant 16 : i32
        %mul3A_343 = arith.muli %scan3A_335, %mul3A_342 : i32
        %get3A_344 = arith.index_cast %mul3A_343 : i32 to index
        %get3A_345 = tpu.vector_load %arg9[%get3A_344] {strides = array<i32>} : memref<2880xi32, #tpu.memory_space<vmem>>, vector<16xi32>,
        %sub3A_346 = vector.broadcast %mul3A_225 : i32 to vector<16xi32>
        %sub3A_347 = arith.subi %get3A_345, %sub3A_346 : vector<16xi32>
        %mul3A_348 = arith.constant 16 : i32
        %mul3A_349 = arith.muli %scan3A_335, %mul3A_348 : i32
        %get3A_350 = arith.index_cast %mul3A_349 : i32 to index
        %get3A_351 = tpu.vector_load %arg11[%get3A_350] {strides = array<i32>} : memref<2880xf32, #tpu.memory_space<vmem>>, vector<16xf32>,
        tpu.vector_store_idx %arg13[%sub3A_347, %sub3A_341], %get3A_351 {add = true} : memref<96x96xf32, #tpu.memory_space<vmem>>[vector<16xi32>, vector<16xi32>], vector<16xf32>,
        %scan3A_352 = arith.constant 2 : i32
        %scan3A_353 = arith.addi %scan3A_317, %scan3A_352 : i32
        %mul3A_354 = arith.constant 16 : i32
        %mul3A_355 = arith.muli %scan3A_353, %mul3A_354 : i32
        %get3A_356 = arith.index_cast %mul3A_355 : i32 to index
        %get3A_357 = tpu.vector_load %arg7[%get3A_356] {strides = array<i32>} : memref<2880xi32, #tpu.memory_space<vmem>>, vector<16xi32>,
        %sub3A_358 = vector.broadcast %mul3A_225 : i32 to vector<16xi32>
        %sub3A_359 = arith.subi %get3A_357, %sub3A_358 : vector<16xi32>
        %mul3A_360 = arith.constant 16 : i32
        %mul3A_361 = arith.muli %scan3A_353, %mul3A_360 : i32
        %get3A_362 = arith.index_cast %mul3A_361 : i32 to index
        %get3A_363 = tpu.vector_load %arg9[%get3A_362] {strides = array<i32>} : memref<2880xi32, #tpu.memory_space<vmem>>, vector<16xi32>,
        %sub3A_364 = vector.broadcast %mul3A_225 : i32 to vector<16xi32>
        %sub3A_365 = arith.subi %get3A_363, %sub3A_364 : vector<16xi32>
        %mul3A_366 = arith.constant 16 : i32
        %mul3A_367 = arith.muli %scan3A_353, %mul3A_366 : i32
        %get3A_368 = arith.index_cast %mul3A_367 : i32 to index
        %get3A_369 = tpu.vector_load %arg11[%get3A_368] {strides = array<i32>} : memref<2880xf32, #tpu.memory_space<vmem>>, vector<16xf32>,
        tpu.vector_store_idx %arg13[%sub3A_365, %sub3A_359], %get3A_369 {add = true} : memref<96x96xf32, #tpu.memory_space<vmem>>[vector<16xi32>, vector<16xi32>], vector<16xf32>,
        %scan3A_370 = arith.constant 3 : i32
        %scan3A_371 = arith.addi %scan3A_317, %scan3A_370 : i32
        %mul3A_372 = arith.constant 16 : i32
        %mul3A_373 = arith.muli %scan3A_371, %mul3A_372 : i32
        %get3A_374 = arith.index_cast %mul3A_373 : i32 to index
        %get3A_375 = tpu.vector_load %arg7[%get3A_374] {strides = array<i32>} : memref<2880xi32, #tpu.memory_space<vmem>>, vector<16xi32>,
        %sub3A_376 = vector.broadcast %mul3A_225 : i32 to vector<16xi32>
        %sub3A_377 = arith.subi %get3A_375, %sub3A_376 : vector<16xi32>
        %mul3A_378 = arith.constant 16 : i32
        %mul3A_379 = arith.muli %scan3A_371, %mul3A_378 : i32
        %get3A_380 = arith.index_cast %mul3A_379 : i32 to index
        %get3A_381 = tpu.vector_load %arg9[%get3A_380] {strides = array<i32>} : memref<2880xi32, #tpu.memory_space<vmem>>, vector<16xi32>,
        %sub3A_382 = vector.broadcast %mul3A_225 : i32 to vector<16xi32>
        %sub3A_383 = arith.subi %get3A_381, %sub3A_382 : vector<16xi32>
        %mul3A_384 = arith.constant 16 : i32
        %mul3A_385 = arith.muli %scan3A_371, %mul3A_384 : i32
        %get3A_386 = arith.index_cast %mul3A_385 : i32 to index
        %get3A_387 = tpu.vector_load %arg11[%get3A_386] {strides = array<i32>} : memref<2880xf32, #tpu.memory_space<vmem>>, vector<16xf32>,
        tpu.vector_store_idx %arg13[%sub3A_383, %sub3A_377], %get3A_387 {add = true} : memref<96x96xf32, #tpu.memory_space<vmem>>[vector<16xi32>, vector<16xi32>], vector<16xf32>,
        %scan3A_388 = arith.constant 4 : i32
        %scan3A_389 = arith.addi %scan3A_317, %scan3A_388 : i32
        %mul3A_390 = arith.constant 16 : i32
        %mul3A_391 = arith.muli %scan3A_389, %mul3A_390 : i32
        %get3A_392 = arith.index_cast %mul3A_391 : i32 to index
        %get3A_393 = tpu.vector_load %arg7[%get3A_392] {strides = array<i32>} : memref<2880xi32, #tpu.memory_space<vmem>>, vector<16xi32>,
        %sub3A_394 = vector.broadcast %mul3A_225 : i32 to vector<16xi32>
        %sub3A_395 = arith.subi %get3A_393, %sub3A_394 : vector<16xi32>
        %mul3A_396 = arith.constant 16 : i32
        %mul3A_397 = arith.muli %scan3A_389, %mul3A_396 : i32
        %get3A_398 = arith.index_cast %mul3A_397 : i32 to index
        %get3A_399 = tpu.vector_load %arg9[%get3A_398] {strides = array<i32>} : memref<2880xi32, #tpu.memory_space<vmem>>, vector<16xi32>,
        %sub3A_400 = vector.broadcast %mul3A_225 : i32 to vector<16xi32>
        %sub3A_401 = arith.subi %get3A_399, %sub3A_400 : vector<16xi32>
        %mul3A_402 = arith.constant 16 : i32
        %mul3A_403 = arith.muli %scan3A_389, %mul3A_402 : i32
        %get3A_404 = arith.index_cast %mul3A_403 : i32 to index
        %get3A_405 = tpu.vector_load %arg11[%get3A_404] {strides = array<i32>} : memref<2880xf32, #tpu.memory_space<vmem>>, vector<16xf32>,
        tpu.vector_store_idx %arg13[%sub3A_401, %sub3A_395], %get3A_405 {add = true} : memref<96x96xf32, #tpu.memory_space<vmem>>[vector<16xi32>, vector<16xi32>], vector<16xf32>,
        %scan3A_406 = arith.constant 5 : i32
        %scan3A_407 = arith.addi %scan3A_317, %scan3A_406 : i32
        %mul3A_408 = arith.constant 16 : i32
        %mul3A_409 = arith.muli %scan3A_407, %mul3A_408 : i32
        %get3A_410 = arith.index_cast %mul3A_409 : i32 to index
        %get3A_411 = tpu.vector_load %arg7[%get3A_410] {strides = array<i32>} : memref<2880xi32, #tpu.memory_space<vmem>>, vector<16xi32>,
        %sub3A_412 = vector.broadcast %mul3A_225 : i32 to vector<16xi32>
        %sub3A_413 = arith.subi %get3A_411, %sub3A_412 : vector<16xi32>
        %mul3A_414 = arith.constant 16 : i32
        %mul3A_415 = arith.muli %scan3A_407, %mul3A_414 : i32
        %get3A_416 = arith.index_cast %mul3A_415 : i32 to index
        %get3A_417 = tpu.vector_load %arg9[%get3A_416] {strides = array<i32>} : memref<2880xi32, #tpu.memory_space<vmem>>, vector<16xi32>,
        %sub3A_418 = vector.broadcast %mul3A_225 : i32 to vector<16xi32>
        %sub3A_419 = arith.subi %get3A_417, %sub3A_418 : vector<16xi32>
        %mul3A_420 = arith.constant 16 : i32
        %mul3A_421 = arith.muli %scan3A_407, %mul3A_420 : i32
        %get3A_422 = arith.index_cast %mul3A_421 : i32 to index
        %get3A_423 = tpu.vector_load %arg11[%get3A_422] {strides = array<i32>} : memref<2880xf32, #tpu.memory_space<vmem>>, vector<16xf32>,
        tpu.vector_store_idx %arg13[%sub3A_419, %sub3A_413], %get3A_423 {add = true} : memref<96x96xf32, #tpu.memory_space<vmem>>[vector<16xi32>, vector<16xi32>], vector<16xf32>,
        %scan3A_424 = arith.constant 6 : i32
        %scan3A_425 = arith.addi %scan3A_317, %scan3A_424 : i32
        %mul3A_426 = arith.constant 16 : i32
        %mul3A_427 = arith.muli %scan3A_425, %mul3A_426 : i32
        %get3A_428 = arith.index_cast %mul3A_427 : i32 to index
        %get3A_429 = tpu.vector_load %arg7[%get3A_428] {strides = array<i32>} : memref<2880xi32, #tpu.memory_space<vmem>>, vector<16xi32>,
        %sub3A_430 = vector.broadcast %mul3A_225 : i32 to vector<16xi32>
        %sub3A_431 = arith.subi %get3A_429, %sub3A_430 : vector<16xi32>
        %mul3A_432 = arith.constant 16 : i32
        %mul3A_433 = arith.muli %scan3A_425, %mul3A_432 : i32
        %get3A_434 = arith.index_cast %mul3A_433 : i32 to index
        %get3A_435 = tpu.vector_load %arg9[%get3A_434] {strides = array<i32>} : memref<2880xi32, #tpu.memory_space<vmem>>, vector<16xi32>,
        %sub3A_436 = vector.broadcast %mul3A_225 : i32 to vector<16xi32>
        %sub3A_437 = arith.subi %get3A_435, %sub3A_436 : vector<16xi32>
        %mul3A_438 = arith.constant 16 : i32
        %mul3A_439 = arith.muli %scan3A_425, %mul3A_438 : i32
        %get3A_440 = arith.index_cast %mul3A_439 : i32 to index
        %get3A_441 = tpu.vector_load %arg11[%get3A_440] {strides = array<i32>} : memref<2880xf32, #tpu.memory_space<vmem>>, vector<16xf32>,
        tpu.vector_store_idx %arg13[%sub3A_437, %sub3A_431], %get3A_441 {add = true} : memref<96x96xf32, #tpu.memory_space<vmem>>[vector<16xi32>, vector<16xi32>], vector<16xf32>,
        %scan3A_442 = arith.constant 7 : i32
        %scan3A_443 = arith.addi %scan3A_317, %scan3A_442 : i32
        %mul3A_444 = arith.constant 16 : i32
        %mul3A_445 = arith.muli %scan3A_443, %mul3A_444 : i32
        %get3A_446 = arith.index_cast %mul3A_445 : i32 to index
        %get3A_447 = tpu.vector_load %arg7[%get3A_446] {strides = array<i32>} : memref<2880xi32, #tpu.memory_space<vmem>>, vector<16xi32>,
        %sub3A_448 = vector.broadcast %mul3A_225 : i32 to vector<16xi32>
        %sub3A_449 = arith.subi %get3A_447, %sub3A_448 : vector<16xi32>
        %mul3A_450 = arith.constant 16 : i32
        %mul3A_451 = arith.muli %scan3A_443, %mul3A_450 : i32
        %get3A_452 = arith.index_cast %mul3A_451 : i32 to index
        %get3A_453 = tpu.vector_load %arg9[%get3A_452] {strides = array<i32>} : memref<2880xi32, #tpu.memory_space<vmem>>, vector<16xi32>,
        %sub3A_454 = vector.broadcast %mul3A_225 : i32 to vector<16xi32>
        %sub3A_455 = arith.subi %get3A_453, %sub3A_454 : vector<16xi32>
        %mul3A_456 = arith.constant 16 : i32
        %mul3A_457 = arith.muli %scan3A_443, %mul3A_456 : i32
        %get3A_458 = arith.index_cast %mul3A_457 : i32 to index
        %get3A_459 = tpu.vector_load %arg11[%get3A_458] {strides = array<i32>} : memref<2880xf32, #tpu.memory_space<vmem>>, vector<16xf32>,
        tpu.vector_store_idx %arg13[%sub3A_455, %sub3A_449], %get3A_459 {add = true} : memref<96x96xf32, #tpu.memory_space<vmem>>[vector<16xi32>, vector<16xi32>], vector<16xf32>,
      }
      %scan3A_231 = arith.constant 176 : i32
      %scan3A_232 = arith.addi %scan3A_227, %scan3A_231 : i32
      %mul3A_233 = arith.constant 16 : i32
      %mul3A_234 = arith.muli %scan3A_232, %mul3A_233 : i32
      %get3A_235 = arith.index_cast %mul3A_234 : i32 to index
      %get3A_236 = tpu.vector_load %arg7[%get3A_235] {strides = array<i32>} : memref<2880xi32, #tpu.memory_space<vmem>>, vector<16xi32>,
      %sub3A_237 = vector.broadcast %mul3A_225 : i32 to vector<16xi32>
      %sub3A_238 = arith.subi %get3A_236, %sub3A_237 : vector<16xi32>
      %mul3A_239 = arith.constant 16 : i32
      %mul3A_240 = arith.muli %scan3A_232, %mul3A_239 : i32
      %get3A_241 = arith.index_cast %mul3A_240 : i32 to index
      %get3A_242 = tpu.vector_load %arg9[%get3A_241] {strides = array<i32>} : memref<2880xi32, #tpu.memory_space<vmem>>, vector<16xi32>,
      %sub3A_243 = vector.broadcast %mul3A_225 : i32 to vector<16xi32>
      %sub3A_244 = arith.subi %get3A_242, %sub3A_243 : vector<16xi32>
      %mul3A_245 = arith.constant 16 : i32
      %mul3A_246 = arith.muli %scan3A_232, %mul3A_245 : i32
      %get3A_247 = arith.index_cast %mul3A_246 : i32 to index
      %get3A_248 = tpu.vector_load %arg11[%get3A_247] {strides = array<i32>} : memref<2880xf32, #tpu.memory_space<vmem>>, vector<16xf32>,
      tpu.vector_store_idx %arg13[%sub3A_244, %sub3A_238], %get3A_248 {add = true} : memref<96x96xf32, #tpu.memory_space<vmem>>[vector<16xi32>, vector<16xi32>], vector<16xf32>,
      %scan3A_249 = arith.constant 177 : i32
      %scan3A_250 = arith.addi %scan3A_227, %scan3A_249 : i32
      %mul3A_251 = arith.constant 16 : i32
      %mul3A_252 = arith.muli %scan3A_250, %mul3A_251 : i32
      %get3A_253 = arith.index_cast %mul3A_252 : i32 to index
      %get3A_254 = tpu.vector_load %arg7[%get3A_253] {strides = array<i32>} : memref<2880xi32, #tpu.memory_space<vmem>>, vector<16xi32>,
      %sub3A_255 = vector.broadcast %mul3A_225 : i32 to vector<16xi32>
      %sub3A_256 = arith.subi %get3A_254, %sub3A_255 : vector<16xi32>
      %mul3A_257 = arith.constant 16 : i32
      %mul3A_258 = arith.muli %scan3A_250, %mul3A_257 : i32
      %get3A_259 = arith.index_cast %mul3A_258 : i32 to index
      %get3A_260 = tpu.vector_load %arg9[%get3A_259] {strides = array<i32>} : memref<2880xi32, #tpu.memory_space<vmem>>, vector<16xi32>,
      %sub3A_261 = vector.broadcast %mul3A_225 : i32 to vector<16xi32>
      %sub3A_262 = arith.subi %get3A_260, %sub3A_261 : vector<16xi32>
      %mul3A_263 = arith.constant 16 : i32
      %mul3A_264 = arith.muli %scan3A_250, %mul3A_263 : i32
      %get3A_265 = arith.index_cast %mul3A_264 : i32 to index
      %get3A_266 = tpu.vector_load %arg11[%get3A_265] {strides = array<i32>} : memref<2880xf32, #tpu.memory_space<vmem>>, vector<16xf32>,
      tpu.vector_store_idx %arg13[%sub3A_262, %sub3A_256], %get3A_266 {add = true} : memref<96x96xf32, #tpu.memory_space<vmem>>[vector<16xi32>, vector<16xi32>], vector<16xf32>,
      %scan3A_267 = arith.constant 178 : i32
      %scan3A_268 = arith.addi %scan3A_227, %scan3A_267 : i32
      %mul3A_269 = arith.constant 16 : i32
      %mul3A_270 = arith.muli %scan3A_268, %mul3A_269 : i32
      %get3A_271 = arith.index_cast %mul3A_270 : i32 to index
      %get3A_272 = tpu.vector_load %arg7[%get3A_271] {strides = array<i32>} : memref<2880xi32, #tpu.memory_space<vmem>>, vector<16xi32>,
      %sub3A_273 = vector.broadcast %mul3A_225 : i32 to vector<16xi32>
      %sub3A_274 = arith.subi %get3A_272, %sub3A_273 : vector<16xi32>
      %mul3A_275 = arith.constant 16 : i32
      %mul3A_276 = arith.muli %scan3A_268, %mul3A_275 : i32
      %get3A_277 = arith.index_cast %mul3A_276 : i32 to index
      %get3A_278 = tpu.vector_load %arg9[%get3A_277] {strides = array<i32>} : memref<2880xi32, #tpu.memory_space<vmem>>, vector<16xi32>,
      %sub3A_279 = vector.broadcast %mul3A_225 : i32 to vector<16xi32>
      %sub3A_280 = arith.subi %get3A_278, %sub3A_279 : vector<16xi32>
      %mul3A_281 = arith.constant 16 : i32
      %mul3A_282 = arith.muli %scan3A_268, %mul3A_281 : i32
      %get3A_283 = arith.index_cast %mul3A_282 : i32 to index
      %get3A_284 = tpu.vector_load %arg11[%get3A_283] {strides = array<i32>} : memref<2880xf32, #tpu.memory_space<vmem>>, vector<16xf32>,
      tpu.vector_store_idx %arg13[%sub3A_280, %sub3A_274], %get3A_284 {add = true} : memref<96x96xf32, #tpu.memory_space<vmem>>[vector<16xi32>, vector<16xi32>], vector<16xf32>,
      %scan3A_285 = arith.constant 179 : i32
      %scan3A_286 = arith.addi %scan3A_227, %scan3A_285 : i32
      %mul3A_287 = arith.constant 16 : i32
      %mul3A_288 = arith.muli %scan3A_286, %mul3A_287 : i32
      %get3A_289 = arith.index_cast %mul3A_288 : i32 to index
      %get3A_290 = tpu.vector_load %arg7[%get3A_289] {strides = array<i32>} : memref<2880xi32, #tpu.memory_space<vmem>>, vector<16xi32>,
      %sub3A_291 = vector.broadcast %mul3A_225 : i32 to vector<16xi32>
      %sub3A_292 = arith.subi %get3A_290, %sub3A_291 : vector<16xi32>
      %mul3A_293 = arith.constant 16 : i32
      %mul3A_294 = arith.muli %scan3A_286, %mul3A_293 : i32
      %get3A_295 = arith.index_cast %mul3A_294 : i32 to index
      %get3A_296 = tpu.vector_load %arg9[%get3A_295] {strides = array<i32>} : memref<2880xi32, #tpu.memory_space<vmem>>, vector<16xi32>,
      %sub3A_297 = vector.broadcast %mul3A_225 : i32 to vector<16xi32>
      %sub3A_298 = arith.subi %get3A_296, %sub3A_297 : vector<16xi32>
      %mul3A_299 = arith.constant 16 : i32
      %mul3A_300 = arith.muli %scan3A_286, %mul3A_299 : i32
      %get3A_301 = arith.index_cast %mul3A_300 : i32 to index
      %get3A_302 = tpu.vector_load %arg11[%get3A_301] {strides = array<i32>} : memref<2880xf32, #tpu.memory_space<vmem>>, vector<16xf32>,
      tpu.vector_store_idx %arg13[%sub3A_298, %sub3A_292], %get3A_302 {add = true} : memref<96x96xf32, #tpu.memory_space<vmem>>[vector<16xi32>, vector<16xi32>], vector<16xf32>,
      %scan3A_303 = arith.constant 180 : i32
      %dma_start3A_304 = arith.constant 0 : i32
      %dma_start3A_305 = arith.constant 0 : i32
      %dma_start3A_306 = tpu.memref_slice %arg5[%add3A_178, %dma_start3A_304, %dma_start3A_305] : memref<512x96x96xf32, #tpu.memory_space<hbm>> -> memref<1x96x96xf32, #tpu.memory_space<hbm>>
      %dma_start3A_307 = tpu.memref_squeeze %dma_start3A_306 : memref<1x96x96xf32, #tpu.memory_space<hbm>> -> memref<96x96xf32, #tpu.memory_space<hbm>>
      %dma_start3A_308 = arith.constant 0 : i32
      %dma_start3A_309 = arith.constant 0 : i32
      %dma_start3A_310 = tpu.memref_slice %arg5[%add3A_178, %dma_start3A_308, %dma_start3A_309] : memref<512x96x96xf32, #tpu.memory_space<hbm>> -> memref<1x96x96xf32, #tpu.memory_space<hbm>>
      %dma_start3A_311 = tpu.memref_squeeze %dma_start3A_310 : memref<1x96x96xf32, #tpu.memory_space<hbm>> -> memref<96x96xf32, #tpu.memory_space<hbm>>
      tpu.enqueue_dma source(%arg13 : memref<96x96xf32, #tpu.memory_space<vmem>>) target(%dma_start3A_311 : memref<96x96xf32, #tpu.memory_space<hbm>>) target_semaphore(%arg17 : memref<!tpu.dma_semaphore, #tpu.memory_space<semaphore_mem>>)
      %lt3A_312 = arith.constant 14 : i32
      %lt3A_313 = arith.cmpi slt, %add3A_182, %lt3A_312 : i32
      %convert_element_type3A_314 = arith.extui %lt3A_313 : i1 to i32
      %cond3A_315 = arith.constant 0 : i32
      %cond3A_316 = arith.cmpi ne, %convert_element_type3A_314, %cond3A_315 : i32
      scf.if %cond3A_316 {
        %add3A_317 = arith.constant 2 : i32
        %add3A_318 = arith.addi %add3A_178, %add3A_317 : i32
        %mul3A_319 = arith.constant 2880 : i32
        %mul3A_320 = arith.muli %add3A_318, %mul3A_319 : i32
        %dma_start3A_321 = tpu.memref_slice %arg2[%mul3A_320] : memref<1474560xi32, #tpu.memory_space<hbm>> -> memref<2880xi32, #tpu.memory_space<hbm>>
        %dma_start3A_322 = tpu.memref_slice %arg2[%mul3A_320] : memref<1474560xi32, #tpu.memory_space<hbm>> -> memref<2880xi32, #tpu.memory_space<hbm>>
        tpu.enqueue_dma source(%dma_start3A_322 : memref<2880xi32, #tpu.memory_space<hbm>>) target(%arg7 : memref<2880xi32, #tpu.memory_space<vmem>>) target_semaphore(%arg15 : memref<!tpu.dma_semaphore, #tpu.memory_space<semaphore_mem>>)
        %dma_start3A_323 = tpu.memref_slice %arg3[%mul3A_320] : memref<1474560xi32, #tpu.memory_space<hbm>> -> memref<2880xi32, #tpu.memory_space<hbm>>
        %dma_start3A_324 = tpu.memref_slice %arg3[%mul3A_320] : memref<1474560xi32, #tpu.memory_space<hbm>> -> memref<2880xi32, #tpu.memory_space<hbm>>
        tpu.enqueue_dma source(%dma_start3A_324 : memref<2880xi32, #tpu.memory_space<hbm>>) target(%arg9 : memref<2880xi32, #tpu.memory_space<vmem>>) target_semaphore(%arg15 : memref<!tpu.dma_semaphore, #tpu.memory_space<semaphore_mem>>)
        %dma_start3A_325 = tpu.memref_slice %arg4[%mul3A_320] : memref<1474560xf32, #tpu.memory_space<hbm>> -> memref<2880xf32, #tpu.memory_space<hbm>>
        %dma_start3A_326 = tpu.memref_slice %arg4[%mul3A_320] : memref<1474560xf32, #tpu.memory_space<hbm>> -> memref<2880xf32, #tpu.memory_space<hbm>>
        tpu.enqueue_dma source(%dma_start3A_326 : memref<2880xf32, #tpu.memory_space<hbm>>) target(%arg11 : memref<2880xf32, #tpu.memory_space<vmem>>) target_semaphore(%arg15 : memref<!tpu.dma_semaphore, #tpu.memory_space<semaphore_mem>>)
      } else {
      }
    }
    %scan3A_25 = arith.constant 8 : i32
    %dma_wait3A = arith.constant 0 : i32
    %dma_wait3A_26 = arith.constant 0 : i32
    %dma_wait3A_27 = arith.constant 0 : i32
    %dma_wait3A_28 = tpu.memref_slice %arg5[%dma_wait3A, %dma_wait3A_26, %dma_wait3A_27] : memref<512x96x96xf32, #tpu.memory_space<hbm>> -> memref<1x96x96xf32, #tpu.memory_space<hbm>>
    %dma_wait3A_29 = tpu.memref_squeeze %dma_wait3A_28 : memref<1x96x96xf32, #tpu.memory_space<hbm>> -> memref<96x96xf32, #tpu.memory_space<hbm>>
    %dma_wait3A_30 = arith.constant 0 : i32
    %dma_wait3A_31 = arith.constant 0 : i32
    %dma_wait3A_32 = tpu.memref_slice %arg5[%dma_wait3A, %dma_wait3A_30, %dma_wait3A_31] : memref<512x96x96xf32, #tpu.memory_space<hbm>> -> memref<1x96x96xf32, #tpu.memory_space<hbm>>
    %dma_wait3A_33 = tpu.memref_squeeze %dma_wait3A_32 : memref<1x96x96xf32, #tpu.memory_space<hbm>> -> memref<96x96xf32, #tpu.memory_space<hbm>>
    tpu.wait_dma2 semaphore(%arg16 : memref<!tpu.dma_semaphore, #tpu.memory_space<semaphore_mem>>) src(%arg12 : memref<96x96xf32, #tpu.memory_space<vmem>>) dst(%dma_wait3A_33 : memref<96x96xf32, #tpu.memory_space<hbm>>)
    %dma_wait3A_34 = arith.constant 0 : i32
    %dma_wait3A_35 = arith.constant 0 : i32
    %dma_wait3A_36 = arith.constant 0 : i32
    %dma_wait3A_37 = tpu.memref_slice %arg5[%dma_wait3A_34, %dma_wait3A_35, %dma_wait3A_36] : memref<512x96x96xf32, #tpu.memory_space<hbm>> -> memref<1x96x96xf32, #tpu.memory_space<hbm>>
    %dma_wait3A_38 = tpu.memref_squeeze %dma_wait3A_37 : memref<1x96x96xf32, #tpu.memory_space<hbm>> -> memref<96x96xf32, #tpu.memory_space<hbm>>
    %dma_wait3A_39 = arith.constant 0 : i32
    %dma_wait3A_40 = arith.constant 0 : i32
    %dma_wait3A_41 = tpu.memref_slice %arg5[%dma_wait3A_34, %dma_wait3A_39, %dma_wait3A_40] : memref<512x96x96xf32, #tpu.memory_space<hbm>> -> memref<1x96x96xf32, #tpu.memory_space<hbm>>
    %dma_wait3A_42 = tpu.memref_squeeze %dma_wait3A_41 : memref<1x96x96xf32, #tpu.memory_space<hbm>> -> memref<96x96xf32, #tpu.memory_space<hbm>>
    tpu.wait_dma2 semaphore(%arg17 : memref<!tpu.dma_semaphore, #tpu.memory_space<semaphore_mem>>) src(%arg13 : memref<96x96xf32, #tpu.memory_space<vmem>>) dst(%dma_wait3A_42 : memref<96x96xf32, #tpu.memory_space<hbm>>)
    return
  }
}

module attributes {stable_mosaic.version = 14 : i64} {
  func.func @_gnn_body(%arg0: i32, %arg1: memref<64x96x96xf32, #tpu.memory_space<vmem>>, %arg2: memref<64x96xf32, #tpu.memory_space<vmem>>, %arg3: memref<64x54xf32, #tpu.memory_space<vmem>>, %arg4: memref<1x32xf32, #tpu.memory_space<vmem>>, %arg5: memref<1x32xf32, #tpu.memory_space<vmem>>, %arg6: memref<32x32xf32, #tpu.memory_space<vmem>>, %arg7: memref<1x32xf32, #tpu.memory_space<vmem>>, %arg8: memref<32x32xf32, #tpu.memory_space<vmem>>, %arg9: memref<1x32xf32, #tpu.memory_space<vmem>>, %arg10: memref<54x64xf32, #tpu.memory_space<vmem>>, %arg11: memref<1x64xf32, #tpu.memory_space<vmem>>, %arg12: memref<64x54xf32, #tpu.memory_space<vmem>>, %arg13: memref<1x54xf32, #tpu.memory_space<vmem>>, %arg14: memref<54x1920xf32, #tpu.memory_space<vmem>>, %arg15: memref<1x1920xf32, #tpu.memory_space<vmem>>, %arg16: memref<96x48xf32, #tpu.memory_space<vmem>>, %arg17: memref<1x48xf32, #tpu.memory_space<vmem>>, %arg18: memref<96x48xf32, #tpu.memory_space<vmem>>, %arg19: memref<1x48xf32, #tpu.memory_space<vmem>>, %arg20: memref<96x48xf32, #tpu.memory_space<vmem>>, %arg21: memref<1x48xf32, #tpu.memory_space<vmem>>, %arg22: memref<96x48xf32, #tpu.memory_space<vmem>>, %arg23: memref<1x48xf32, #tpu.memory_space<vmem>>, %arg24: memref<96x48xf32, #tpu.memory_space<vmem>>, %arg25: memref<1x48xf32, #tpu.memory_space<vmem>>, %arg26: memref<96x48xf32, #tpu.memory_space<vmem>>, %arg27: memref<1x48xf32, #tpu.memory_space<vmem>>, %arg28: memref<48x96xf32, #tpu.memory_space<vmem>>, %arg29: memref<48x96xf32, #tpu.memory_space<vmem>>, %arg30: memref<1x96xf32, #tpu.memory_space<vmem>>, %arg31: memref<8640x64xf32, #tpu.memory_space<vmem>>, %arg32: memref<64x64xf32, #tpu.memory_space<vmem>>, %arg33: memref<1x64xf32, #tpu.memory_space<vmem>>, %arg34: memref<64x3xf32, #tpu.memory_space<vmem>>, %arg35: memref<1x3xf32, #tpu.memory_space<vmem>>, %arg36: memref<8640x64xf32, #tpu.memory_space<vmem>>, %arg37: memref<64x64xf32, #tpu.memory_space<vmem>>, %arg38: memref<1x64xf32, #tpu.memory_space<vmem>>, %arg39: memref<64x2xf32, #tpu.memory_space<vmem>>, %arg40: memref<1x2xf32, #tpu.memory_space<vmem>>, %arg41: memref<64x3xf32, #tpu.memory_space<vmem>>, %arg42: memref<64x2xf32, #tpu.memory_space<vmem>>, %arg43: memref<64x54xf32, #tpu.memory_space<vmem>>, %arg44: memref<64x8704xf32, #tpu.memory_space<vmem>>) attributes {dimension_semantics = [#tpu.dimension_semantics<arbitrary>], iteration_bounds = array<i64: 8>, scalar_prefetch = 0 : i64, scratch_operands = 0 : i64, tpu.core_type = #tpu.core_type<tc>, window_params = [{transform_indices = @transform_0, window_bounds = array<i64: 64, 96, 96>}, {transform_indices = @transform_1, window_bounds = array<i64: 64, 96>}, {transform_indices = @transform_2, window_bounds = array<i64: 64, 54>}, {pipeline_mode = #tpu.pipeline_mode<synchronous>, transform_indices = @transform_3, window_bounds = array<i64: 1, 32>}, {pipeline_mode = #tpu.pipeline_mode<synchronous>, transform_indices = @transform_4, window_bounds = array<i64: 1, 32>}, {pipeline_mode = #tpu.pipeline_mode<synchronous>, transform_indices = @transform_5, window_bounds = array<i64: 32, 32>}, {pipeline_mode = #tpu.pipeline_mode<synchronous>, transform_indices = @transform_6, window_bounds = array<i64: 1, 32>}, {pipeline_mode = #tpu.pipeline_mode<synchronous>, transform_indices = @transform_7, window_bounds = array<i64: 32, 32>}, {pipeline_mode = #tpu.pipeline_mode<synchronous>, transform_indices = @transform_8, window_bounds = array<i64: 1, 32>}, {pipeline_mode = #tpu.pipeline_mode<synchronous>, transform_indices = @transform_9, window_bounds = array<i64: 54, 64>}, {pipeline_mode = #tpu.pipeline_mode<synchronous>, transform_indices = @transform_10, window_bounds = array<i64: 1, 64>}, {pipeline_mode = #tpu.pipeline_mode<synchronous>, transform_indices = @transform_11, window_bounds = array<i64: 64, 54>}, {pipeline_mode = #tpu.pipeline_mode<synchronous>, transform_indices = @transform_12, window_bounds = array<i64: 1, 54>}, {pipeline_mode = #tpu.pipeline_mode<synchronous>, transform_indices = @transform_13, window_bounds = array<i64: 54, 1920>}, {pipeline_mode = #tpu.pipeline_mode<synchronous>, transform_indices = @transform_14, window_bounds = array<i64: 1, 1920>}, {pipeline_mode = #tpu.pipeline_mode<synchronous>, transform_indices = @transform_15, window_bounds = array<i64: 96, 48>}, {pipeline_mode = #tpu.pipeline_mode<synchronous>, transform_indices = @transform_16, window_bounds = array<i64: 1, 48>}, {pipeline_mode = #tpu.pipeline_mode<synchronous>, transform_indices = @transform_17, window_bounds = array<i64: 96, 48>}, {pipeline_mode = #tpu.pipeline_mode<synchronous>, transform_indices = @transform_18, window_bounds = array<i64: 1, 48>}, {pipeline_mode = #tpu.pipeline_mode<synchronous>, transform_indices = @transform_19, window_bounds = array<i64: 96, 48>}, {pipeline_mode = #tpu.pipeline_mode<synchronous>, transform_indices = @transform_20, window_bounds = array<i64: 1, 48>}, {pipeline_mode = #tpu.pipeline_mode<synchronous>, transform_indices = @transform_21, window_bounds = array<i64: 96, 48>}, {pipeline_mode = #tpu.pipeline_mode<synchronous>, transform_indices = @transform_22, window_bounds = array<i64: 1, 48>}, {pipeline_mode = #tpu.pipeline_mode<synchronous>, transform_indices = @transform_23, window_bounds = array<i64: 96, 48>}, {pipeline_mode = #tpu.pipeline_mode<synchronous>, transform_indices = @transform_24, window_bounds = array<i64: 1, 48>}, {pipeline_mode = #tpu.pipeline_mode<synchronous>, transform_indices = @transform_25, window_bounds = array<i64: 96, 48>}, {pipeline_mode = #tpu.pipeline_mode<synchronous>, transform_indices = @transform_26, window_bounds = array<i64: 1, 48>}, {pipeline_mode = #tpu.pipeline_mode<synchronous>, transform_indices = @transform_27, window_bounds = array<i64: 48, 96>}, {pipeline_mode = #tpu.pipeline_mode<synchronous>, transform_indices = @transform_28, window_bounds = array<i64: 48, 96>}, {pipeline_mode = #tpu.pipeline_mode<synchronous>, transform_indices = @transform_29, window_bounds = array<i64: 1, 96>}, {pipeline_mode = #tpu.pipeline_mode<synchronous>, transform_indices = @transform_30, window_bounds = array<i64: 8640, 64>}, {pipeline_mode = #tpu.pipeline_mode<synchronous>, transform_indices = @transform_31, window_bounds = array<i64: 64, 64>}, {pipeline_mode = #tpu.pipeline_mode<synchronous>, transform_indices = @transform_32, window_bounds = array<i64: 1, 64>}, {pipeline_mode = #tpu.pipeline_mode<synchronous>, transform_indices = @transform_33, window_bounds = array<i64: 64, 3>}, {pipeline_mode = #tpu.pipeline_mode<synchronous>, transform_indices = @transform_34, window_bounds = array<i64: 1, 3>}, {pipeline_mode = #tpu.pipeline_mode<synchronous>, transform_indices = @transform_35, window_bounds = array<i64: 8640, 64>}, {pipeline_mode = #tpu.pipeline_mode<synchronous>, transform_indices = @transform_36, window_bounds = array<i64: 64, 64>}, {pipeline_mode = #tpu.pipeline_mode<synchronous>, transform_indices = @transform_37, window_bounds = array<i64: 1, 64>}, {pipeline_mode = #tpu.pipeline_mode<synchronous>, transform_indices = @transform_38, window_bounds = array<i64: 64, 2>}, {pipeline_mode = #tpu.pipeline_mode<synchronous>, transform_indices = @transform_39, window_bounds = array<i64: 1, 2>}, {transform_indices = @transform_40, window_bounds = array<i64: 64, 3>}, {transform_indices = @transform_41, window_bounds = array<i64: 64, 2>}, {transform_indices = @transform_42, window_bounds = array<i64: 64, 54>}, {transform_indices = @transform_43, window_bounds = array<i64: 64, 8704>}]} {
    %get3A = arith.constant 0 : index
    %get3A_0 = arith.constant 0 : index
    %get3A_1 = arith.constant 0 : index
    %get3A_2 = vector.load %arg1[%get3A, %get3A_0, %get3A_1] : memref<64x96x96xf32, #tpu.memory_space<vmem>>, vector<64x96x96xf32>
    %broadcast_in_dim3A = arith.constant 1.000000e+00 : f32
    %broadcast_in_dim3A_3 = vector.broadcast %broadcast_in_dim3A : f32 to vector<96x1xf32>
    %dot_general3A = arith.constant dense<0.000000e+00> : vector<64x96x1xf32>
    %dot_general3A_4 = tpu.matmul %get3A_2, %broadcast_in_dim3A_3, %dot_general3A {dimension_numbers = #tpu.dot_dimension_numbers<[2], [0], [0, 1], [1], [0, 0, 0, 1, 1, 1], [], []>, transpose_lhs_hint = false} : vector<64x96x96xf32>, vector<96x1xf32>, vector<64x96x1xf32> -> vector<64x96x1xf32>
    %gt3A = arith.constant 0.000000e+00 : f32
    %gt3A_5 = vector.broadcast %gt3A : f32 to vector<64x96x1xf32>
    %gt3A_6 = arith.cmpf ogt, %dot_general3A_4, %gt3A_5 : vector<64x96x1xf32>
    %rsqrt3A = math.rsqrt %dot_general3A_4 : vector<64x96x1xf32>
    %jit3A = arith.constant 0.000000e+00 : f32
    %broadcast_in_dim3A_7 = vector.broadcast %jit3A : f32 to vector<64x96x1xf32>
    %select_n3A = arith.select %gt3A_6, %rsqrt3A, %broadcast_in_dim3A_7 : vector<64x96x1xi1>, vector<64x96x1xf32>
    %get3A_8 = arith.constant 0 : index
    %get3A_9 = arith.constant 0 : index
    %get3A_10 = vector.load %arg2[%get3A_8, %get3A_9] : memref<64x96xf32, #tpu.memory_space<vmem>>, vector<64x96xf32>
    %broadcast_in_dim3A_11 = vector.shape_cast %get3A_10 : vector<64x96xf32> to vector<64x96x1xf32>
    %get3A_12 = arith.constant 0 : index
    %get3A_13 = arith.constant 0 : index
    %get3A_14 = vector.load %arg4[%get3A_12, %get3A_13] : memref<1x32xf32, #tpu.memory_space<vmem>>, vector<1x32xf32>
    %squeeze3A = vector.shape_cast %get3A_14 : vector<1x32xf32> to vector<32xf32>
    %broadcast_in_dim3A_15 = vector.shape_cast %squeeze3A : vector<32xf32> to vector<1x1x32xf32>
    %mul3A = vector.broadcast %broadcast_in_dim3A_11 : vector<64x96x1xf32> to vector<64x96x32xf32>
    %mul3A_16 = vector.broadcast %broadcast_in_dim3A_15 : vector<1x1x32xf32> to vector<64x96x32xf32>
    %mul3A_17 = arith.mulf %mul3A, %mul3A_16 : vector<64x96x32xf32>
    %mul3A_18 = vector.broadcast %select_n3A : vector<64x96x1xf32> to vector<64x96x32xf32>
    %mul3A_19 = arith.mulf %mul3A_18, %mul3A_17 : vector<64x96x32xf32>
    %dot_general3A_20 = arith.constant dense<0.000000e+00> : vector<64x96x32xf32>
    %dot_general3A_21 = tpu.matmul %get3A_2, %mul3A_19, %dot_general3A_20 {dimension_numbers = #tpu.dot_dimension_numbers<[2], [1], [1], [2], [0, 0, 0, 1, 1, 2], [0], [0]>, transpose_lhs_hint = false} : vector<64x96x96xf32>, vector<64x96x32xf32>, vector<64x96x32xf32> -> vector<64x96x32xf32>
    %mul3A_22 = vector.broadcast %select_n3A : vector<64x96x1xf32> to vector<64x96x32xf32>
    %mul3A_23 = arith.mulf %mul3A_22, %dot_general3A_21 : vector<64x96x32xf32>
    %get3A_24 = arith.constant 0 : index
    %get3A_25 = arith.constant 0 : index
    %get3A_26 = vector.load %arg5[%get3A_24, %get3A_25] : memref<1x32xf32, #tpu.memory_space<vmem>>, vector<1x32xf32>
    %squeeze3A_27 = vector.shape_cast %get3A_26 : vector<1x32xf32> to vector<32xf32>
    %broadcast_in_dim3A_28 = vector.shape_cast %squeeze3A_27 : vector<32xf32> to vector<1x1x32xf32>
    %add3A = vector.broadcast %broadcast_in_dim3A_28 : vector<1x1x32xf32> to vector<64x96x32xf32>
    %add3A_29 = arith.addf %mul3A_23, %add3A : vector<64x96x32xf32>
    %max3A = arith.constant 0.000000e+00 : f32
    %max3A_30 = vector.broadcast %max3A : f32 to vector<64x96x32xf32>
    %max3A_31 = arith.maximumf %add3A_29, %max3A_30 : vector<64x96x32xf32>
    %get3A_32 = arith.constant 0 : index
    %get3A_33 = arith.constant 0 : index
    %get3A_34 = vector.load %arg6[%get3A_32, %get3A_33] : memref<32x32xf32, #tpu.memory_space<vmem>>, vector<32x32xf32>
    %dot_general3A_35 = arith.constant dense<0.000000e+00> : vector<64x96x32xf32>
    %dot_general3A_36 = tpu.matmul %max3A_31, %get3A_34, %dot_general3A_35 {dimension_numbers = #tpu.dot_dimension_numbers<[2], [0], [0, 1], [1], [0, 0, 0, 1, 1, 1], [], []>, transpose_lhs_hint = false} : vector<64x96x32xf32>, vector<32x32xf32>, vector<64x96x32xf32> -> vector<64x96x32xf32>
    %mul3A_37 = vector.broadcast %select_n3A : vector<64x96x1xf32> to vector<64x96x32xf32>
    %mul3A_38 = arith.mulf %mul3A_37, %dot_general3A_36 : vector<64x96x32xf32>
    %dot_general3A_39 = arith.constant dense<0.000000e+00> : vector<64x96x32xf32>
    %dot_general3A_40 = tpu.matmul %get3A_2, %mul3A_38, %dot_general3A_39 {dimension_numbers = #tpu.dot_dimension_numbers<[2], [1], [1], [2], [0, 0, 0, 1, 1, 2], [0], [0]>, transpose_lhs_hint = false} : vector<64x96x96xf32>, vector<64x96x32xf32>, vector<64x96x32xf32> -> vector<64x96x32xf32>
    %mul3A_41 = vector.broadcast %select_n3A : vector<64x96x1xf32> to vector<64x96x32xf32>
    %mul3A_42 = arith.mulf %mul3A_41, %dot_general3A_40 : vector<64x96x32xf32>
    %get3A_43 = arith.constant 0 : index
    %get3A_44 = arith.constant 0 : index
    %get3A_45 = vector.load %arg7[%get3A_43, %get3A_44] : memref<1x32xf32, #tpu.memory_space<vmem>>, vector<1x32xf32>
    %squeeze3A_46 = vector.shape_cast %get3A_45 : vector<1x32xf32> to vector<32xf32>
    %broadcast_in_dim3A_47 = vector.shape_cast %squeeze3A_46 : vector<32xf32> to vector<1x1x32xf32>
    %add3A_48 = vector.broadcast %broadcast_in_dim3A_47 : vector<1x1x32xf32> to vector<64x96x32xf32>
    %add3A_49 = arith.addf %mul3A_42, %add3A_48 : vector<64x96x32xf32>
    %max3A_50 = arith.constant 0.000000e+00 : f32
    %max3A_51 = vector.broadcast %max3A_50 : f32 to vector<64x96x32xf32>
    %max3A_52 = arith.maximumf %add3A_49, %max3A_51 : vector<64x96x32xf32>
    %get3A_53 = arith.constant 0 : index
    %get3A_54 = arith.constant 0 : index
    %get3A_55 = vector.load %arg8[%get3A_53, %get3A_54] : memref<32x32xf32, #tpu.memory_space<vmem>>, vector<32x32xf32>
    %dot_general3A_56 = arith.constant dense<0.000000e+00> : vector<64x96x32xf32>
    %dot_general3A_57 = tpu.matmul %max3A_52, %get3A_55, %dot_general3A_56 {dimension_numbers = #tpu.dot_dimension_numbers<[2], [0], [0, 1], [1], [0, 0, 0, 1, 1, 1], [], []>, transpose_lhs_hint = false} : vector<64x96x32xf32>, vector<32x32xf32>, vector<64x96x32xf32> -> vector<64x96x32xf32>
    %mul3A_58 = vector.broadcast %select_n3A : vector<64x96x1xf32> to vector<64x96x32xf32>
    %mul3A_59 = arith.mulf %mul3A_58, %dot_general3A_57 : vector<64x96x32xf32>
    %dot_general3A_60 = arith.constant dense<0.000000e+00> : vector<64x96x32xf32>
    %dot_general3A_61 = tpu.matmul %get3A_2, %mul3A_59, %dot_general3A_60 {dimension_numbers = #tpu.dot_dimension_numbers<[2], [1], [1], [2], [0, 0, 0, 1, 1, 2], [0], [0]>, transpose_lhs_hint = false} : vector<64x96x96xf32>, vector<64x96x32xf32>, vector<64x96x32xf32> -> vector<64x96x32xf32>
    %mul3A_62 = vector.broadcast %select_n3A : vector<64x96x1xf32> to vector<64x96x32xf32>
    %mul3A_63 = arith.mulf %mul3A_62, %dot_general3A_61 : vector<64x96x32xf32>
    %get3A_64 = arith.constant 0 : index
    %get3A_65 = arith.constant 0 : index
    %get3A_66 = vector.load %arg9[%get3A_64, %get3A_65] : memref<1x32xf32, #tpu.memory_space<vmem>>, vector<1x32xf32>
    %squeeze3A_67 = vector.shape_cast %get3A_66 : vector<1x32xf32> to vector<32xf32>
    %broadcast_in_dim3A_68 = vector.shape_cast %squeeze3A_67 : vector<32xf32> to vector<1x1x32xf32>
    %add3A_69 = vector.broadcast %broadcast_in_dim3A_68 : vector<1x1x32xf32> to vector<64x96x32xf32>
    %add3A_70 = arith.addf %mul3A_63, %add3A_69 : vector<64x96x32xf32>
    %max3A_71 = arith.constant 0.000000e+00 : f32
    %max3A_72 = vector.broadcast %max3A_71 : f32 to vector<64x96x32xf32>
    %max3A_73 = arith.maximumf %add3A_70, %max3A_72 : vector<64x96x32xf32>
    %concatenate3A = tpu.concatenate %max3A_31, %max3A_52, %max3A_73 in 2 : vector<64x96x32xf32>, vector<64x96x32xf32>, vector<64x96x32xf32> -> vector<64x96x96xf32>
    %get3A_74 = arith.constant 0 : index
    %get3A_75 = arith.constant 0 : index
    %get3A_76 = vector.load %arg3[%get3A_74, %get3A_75] : memref<64x54xf32, #tpu.memory_space<vmem>>, vector<64x54xf32>
    %get3A_77 = arith.constant 0 : index
    %get3A_78 = arith.constant 0 : index
    %get3A_79 = vector.load %arg10[%get3A_77, %get3A_78] : memref<54x64xf32, #tpu.memory_space<vmem>>, vector<54x64xf32>
    %dot_general3A_80 = arith.constant dense<0.000000e+00> : vector<64x64xf32>
    %dot_general3A_81 = tpu.matmul %get3A_76, %get3A_79, %dot_general3A_80 {dimension_numbers = #tpu.dot_dimension_numbers<[1], [0], [0], [1], [0, 0, 1, 1], [], []>, transpose_lhs_hint = false} : vector<64x54xf32>, vector<54x64xf32>, vector<64x64xf32> -> vector<64x64xf32>
    %get3A_82 = arith.constant 0 : index
    %get3A_83 = arith.constant 0 : index
    %get3A_84 = vector.load %arg11[%get3A_82, %get3A_83] : memref<1x64xf32, #tpu.memory_space<vmem>>, vector<1x64xf32>
    %squeeze3A_85 = vector.shape_cast %get3A_84 : vector<1x64xf32> to vector<64xf32>
    %broadcast_in_dim3A_86 = vector.shape_cast %squeeze3A_85 : vector<64xf32> to vector<1x64xf32>
    %add3A_87 = vector.broadcast %broadcast_in_dim3A_86 : vector<1x64xf32> to vector<64x64xf32>
    %add3A_88 = arith.addf %dot_general3A_81, %add3A_87 : vector<64x64xf32>
    %tanh3A = math.tanh %add3A_88 : vector<64x64xf32>
    %get3A_89 = arith.constant 0 : index
    %get3A_90 = arith.constant 0 : index
    %get3A_91 = vector.load %arg12[%get3A_89, %get3A_90] : memref<64x54xf32, #tpu.memory_space<vmem>>, vector<64x54xf32>
    %dot_general3A_92 = arith.constant dense<0.000000e+00> : vector<64x54xf32>
    %dot_general3A_93 = tpu.matmul %tanh3A, %get3A_91, %dot_general3A_92 {dimension_numbers = #tpu.dot_dimension_numbers<[1], [0], [0], [1], [0, 0, 1, 1], [], []>, transpose_lhs_hint = false} : vector<64x64xf32>, vector<64x54xf32>, vector<64x54xf32> -> vector<64x54xf32>
    %get3A_94 = arith.constant 0 : index
    %get3A_95 = arith.constant 0 : index
    %get3A_96 = vector.load %arg13[%get3A_94, %get3A_95] : memref<1x54xf32, #tpu.memory_space<vmem>>, vector<1x54xf32>
    %squeeze3A_97 = vector.shape_cast %get3A_96 : vector<1x54xf32> to vector<54xf32>
    %broadcast_in_dim3A_98 = vector.shape_cast %squeeze3A_97 : vector<54xf32> to vector<1x54xf32>
    %add3A_99 = vector.broadcast %broadcast_in_dim3A_98 : vector<1x54xf32> to vector<64x54xf32>
    %add3A_100 = arith.addf %dot_general3A_93, %add3A_99 : vector<64x54xf32>
    %swap3A = arith.constant 0 : index
    %swap3A_101 = arith.constant 0 : index
    %swap3A_102 = vector.load %arg43[%swap3A, %swap3A_101] : memref<64x54xf32, #tpu.memory_space<vmem>>, vector<64x54xf32>
    tpu.vector_store %arg43[%swap3A, %swap3A_101], %add3A_100 {strides = array<i32>} : memref<64x54xf32, #tpu.memory_space<vmem>>, vector<64x54xf32>,
    %get3A_103 = arith.constant 0 : index
    %get3A_104 = arith.constant 0 : index
    %get3A_105 = vector.load %arg14[%get3A_103, %get3A_104] : memref<54x1920xf32, #tpu.memory_space<vmem>>, vector<54x1920xf32>
    %dot_general3A_106 = arith.constant dense<0.000000e+00> : vector<64x1920xf32>
    %dot_general3A_107 = tpu.matmul %get3A_76, %get3A_105, %dot_general3A_106 {dimension_numbers = #tpu.dot_dimension_numbers<[1], [0], [0], [1], [0, 0, 1, 1], [], []>, transpose_lhs_hint = false} : vector<64x54xf32>, vector<54x1920xf32>, vector<64x1920xf32> -> vector<64x1920xf32>
    %get3A_108 = arith.constant 0 : index
    %get3A_109 = arith.constant 0 : index
    %get3A_110 = vector.load %arg15[%get3A_108, %get3A_109] : memref<1x1920xf32, #tpu.memory_space<vmem>>, vector<1x1920xf32>
    %squeeze3A_111 = vector.shape_cast %get3A_110 : vector<1x1920xf32> to vector<1920xf32>
    %broadcast_in_dim3A_112 = vector.shape_cast %squeeze3A_111 : vector<1920xf32> to vector<1x1920xf32>
    %add3A_113 = vector.broadcast %broadcast_in_dim3A_112 : vector<1x1920xf32> to vector<64x1920xf32>
    %add3A_114 = arith.addf %dot_general3A_107, %add3A_113 : vector<64x1920xf32>
    %reshape3A = vector.shape_cast %add3A_114 : vector<64x1920xf32> to vector<64x20x96xf32>
    %broadcast_in_dim3A_115 = arith.constant 1.000000e+00 : f32
    %broadcast_in_dim3A_116 = vector.broadcast %broadcast_in_dim3A_115 : f32 to vector<20x1xf32>
    %get3A_117 = arith.constant 0 : index
    %get3A_118 = arith.constant 0 : index
    %get3A_119 = vector.load %arg16[%get3A_117, %get3A_118] : memref<96x48xf32, #tpu.memory_space<vmem>>, vector<96x48xf32>
    %dot_general3A_120 = arith.constant dense<0.000000e+00> : vector<64x96x48xf32>
    %dot_general3A_121 = tpu.matmul %concatenate3A, %get3A_119, %dot_general3A_120 {dimension_numbers = #tpu.dot_dimension_numbers<[2], [0], [0, 1], [1], [0, 0, 0, 1, 1, 1], [], []>, transpose_lhs_hint = false} : vector<64x96x96xf32>, vector<96x48xf32>, vector<64x96x48xf32> -> vector<64x96x48xf32>
    %get3A_122 = arith.constant 0 : index
    %get3A_123 = arith.constant 0 : index
    %get3A_124 = vector.load %arg17[%get3A_122, %get3A_123] : memref<1x48xf32, #tpu.memory_space<vmem>>, vector<1x48xf32>
    %squeeze3A_125 = vector.shape_cast %get3A_124 : vector<1x48xf32> to vector<48xf32>
    %broadcast_in_dim3A_126 = vector.shape_cast %squeeze3A_125 : vector<48xf32> to vector<1x1x48xf32>
    %add3A_127 = vector.broadcast %broadcast_in_dim3A_126 : vector<1x1x48xf32> to vector<64x96x48xf32>
    %add3A_128 = arith.addf %dot_general3A_121, %add3A_127 : vector<64x96x48xf32>
    %get3A_129 = arith.constant 0 : index
    %get3A_130 = arith.constant 0 : index
    %get3A_131 = vector.load %arg20[%get3A_129, %get3A_130] : memref<96x48xf32, #tpu.memory_space<vmem>>, vector<96x48xf32>
    %dot_general3A_132 = arith.constant dense<0.000000e+00> : vector<64x20x48xf32>
    %dot_general3A_133 = tpu.matmul %reshape3A, %get3A_131, %dot_general3A_132 {dimension_numbers = #tpu.dot_dimension_numbers<[2], [0], [0, 1], [1], [0, 0, 0, 1, 1, 1], [], []>, transpose_lhs_hint = false} : vector<64x20x96xf32>, vector<96x48xf32>, vector<64x20x48xf32> -> vector<64x20x48xf32>
    %get3A_134 = arith.constant 0 : index
    %get3A_135 = arith.constant 0 : index
    %get3A_136 = vector.load %arg21[%get3A_134, %get3A_135] : memref<1x48xf32, #tpu.memory_space<vmem>>, vector<1x48xf32>
    %squeeze3A_137 = vector.shape_cast %get3A_136 : vector<1x48xf32> to vector<48xf32>
    %broadcast_in_dim3A_138 = vector.shape_cast %squeeze3A_137 : vector<48xf32> to vector<1x1x48xf32>
    %add3A_139 = vector.broadcast %broadcast_in_dim3A_138 : vector<1x1x48xf32> to vector<64x20x48xf32>
    %add3A_140 = arith.addf %dot_general3A_133, %add3A_139 : vector<64x20x48xf32>
    %get3A_141 = arith.constant 0 : index
    %get3A_142 = arith.constant 0 : index
    %get3A_143 = vector.load %arg24[%get3A_141, %get3A_142] : memref<96x48xf32, #tpu.memory_space<vmem>>, vector<96x48xf32>
    %dot_general3A_144 = arith.constant dense<0.000000e+00> : vector<64x20x48xf32>
    %dot_general3A_145 = tpu.matmul %reshape3A, %get3A_143, %dot_general3A_144 {dimension_numbers = #tpu.dot_dimension_numbers<[2], [0], [0, 1], [1], [0, 0, 0, 1, 1, 1], [], []>, transpose_lhs_hint = false} : vector<64x20x96xf32>, vector<96x48xf32>, vector<64x20x48xf32> -> vector<64x20x48xf32>
    %get3A_146 = arith.constant 0 : index
    %get3A_147 = arith.constant 0 : index
    %get3A_148 = vector.load %arg25[%get3A_146, %get3A_147] : memref<1x48xf32, #tpu.memory_space<vmem>>, vector<1x48xf32>
    %squeeze3A_149 = vector.shape_cast %get3A_148 : vector<1x48xf32> to vector<48xf32>
    %broadcast_in_dim3A_150 = vector.shape_cast %squeeze3A_149 : vector<48xf32> to vector<1x1x48xf32>
    %add3A_151 = vector.broadcast %broadcast_in_dim3A_150 : vector<1x1x48xf32> to vector<64x20x48xf32>
    %add3A_152 = arith.addf %dot_general3A_145, %add3A_151 : vector<64x20x48xf32>
    %dot_general3A_153 = arith.constant dense<0.000000e+00> : vector<64x96x20xf32>
    %dot_general3A_154 = tpu.matmul %add3A_128, %add3A_140, %dot_general3A_153 {dimension_numbers = #tpu.dot_dimension_numbers<[2], [2], [1], [1], [0, 0, 0, 1, 1, 1], [0], [0]>, transpose_lhs_hint = false} : vector<64x96x48xf32>, vector<64x20x48xf32>, vector<64x96x20xf32> -> vector<64x96x20xf32>
    %mul3A_155 = arith.constant 0.144337565 : f32
    %mul3A_156 = vector.broadcast %mul3A_155 : f32 to vector<64x96x20xf32>
    %mul3A_157 = arith.mulf %dot_general3A_154, %mul3A_156 : vector<64x96x20xf32>
    %reduce_max3A = arith.constant dense<0xFF800000> : vector<64x96xf32>
    %reduce_max3A_158 = vector.multi_reduction <maximumf>, %mul3A_157, %reduce_max3A [2] : vector<64x96x20xf32> to vector<64x96xf32>
    %broadcast_in_dim3A_159 = vector.shape_cast %reduce_max3A_158 : vector<64x96xf32> to vector<64x96x1xf32>
    %sub3A = vector.broadcast %broadcast_in_dim3A_159 : vector<64x96x1xf32> to vector<64x96x20xf32>
    %sub3A_160 = arith.subf %mul3A_157, %sub3A : vector<64x96x20xf32>
    %exp3A = math.exp %sub3A_160 : vector<64x96x20xf32>
    %dot_general3A_161 = arith.constant dense<0.000000e+00> : vector<64x96x1xf32>
    %dot_general3A_162 = tpu.matmul %exp3A, %broadcast_in_dim3A_116, %dot_general3A_161 {dimension_numbers = #tpu.dot_dimension_numbers<[2], [0], [0, 1], [1], [0, 0, 0, 1, 1, 1], [], []>, transpose_lhs_hint = false} : vector<64x96x20xf32>, vector<20x1xf32>, vector<64x96x1xf32> -> vector<64x96x1xf32>
    %div3A = arith.constant 1.000000e+00 : f32
    %div3A_163 = vector.broadcast %div3A : f32 to vector<64x96x1xf32>
    %div3A_164 = arith.divf %div3A_163, %dot_general3A_162 : vector<64x96x1xf32>
    %mul3A_165 = vector.broadcast %div3A_164 : vector<64x96x1xf32> to vector<64x96x20xf32>
    %mul3A_166 = arith.mulf %exp3A, %mul3A_165 : vector<64x96x20xf32>
    %dot_general3A_167 = arith.constant dense<0.000000e+00> : vector<64x96x48xf32>
    %dot_general3A_168 = tpu.matmul %mul3A_166, %add3A_152, %dot_general3A_167 {dimension_numbers = #tpu.dot_dimension_numbers<[2], [1], [1], [2], [0, 0, 0, 1, 1, 2], [0], [0]>, transpose_lhs_hint = false} : vector<64x96x20xf32>, vector<64x20x48xf32>, vector<64x96x48xf32> -> vector<64x96x48xf32>
    %get3A_169 = arith.constant 0 : index
    %get3A_170 = arith.constant 0 : index
    %get3A_171 = vector.load %arg18[%get3A_169, %get3A_170] : memref<96x48xf32, #tpu.memory_space<vmem>>, vector<96x48xf32>
    %dot_general3A_172 = arith.constant dense<0.000000e+00> : vector<64x96x48xf32>
    %dot_general3A_173 = tpu.matmul %concatenate3A, %get3A_171, %dot_general3A_172 {dimension_numbers = #tpu.dot_dimension_numbers<[2], [0], [0, 1], [1], [0, 0, 0, 1, 1, 1], [], []>, transpose_lhs_hint = false} : vector<64x96x96xf32>, vector<96x48xf32>, vector<64x96x48xf32> -> vector<64x96x48xf32>
    %get3A_174 = arith.constant 0 : index
    %get3A_175 = arith.constant 0 : index
    %get3A_176 = vector.load %arg19[%get3A_174, %get3A_175] : memref<1x48xf32, #tpu.memory_space<vmem>>, vector<1x48xf32>
    %squeeze3A_177 = vector.shape_cast %get3A_176 : vector<1x48xf32> to vector<48xf32>
    %broadcast_in_dim3A_178 = vector.shape_cast %squeeze3A_177 : vector<48xf32> to vector<1x1x48xf32>
    %add3A_179 = vector.broadcast %broadcast_in_dim3A_178 : vector<1x1x48xf32> to vector<64x96x48xf32>
    %add3A_180 = arith.addf %dot_general3A_173, %add3A_179 : vector<64x96x48xf32>
    %get3A_181 = arith.constant 0 : index
    %get3A_182 = arith.constant 0 : index
    %get3A_183 = vector.load %arg22[%get3A_181, %get3A_182] : memref<96x48xf32, #tpu.memory_space<vmem>>, vector<96x48xf32>
    %dot_general3A_184 = arith.constant dense<0.000000e+00> : vector<64x20x48xf32>
    %dot_general3A_185 = tpu.matmul %reshape3A, %get3A_183, %dot_general3A_184 {dimension_numbers = #tpu.dot_dimension_numbers<[2], [0], [0, 1], [1], [0, 0, 0, 1, 1, 1], [], []>, transpose_lhs_hint = false} : vector<64x20x96xf32>, vector<96x48xf32>, vector<64x20x48xf32> -> vector<64x20x48xf32>
    %get3A_186 = arith.constant 0 : index
    %get3A_187 = arith.constant 0 : index
    %get3A_188 = vector.load %arg23[%get3A_186, %get3A_187] : memref<1x48xf32, #tpu.memory_space<vmem>>, vector<1x48xf32>
    %squeeze3A_189 = vector.shape_cast %get3A_188 : vector<1x48xf32> to vector<48xf32>
    %broadcast_in_dim3A_190 = vector.shape_cast %squeeze3A_189 : vector<48xf32> to vector<1x1x48xf32>
    %add3A_191 = vector.broadcast %broadcast_in_dim3A_190 : vector<1x1x48xf32> to vector<64x20x48xf32>
    %add3A_192 = arith.addf %dot_general3A_185, %add3A_191 : vector<64x20x48xf32>
    %get3A_193 = arith.constant 0 : index
    %get3A_194 = arith.constant 0 : index
    %get3A_195 = vector.load %arg26[%get3A_193, %get3A_194] : memref<96x48xf32, #tpu.memory_space<vmem>>, vector<96x48xf32>
    %dot_general3A_196 = arith.constant dense<0.000000e+00> : vector<64x20x48xf32>
    %dot_general3A_197 = tpu.matmul %reshape3A, %get3A_195, %dot_general3A_196 {dimension_numbers = #tpu.dot_dimension_numbers<[2], [0], [0, 1], [1], [0, 0, 0, 1, 1, 1], [], []>, transpose_lhs_hint = false} : vector<64x20x96xf32>, vector<96x48xf32>, vector<64x20x48xf32> -> vector<64x20x48xf32>
    %get3A_198 = arith.constant 0 : index
    %get3A_199 = arith.constant 0 : index
    %get3A_200 = vector.load %arg27[%get3A_198, %get3A_199] : memref<1x48xf32, #tpu.memory_space<vmem>>, vector<1x48xf32>
    %squeeze3A_201 = vector.shape_cast %get3A_200 : vector<1x48xf32> to vector<48xf32>
    %broadcast_in_dim3A_202 = vector.shape_cast %squeeze3A_201 : vector<48xf32> to vector<1x1x48xf32>
    %add3A_203 = vector.broadcast %broadcast_in_dim3A_202 : vector<1x1x48xf32> to vector<64x20x48xf32>
    %add3A_204 = arith.addf %dot_general3A_197, %add3A_203 : vector<64x20x48xf32>
    %dot_general3A_205 = arith.constant dense<0.000000e+00> : vector<64x96x20xf32>
    %dot_general3A_206 = tpu.matmul %add3A_180, %add3A_192, %dot_general3A_205 {dimension_numbers = #tpu.dot_dimension_numbers<[2], [2], [1], [1], [0, 0, 0, 1, 1, 1], [0], [0]>, transpose_lhs_hint = false} : vector<64x96x48xf32>, vector<64x20x48xf32>, vector<64x96x20xf32> -> vector<64x96x20xf32>
    %mul3A_207 = arith.constant 0.144337565 : f32
    %mul3A_208 = vector.broadcast %mul3A_207 : f32 to vector<64x96x20xf32>
    %mul3A_209 = arith.mulf %dot_general3A_206, %mul3A_208 : vector<64x96x20xf32>
    %reduce_max3A_210 = arith.constant dense<0xFF800000> : vector<64x96xf32>
    %reduce_max3A_211 = vector.multi_reduction <maximumf>, %mul3A_209, %reduce_max3A_210 [2] : vector<64x96x20xf32> to vector<64x96xf32>
    %broadcast_in_dim3A_212 = vector.shape_cast %reduce_max3A_211 : vector<64x96xf32> to vector<64x96x1xf32>
    %sub3A_213 = vector.broadcast %broadcast_in_dim3A_212 : vector<64x96x1xf32> to vector<64x96x20xf32>
    %sub3A_214 = arith.subf %mul3A_209, %sub3A_213 : vector<64x96x20xf32>
    %exp3A_215 = math.exp %sub3A_214 : vector<64x96x20xf32>
    %dot_general3A_216 = arith.constant dense<0.000000e+00> : vector<64x96x1xf32>
    %dot_general3A_217 = tpu.matmul %exp3A_215, %broadcast_in_dim3A_116, %dot_general3A_216 {dimension_numbers = #tpu.dot_dimension_numbers<[2], [0], [0, 1], [1], [0, 0, 0, 1, 1, 1], [], []>, transpose_lhs_hint = false} : vector<64x96x20xf32>, vector<20x1xf32>, vector<64x96x1xf32> -> vector<64x96x1xf32>
    %div3A_218 = arith.constant 1.000000e+00 : f32
    %div3A_219 = vector.broadcast %div3A_218 : f32 to vector<64x96x1xf32>
    %div3A_220 = arith.divf %div3A_219, %dot_general3A_217 : vector<64x96x1xf32>
    %mul3A_221 = vector.broadcast %div3A_220 : vector<64x96x1xf32> to vector<64x96x20xf32>
    %mul3A_222 = arith.mulf %exp3A_215, %mul3A_221 : vector<64x96x20xf32>
    %dot_general3A_223 = arith.constant dense<0.000000e+00> : vector<64x96x48xf32>
    %dot_general3A_224 = tpu.matmul %mul3A_222, %add3A_204, %dot_general3A_223 {dimension_numbers = #tpu.dot_dimension_numbers<[2], [1], [1], [2], [0, 0, 0, 1, 1, 2], [0], [0]>, transpose_lhs_hint = false} : vector<64x96x20xf32>, vector<64x20x48xf32>, vector<64x96x48xf32> -> vector<64x96x48xf32>
    %get3A_225 = arith.constant 0 : index
    %get3A_226 = arith.constant 0 : index
    %get3A_227 = vector.load %arg28[%get3A_225, %get3A_226] : memref<48x96xf32, #tpu.memory_space<vmem>>, vector<48x96xf32>
    %dot_general3A_228 = arith.constant dense<0.000000e+00> : vector<64x96x96xf32>
    %dot_general3A_229 = tpu.matmul %dot_general3A_168, %get3A_227, %dot_general3A_228 {dimension_numbers = #tpu.dot_dimension_numbers<[2], [0], [0, 1], [1], [0, 0, 0, 1, 1, 1], [], []>, transpose_lhs_hint = false} : vector<64x96x48xf32>, vector<48x96xf32>, vector<64x96x96xf32> -> vector<64x96x96xf32>
    %get3A_230 = arith.constant 0 : index
    %get3A_231 = arith.constant 0 : index
    %get3A_232 = vector.load %arg29[%get3A_230, %get3A_231] : memref<48x96xf32, #tpu.memory_space<vmem>>, vector<48x96xf32>
    %dot_general3A_233 = arith.constant dense<0.000000e+00> : vector<64x96x96xf32>
    %dot_general3A_234 = tpu.matmul %dot_general3A_224, %get3A_232, %dot_general3A_233 {dimension_numbers = #tpu.dot_dimension_numbers<[2], [0], [0, 1], [1], [0, 0, 0, 1, 1, 1], [], []>, transpose_lhs_hint = false} : vector<64x96x48xf32>, vector<48x96xf32>, vector<64x96x96xf32> -> vector<64x96x96xf32>
    %add3A_235 = arith.addf %dot_general3A_229, %dot_general3A_234 : vector<64x96x96xf32>
    %get3A_236 = arith.constant 0 : index
    %get3A_237 = arith.constant 0 : index
    %get3A_238 = vector.load %arg30[%get3A_236, %get3A_237] : memref<1x96xf32, #tpu.memory_space<vmem>>, vector<1x96xf32>
    %squeeze3A_239 = vector.shape_cast %get3A_238 : vector<1x96xf32> to vector<96xf32>
    %broadcast_in_dim3A_240 = vector.shape_cast %squeeze3A_239 : vector<96xf32> to vector<1x1x96xf32>
    %add3A_241 = vector.broadcast %broadcast_in_dim3A_240 : vector<1x1x96xf32> to vector<64x96x96xf32>
    %add3A_242 = arith.addf %add3A_235, %add3A_241 : vector<64x96x96xf32>
    %max3A_243 = arith.constant 0.000000e+00 : f32
    %max3A_244 = vector.broadcast %max3A_243 : f32 to vector<64x96x96xf32>
    %max3A_245 = arith.maximumf %add3A_242, %max3A_244 : vector<64x96x96xf32>
    %add3A_246 = arith.addf %concatenate3A, %max3A_245 : vector<64x96x96xf32>
    %mul3A_247 = arith.constant 5.000000e-01 : f32
    %mul3A_248 = vector.broadcast %mul3A_247 : f32 to vector<64x96x96xf32>
    %mul3A_249 = arith.mulf %add3A_246, %mul3A_248 : vector<64x96x96xf32>
    %slice3A = vector.extract_strided_slice %mul3A_249 {offsets = [0, 0, 0], sizes = [64, 90, 96], strides = [1, 1, 1]} : vector<64x96x96xf32> to vector<64x90x96xf32>
    %reshape3A_250 = vector.shape_cast %slice3A : vector<64x90x96xf32> to vector<64x8640xf32>
    %swap3A_251 = arith.constant 0 : index
    %swap3A_252 = arith.constant 0 : index
    %swap3A_253 = vector.load %arg44[%swap3A_251, %swap3A_252] : memref<64x8704xf32, #tpu.memory_space<vmem>>, vector<64x8640xf32>
    tpu.vector_store %arg44[%swap3A_251, %swap3A_252], %reshape3A_250 {strides = array<i32>} : memref<64x8704xf32, #tpu.memory_space<vmem>>, vector<64x8640xf32>,
    %swap3A_254 = arith.constant 0 : index
    %swap3A_255 = arith.constant 8640 : index
    %swap3A_256 = vector.load %arg44[%swap3A_254, %swap3A_255] : memref<64x8704xf32, #tpu.memory_space<vmem>>, vector<64x64xf32>
    tpu.vector_store %arg44[%swap3A_254, %swap3A_255], %tanh3A {strides = array<i32>} : memref<64x8704xf32, #tpu.memory_space<vmem>>, vector<64x64xf32>,
    %get3A_257 = arith.constant 0 : index
    %get3A_258 = arith.constant 0 : index
    %get3A_259 = vector.load %arg31[%get3A_257, %get3A_258] : memref<8640x64xf32, #tpu.memory_space<vmem>>, vector<8640x64xf32>
    %dot_general3A_260 = arith.constant dense<0.000000e+00> : vector<64x64xf32>
    %dot_general3A_261 = tpu.matmul %reshape3A_250, %get3A_259, %dot_general3A_260 {dimension_numbers = #tpu.dot_dimension_numbers<[1], [0], [0], [1], [0, 0, 1, 1], [], []>, transpose_lhs_hint = false} : vector<64x8640xf32>, vector<8640x64xf32>, vector<64x64xf32> -> vector<64x64xf32>
    %get3A_262 = arith.constant 0 : index
    %get3A_263 = arith.constant 0 : index
    %get3A_264 = vector.load %arg32[%get3A_262, %get3A_263] : memref<64x64xf32, #tpu.memory_space<vmem>>, vector<64x64xf32>
    %dot_general3A_265 = arith.constant dense<0.000000e+00> : vector<64x64xf32>
    %dot_general3A_266 = tpu.matmul %tanh3A, %get3A_264, %dot_general3A_265 {dimension_numbers = #tpu.dot_dimension_numbers<[1], [0], [0], [1], [0, 0, 1, 1], [], []>, transpose_lhs_hint = false} : vector<64x64xf32>, vector<64x64xf32>, vector<64x64xf32> -> vector<64x64xf32>
    %add3A_267 = arith.addf %dot_general3A_261, %dot_general3A_266 : vector<64x64xf32>
    %get3A_268 = arith.constant 0 : index
    %get3A_269 = arith.constant 0 : index
    %get3A_270 = vector.load %arg33[%get3A_268, %get3A_269] : memref<1x64xf32, #tpu.memory_space<vmem>>, vector<1x64xf32>
    %squeeze3A_271 = vector.shape_cast %get3A_270 : vector<1x64xf32> to vector<64xf32>
    %broadcast_in_dim3A_272 = vector.shape_cast %squeeze3A_271 : vector<64xf32> to vector<1x64xf32>
    %add3A_273 = vector.broadcast %broadcast_in_dim3A_272 : vector<1x64xf32> to vector<64x64xf32>
    %add3A_274 = arith.addf %add3A_267, %add3A_273 : vector<64x64xf32>
    %max3A_275 = arith.constant 0.000000e+00 : f32
    %max3A_276 = vector.broadcast %max3A_275 : f32 to vector<64x64xf32>
    %max3A_277 = arith.maximumf %add3A_274, %max3A_276 : vector<64x64xf32>
    %get3A_278 = arith.constant 0 : index
    %get3A_279 = arith.constant 0 : index
    %get3A_280 = vector.load %arg34[%get3A_278, %get3A_279] : memref<64x3xf32, #tpu.memory_space<vmem>>, vector<64x3xf32>
    %dot_general3A_281 = arith.constant dense<0.000000e+00> : vector<64x3xf32>
    %dot_general3A_282 = tpu.matmul %max3A_277, %get3A_280, %dot_general3A_281 {dimension_numbers = #tpu.dot_dimension_numbers<[1], [0], [0], [1], [0, 0, 1, 1], [], []>, transpose_lhs_hint = false} : vector<64x64xf32>, vector<64x3xf32>, vector<64x3xf32> -> vector<64x3xf32>
    %get3A_283 = arith.constant 0 : index
    %get3A_284 = arith.constant 0 : index
    %get3A_285 = vector.load %arg35[%get3A_283, %get3A_284] : memref<1x3xf32, #tpu.memory_space<vmem>>, vector<1x3xf32>
    %squeeze3A_286 = vector.shape_cast %get3A_285 : vector<1x3xf32> to vector<3xf32>
    %broadcast_in_dim3A_287 = vector.shape_cast %squeeze3A_286 : vector<3xf32> to vector<1x3xf32>
    %add3A_288 = vector.broadcast %broadcast_in_dim3A_287 : vector<1x3xf32> to vector<64x3xf32>
    %add3A_289 = arith.addf %dot_general3A_282, %add3A_288 : vector<64x3xf32>
    %reduce_max3A_290 = arith.constant dense<0xFF800000> : vector<64xf32>
    %reduce_max3A_291 = vector.multi_reduction <maximumf>, %add3A_289, %reduce_max3A_290 [1] : vector<64x3xf32> to vector<64xf32>
    %broadcast_in_dim3A_292 = vector.shape_cast %reduce_max3A_291 : vector<64xf32> to vector<64x1xf32>
    %sub3A_293 = vector.broadcast %broadcast_in_dim3A_292 : vector<64x1xf32> to vector<64x3xf32>
    %sub3A_294 = arith.subf %add3A_289, %sub3A_293 : vector<64x3xf32>
    %exp3A_295 = math.exp %sub3A_294 : vector<64x3xf32>
    %reduce_sum3A = arith.constant dense<0.000000e+00> : vector<64xf32>
    %reduce_sum3A_296 = vector.multi_reduction <add>, %exp3A_295, %reduce_sum3A [1] : vector<64x3xf32> to vector<64xf32>
    %broadcast_in_dim3A_297 = vector.shape_cast %reduce_sum3A_296 : vector<64xf32> to vector<64x1xf32>
    %log3A = math.log %broadcast_in_dim3A_297 : vector<64x1xf32>
    %sub3A_298 = vector.broadcast %log3A : vector<64x1xf32> to vector<64x3xf32>
    %sub3A_299 = arith.subf %sub3A_294, %sub3A_298 : vector<64x3xf32>
    %swap3A_300 = arith.constant 0 : index
    %swap3A_301 = arith.constant 0 : index
    %swap3A_302 = vector.load %arg41[%swap3A_300, %swap3A_301] : memref<64x3xf32, #tpu.memory_space<vmem>>, vector<64x3xf32>
    tpu.vector_store %arg41[%swap3A_300, %swap3A_301], %sub3A_299 {strides = array<i32>} : memref<64x3xf32, #tpu.memory_space<vmem>>, vector<64x3xf32>,
    %get3A_303 = arith.constant 0 : index
    %get3A_304 = arith.constant 0 : index
    %get3A_305 = vector.load %arg36[%get3A_303, %get3A_304] : memref<8640x64xf32, #tpu.memory_space<vmem>>, vector<8640x64xf32>
    %dot_general3A_306 = arith.constant dense<0.000000e+00> : vector<64x64xf32>
    %dot_general3A_307 = tpu.matmul %reshape3A_250, %get3A_305, %dot_general3A_306 {dimension_numbers = #tpu.dot_dimension_numbers<[1], [0], [0], [1], [0, 0, 1, 1], [], []>, transpose_lhs_hint = false} : vector<64x8640xf32>, vector<8640x64xf32>, vector<64x64xf32> -> vector<64x64xf32>
    %get3A_308 = arith.constant 0 : index
    %get3A_309 = arith.constant 0 : index
    %get3A_310 = vector.load %arg37[%get3A_308, %get3A_309] : memref<64x64xf32, #tpu.memory_space<vmem>>, vector<64x64xf32>
    %dot_general3A_311 = arith.constant dense<0.000000e+00> : vector<64x64xf32>
    %dot_general3A_312 = tpu.matmul %tanh3A, %get3A_310, %dot_general3A_311 {dimension_numbers = #tpu.dot_dimension_numbers<[1], [0], [0], [1], [0, 0, 1, 1], [], []>, transpose_lhs_hint = false} : vector<64x64xf32>, vector<64x64xf32>, vector<64x64xf32> -> vector<64x64xf32>
    %add3A_313 = arith.addf %dot_general3A_307, %dot_general3A_312 : vector<64x64xf32>
    %get3A_314 = arith.constant 0 : index
    %get3A_315 = arith.constant 0 : index
    %get3A_316 = vector.load %arg38[%get3A_314, %get3A_315] : memref<1x64xf32, #tpu.memory_space<vmem>>, vector<1x64xf32>
    %squeeze3A_317 = vector.shape_cast %get3A_316 : vector<1x64xf32> to vector<64xf32>
    %broadcast_in_dim3A_318 = vector.shape_cast %squeeze3A_317 : vector<64xf32> to vector<1x64xf32>
    %add3A_319 = vector.broadcast %broadcast_in_dim3A_318 : vector<1x64xf32> to vector<64x64xf32>
    %add3A_320 = arith.addf %add3A_313, %add3A_319 : vector<64x64xf32>
    %max3A_321 = arith.constant 0.000000e+00 : f32
    %max3A_322 = vector.broadcast %max3A_321 : f32 to vector<64x64xf32>
    %max3A_323 = arith.maximumf %add3A_320, %max3A_322 : vector<64x64xf32>
    %get3A_324 = arith.constant 0 : index
    %get3A_325 = arith.constant 0 : index
    %get3A_326 = vector.load %arg39[%get3A_324, %get3A_325] : memref<64x2xf32, #tpu.memory_space<vmem>>, vector<64x2xf32>
    %dot_general3A_327 = arith.constant dense<0.000000e+00> : vector<64x2xf32>
    %dot_general3A_328 = tpu.matmul %max3A_323, %get3A_326, %dot_general3A_327 {dimension_numbers = #tpu.dot_dimension_numbers<[1], [0], [0], [1], [0, 0, 1, 1], [], []>, transpose_lhs_hint = false} : vector<64x64xf32>, vector<64x2xf32>, vector<64x2xf32> -> vector<64x2xf32>
    %get3A_329 = arith.constant 0 : index
    %get3A_330 = arith.constant 0 : index
    %get3A_331 = vector.load %arg40[%get3A_329, %get3A_330] : memref<1x2xf32, #tpu.memory_space<vmem>>, vector<1x2xf32>
    %squeeze3A_332 = vector.shape_cast %get3A_331 : vector<1x2xf32> to vector<2xf32>
    %broadcast_in_dim3A_333 = vector.shape_cast %squeeze3A_332 : vector<2xf32> to vector<1x2xf32>
    %add3A_334 = vector.broadcast %broadcast_in_dim3A_333 : vector<1x2xf32> to vector<64x2xf32>
    %add3A_335 = arith.addf %dot_general3A_328, %add3A_334 : vector<64x2xf32>
    %reduce_max3A_336 = arith.constant dense<0xFF800000> : vector<64xf32>
    %reduce_max3A_337 = vector.multi_reduction <maximumf>, %add3A_335, %reduce_max3A_336 [1] : vector<64x2xf32> to vector<64xf32>
    %broadcast_in_dim3A_338 = vector.shape_cast %reduce_max3A_337 : vector<64xf32> to vector<64x1xf32>
    %sub3A_339 = vector.broadcast %broadcast_in_dim3A_338 : vector<64x1xf32> to vector<64x2xf32>
    %sub3A_340 = arith.subf %add3A_335, %sub3A_339 : vector<64x2xf32>
    %exp3A_341 = math.exp %sub3A_340 : vector<64x2xf32>
    %reduce_sum3A_342 = arith.constant dense<0.000000e+00> : vector<64xf32>
    %reduce_sum3A_343 = vector.multi_reduction <add>, %exp3A_341, %reduce_sum3A_342 [1] : vector<64x2xf32> to vector<64xf32>
    %broadcast_in_dim3A_344 = vector.shape_cast %reduce_sum3A_343 : vector<64xf32> to vector<64x1xf32>
    %log3A_345 = math.log %broadcast_in_dim3A_344 : vector<64x1xf32>
    %sub3A_346 = vector.broadcast %log3A_345 : vector<64x1xf32> to vector<64x2xf32>
    %sub3A_347 = arith.subf %sub3A_340, %sub3A_346 : vector<64x2xf32>
    %swap3A_348 = arith.constant 0 : index
    %swap3A_349 = arith.constant 0 : index
    %swap3A_350 = vector.load %arg42[%swap3A_348, %swap3A_349] : memref<64x2xf32, #tpu.memory_space<vmem>>, vector<64x2xf32>
    tpu.vector_store %arg42[%swap3A_348, %swap3A_349], %sub3A_347 {strides = array<i32>} : memref<64x2xf32, #tpu.memory_space<vmem>>, vector<64x2xf32>,
    return
  }
  func.func @transform_0(%arg0: i32) -> (i32, i32, i32) {
    %c0_i32 = arith.constant 0 : i32
    %c0_i32_0 = arith.constant 0 : i32
    %c0_i32_1 = arith.constant 0 : i32
    return %arg0, %c0_i32, %c0_i32_0 : i32, i32, i32
  }
  func.func @transform_1(%arg0: i32) -> (i32, i32) {
    %c0_i32 = arith.constant 0 : i32
    %c0_i32_0 = arith.constant 0 : i32
    return %arg0, %c0_i32 : i32, i32
  }
  func.func @transform_2(%arg0: i32) -> (i32, i32) {
    %c0_i32 = arith.constant 0 : i32
    %c0_i32_0 = arith.constant 0 : i32
    return %arg0, %c0_i32 : i32, i32
  }
  func.func @transform_3(%arg0: i32) -> (i32, i32) {
    %c0_i32 = arith.constant 0 : i32
    %c0_i32_0 = arith.constant 0 : i32
    %c0_i32_1 = arith.constant 0 : i32
    return %c0_i32, %c0_i32_0 : i32, i32
  }
  func.func @transform_4(%arg0: i32) -> (i32, i32) {
    %c0_i32 = arith.constant 0 : i32
    %c0_i32_0 = arith.constant 0 : i32
    %c0_i32_1 = arith.constant 0 : i32
    return %c0_i32, %c0_i32_0 : i32, i32
  }
  func.func @transform_5(%arg0: i32) -> (i32, i32) {
    %c0_i32 = arith.constant 0 : i32
    %c0_i32_0 = arith.constant 0 : i32
    %c0_i32_1 = arith.constant 0 : i32
    return %c0_i32, %c0_i32_0 : i32, i32
  }
  func.func @transform_6(%arg0: i32) -> (i32, i32) {
    %c0_i32 = arith.constant 0 : i32
    %c0_i32_0 = arith.constant 0 : i32
    %c0_i32_1 = arith.constant 0 : i32
    return %c0_i32, %c0_i32_0 : i32, i32
  }
  func.func @transform_7(%arg0: i32) -> (i32, i32) {
    %c0_i32 = arith.constant 0 : i32
    %c0_i32_0 = arith.constant 0 : i32
    %c0_i32_1 = arith.constant 0 : i32
    return %c0_i32, %c0_i32_0 : i32, i32
  }
  func.func @transform_8(%arg0: i32) -> (i32, i32) {
    %c0_i32 = arith.constant 0 : i32
    %c0_i32_0 = arith.constant 0 : i32
    %c0_i32_1 = arith.constant 0 : i32
    return %c0_i32, %c0_i32_0 : i32, i32
  }
  func.func @transform_9(%arg0: i32) -> (i32, i32) {
    %c0_i32 = arith.constant 0 : i32
    %c0_i32_0 = arith.constant 0 : i32
    %c0_i32_1 = arith.constant 0 : i32
    return %c0_i32, %c0_i32_0 : i32, i32
  }
  func.func @transform_10(%arg0: i32) -> (i32, i32) {
    %c0_i32 = arith.constant 0 : i32
    %c0_i32_0 = arith.constant 0 : i32
    %c0_i32_1 = arith.constant 0 : i32
    return %c0_i32, %c0_i32_0 : i32, i32
  }
  func.func @transform_11(%arg0: i32) -> (i32, i32) {
    %c0_i32 = arith.constant 0 : i32
    %c0_i32_0 = arith.constant 0 : i32
    %c0_i32_1 = arith.constant 0 : i32
    return %c0_i32, %c0_i32_0 : i32, i32
  }
  func.func @transform_12(%arg0: i32) -> (i32, i32) {
    %c0_i32 = arith.constant 0 : i32
    %c0_i32_0 = arith.constant 0 : i32
    %c0_i32_1 = arith.constant 0 : i32
    return %c0_i32, %c0_i32_0 : i32, i32
  }
  func.func @transform_13(%arg0: i32) -> (i32, i32) {
    %c0_i32 = arith.constant 0 : i32
    %c0_i32_0 = arith.constant 0 : i32
    %c0_i32_1 = arith.constant 0 : i32
    return %c0_i32, %c0_i32_0 : i32, i32
  }
  func.func @transform_14(%arg0: i32) -> (i32, i32) {
    %c0_i32 = arith.constant 0 : i32
    %c0_i32_0 = arith.constant 0 : i32
    %c0_i32_1 = arith.constant 0 : i32
    return %c0_i32, %c0_i32_0 : i32, i32
  }
  func.func @transform_15(%arg0: i32) -> (i32, i32) {
    %c0_i32 = arith.constant 0 : i32
    %c0_i32_0 = arith.constant 0 : i32
    %c0_i32_1 = arith.constant 0 : i32
    return %c0_i32, %c0_i32_0 : i32, i32
  }
  func.func @transform_16(%arg0: i32) -> (i32, i32) {
    %c0_i32 = arith.constant 0 : i32
    %c0_i32_0 = arith.constant 0 : i32
    %c0_i32_1 = arith.constant 0 : i32
    return %c0_i32, %c0_i32_0 : i32, i32
  }
  func.func @transform_17(%arg0: i32) -> (i32, i32) {
    %c0_i32 = arith.constant 0 : i32
    %c0_i32_0 = arith.constant 0 : i32
    %c0_i32_1 = arith.constant 0 : i32
    return %c0_i32, %c0_i32_0 : i32, i32
  }
  func.func @transform_18(%arg0: i32) -> (i32, i32) {
    %c0_i32 = arith.constant 0 : i32
    %c0_i32_0 = arith.constant 0 : i32
    %c0_i32_1 = arith.constant 0 : i32
    return %c0_i32, %c0_i32_0 : i32, i32
  }
  func.func @transform_19(%arg0: i32) -> (i32, i32) {
    %c0_i32 = arith.constant 0 : i32
    %c0_i32_0 = arith.constant 0 : i32
    %c0_i32_1 = arith.constant 0 : i32
    return %c0_i32, %c0_i32_0 : i32, i32
  }
  func.func @transform_20(%arg0: i32) -> (i32, i32) {
    %c0_i32 = arith.constant 0 : i32
    %c0_i32_0 = arith.constant 0 : i32
    %c0_i32_1 = arith.constant 0 : i32
    return %c0_i32, %c0_i32_0 : i32, i32
  }
  func.func @transform_21(%arg0: i32) -> (i32, i32) {
    %c0_i32 = arith.constant 0 : i32
    %c0_i32_0 = arith.constant 0 : i32
    %c0_i32_1 = arith.constant 0 : i32
    return %c0_i32, %c0_i32_0 : i32, i32
  }
  func.func @transform_22(%arg0: i32) -> (i32, i32) {
    %c0_i32 = arith.constant 0 : i32
    %c0_i32_0 = arith.constant 0 : i32
    %c0_i32_1 = arith.constant 0 : i32
    return %c0_i32, %c0_i32_0 : i32, i32
  }
  func.func @transform_23(%arg0: i32) -> (i32, i32) {
    %c0_i32 = arith.constant 0 : i32
    %c0_i32_0 = arith.constant 0 : i32
    %c0_i32_1 = arith.constant 0 : i32
    return %c0_i32, %c0_i32_0 : i32, i32
  }
  func.func @transform_24(%arg0: i32) -> (i32, i32) {
    %c0_i32 = arith.constant 0 : i32
    %c0_i32_0 = arith.constant 0 : i32
    %c0_i32_1 = arith.constant 0 : i32
    return %c0_i32, %c0_i32_0 : i32, i32
  }
  func.func @transform_25(%arg0: i32) -> (i32, i32) {
    %c0_i32 = arith.constant 0 : i32
    %c0_i32_0 = arith.constant 0 : i32
    %c0_i32_1 = arith.constant 0 : i32
    return %c0_i32, %c0_i32_0 : i32, i32
  }
  func.func @transform_26(%arg0: i32) -> (i32, i32) {
    %c0_i32 = arith.constant 0 : i32
    %c0_i32_0 = arith.constant 0 : i32
    %c0_i32_1 = arith.constant 0 : i32
    return %c0_i32, %c0_i32_0 : i32, i32
  }
  func.func @transform_27(%arg0: i32) -> (i32, i32) {
    %c0_i32 = arith.constant 0 : i32
    %c0_i32_0 = arith.constant 0 : i32
    %c0_i32_1 = arith.constant 0 : i32
    return %c0_i32, %c0_i32_0 : i32, i32
  }
  func.func @transform_28(%arg0: i32) -> (i32, i32) {
    %c0_i32 = arith.constant 0 : i32
    %c0_i32_0 = arith.constant 0 : i32
    %c0_i32_1 = arith.constant 0 : i32
    return %c0_i32, %c0_i32_0 : i32, i32
  }
  func.func @transform_29(%arg0: i32) -> (i32, i32) {
    %c0_i32 = arith.constant 0 : i32
    %c0_i32_0 = arith.constant 0 : i32
    %c0_i32_1 = arith.constant 0 : i32
    return %c0_i32, %c0_i32_0 : i32, i32
  }
  func.func @transform_30(%arg0: i32) -> (i32, i32) {
    %c0_i32 = arith.constant 0 : i32
    %c0_i32_0 = arith.constant 0 : i32
    %c0_i32_1 = arith.constant 0 : i32
    return %c0_i32, %c0_i32_0 : i32, i32
  }
  func.func @transform_31(%arg0: i32) -> (i32, i32) {
    %c0_i32 = arith.constant 0 : i32
    %c0_i32_0 = arith.constant 0 : i32
    %c0_i32_1 = arith.constant 0 : i32
    return %c0_i32, %c0_i32_0 : i32, i32
  }
  func.func @transform_32(%arg0: i32) -> (i32, i32) {
    %c0_i32 = arith.constant 0 : i32
    %c0_i32_0 = arith.constant 0 : i32
    %c0_i32_1 = arith.constant 0 : i32
    return %c0_i32, %c0_i32_0 : i32, i32
  }
  func.func @transform_33(%arg0: i32) -> (i32, i32) {
    %c0_i32 = arith.constant 0 : i32
    %c0_i32_0 = arith.constant 0 : i32
    %c0_i32_1 = arith.constant 0 : i32
    return %c0_i32, %c0_i32_0 : i32, i32
  }
  func.func @transform_34(%arg0: i32) -> (i32, i32) {
    %c0_i32 = arith.constant 0 : i32
    %c0_i32_0 = arith.constant 0 : i32
    %c0_i32_1 = arith.constant 0 : i32
    return %c0_i32, %c0_i32_0 : i32, i32
  }
  func.func @transform_35(%arg0: i32) -> (i32, i32) {
    %c0_i32 = arith.constant 0 : i32
    %c0_i32_0 = arith.constant 0 : i32
    %c0_i32_1 = arith.constant 0 : i32
    return %c0_i32, %c0_i32_0 : i32, i32
  }
  func.func @transform_36(%arg0: i32) -> (i32, i32) {
    %c0_i32 = arith.constant 0 : i32
    %c0_i32_0 = arith.constant 0 : i32
    %c0_i32_1 = arith.constant 0 : i32
    return %c0_i32, %c0_i32_0 : i32, i32
  }
  func.func @transform_37(%arg0: i32) -> (i32, i32) {
    %c0_i32 = arith.constant 0 : i32
    %c0_i32_0 = arith.constant 0 : i32
    %c0_i32_1 = arith.constant 0 : i32
    return %c0_i32, %c0_i32_0 : i32, i32
  }
  func.func @transform_38(%arg0: i32) -> (i32, i32) {
    %c0_i32 = arith.constant 0 : i32
    %c0_i32_0 = arith.constant 0 : i32
    %c0_i32_1 = arith.constant 0 : i32
    return %c0_i32, %c0_i32_0 : i32, i32
  }
  func.func @transform_39(%arg0: i32) -> (i32, i32) {
    %c0_i32 = arith.constant 0 : i32
    %c0_i32_0 = arith.constant 0 : i32
    %c0_i32_1 = arith.constant 0 : i32
    return %c0_i32, %c0_i32_0 : i32, i32
  }
  func.func @transform_40(%arg0: i32) -> (i32, i32) {
    %c0_i32 = arith.constant 0 : i32
    %c0_i32_0 = arith.constant 0 : i32
    return %arg0, %c0_i32 : i32, i32
  }
  func.func @transform_41(%arg0: i32) -> (i32, i32) {
    %c0_i32 = arith.constant 0 : i32
    %c0_i32_0 = arith.constant 0 : i32
    return %arg0, %c0_i32 : i32, i32
  }
  func.func @transform_42(%arg0: i32) -> (i32, i32) {
    %c0_i32 = arith.constant 0 : i32
    %c0_i32_0 = arith.constant 0 : i32
    return %arg0, %c0_i32 : i32, i32
  }
  func.func @transform_43(%arg0: i32) -> (i32, i32) {
    %c0_i32 = arith.constant 0 : i32
    %c0_i32_0 = arith.constant 0 : i32
    return %arg0, %c0_i32 : i32, i32
  }
}

</mosaic_0001>

<sc_bundles>
// kernel: kernel.4.cloned.1.call-start
scs
__scs_entry_jumppad:
0x0: {  	(pc) =	sbr.rel $0x88, $3  }
0x1: {  	(tag) =	ssettag $0x0;
	lr =	simm.s32 $0x1  }
0x2: {  	[smem:$0x3F81] =	sst lr;
	_ =	strace $0xD0000000  }
0x3: {  	_ = 	snop  }
0x4: {  	_ = 	snop  }
0x5: {  	_ = 	snop  }
0x6: {  	_ = 	snop  }
0x7: {  	_ = 	snop  }
__scs_overlays_trampoline_lowered:
0x8: {  	[smem:$0x3F90] =	sst s0  }
0x9: {  	[smem:$0x3F91] =	sst s1  }
0xa: {  	[smem:$0x3F92] =	sst s2  }
0xb: {  	[smem:$0x3F93] =	sst s3  }
0xc: {  	[smem:$0x3F94] =	sst s4  }
0xd: {  	[smem:$0x3F95] =	sst s5  }
0xe: {  	[smem:$0x3F96] =	sst s6  }
0xf: {  	[smem:$0x3F97] =	sst s7  }
0x10: {  	[smem:$0x3F98] =	sst s8  }
0x11: {  	[smem:$0x3F99] =	sst s9;
	s0 =	simm.s32 @!p0 $0x0  }
0x12: {  	s1 =	sld [smem:$0x3F7F];
	s0 =	simm.s32 @p0 $0x1  }
0x13: {  	[smem:$0x3F9A] =	sst s0;
	s0 =	simm.s32 @!p1 $0x0  }
0x14: {  	s2 =	sld [smem:$0x3F7E];
	s0 =	simm.s32 @p1 $0x1  }
0x15: {  	[smem:$0x3F9B] =	sst s0;
	s0 =	simm.s32 @!p2 $0x0  }
0x16: {  	s3 =	sld [smem:$0x3FDB];
	s0 =	simm.s32 @p2 $0x1  }
0x17: {  	s4 =	simm.s32 $0x1BF5;
	[smem:$0x3F9D] =	sst s0  }
0x18: {  	s0 =	sld [smem:$0x3F80];
	_ =	swait.ge [sflag:s4], $0x0  }
0x19: {  	s7 =	sld [smem:$0x3F81]  }
0x1a: {  	s8 =	sadd.s32 $0xFFFFE003, lr  }
0x1b: {  	s9 =	sadd.s32 $0xFFFFFEF7, lr;
	s5 =	simm.s32 $0xFFFFFFFF;
	p2 =	slt.u32 s8, $0xFFFFF086  }
0x1c: {  	p1 =	slt.u32 s9, $0xF7A;
	s5 =	simm.s32 @!p2 $0x0  }
0x1d: {  	s5 =	simm.s32 @p1 $0x1;
	p0 =	seq.s32 s7, s2  }
0x1e: {  	s7 =	smul.u32 @!p0 $0xF7A, s2;
	p2 =	seq.s32 @!p0 s5, $0x0  }
0x1f: {  	s9 =	smul.u32 $0xF7A, s1;
	s8 =	simm.s32 @!p0 $0x1BF5;
	p2 =	por !p2, p0  }
0x20: {  	[sflag:s8] =	ssyncset.s32 @!p0 $0xFFFFF086;
	s6 =	sadd.s32 @!p0 s3, s7;
	s7 =	simm.s32 @!p0 $0x108  }
0x21: {  	s3 =	sadd.s32 s3, s9;
	s6 =	sadd.s32 @!p0 $0x88, s6;
	s7 =	simm.s32 @p2 $0x1082  }
0x22: {  	[simem:s7], [sflag:s8] =	dma.local @!p0 [hbm:s6], $0xF7A  }
0x23: {  	s9 =	sor.u32 $0xD0000000, s2;
	s6 =	simm.s32 $0x108;
	_ =	swait.ge @!p0 [sflag:s8], $0x0  }
0x24: {  	s3 =	sadd.s32 $0x88, s3;
	s6 =	simm.s32 @!p1 $0x1082;
	[sflag:s4] =	ssyncset.s32 $0xFFFFF086  }
0x25: {  	[simem:s6], [sflag:s4] =	dma.local [hbm:s3], $0xF7A  }
0x26: {  	[smem:$0x3F81] =	sst s1;
	(tag) =	ssettag s2;
	_ =	strace s9  }
0x27: {  	s1 =	sld [smem:$0x3F91]  }
0x28: {  	s2 =	sld [smem:$0x3F92]  }
0x29: {  	s4 =	sld [smem:$0x3F94]  }
0x2a: {  	p0 =	seq.s32 s5, $0x0;
	s5 =	sld [smem:$0x3F95]  }
0x2b: {  	s6 =	sld [smem:$0x3F96]  }
0x2c: {  	s7 =	sld [smem:$0x3F97]  }
0x2d: {  	s3 =	simm.s32 $0x108;
	s8 =	sld [smem:$0x3F98]  }
0x2e: {  	s3 =	simm.s32 @!p0 $0x1082;
	s9 =	sld [smem:$0x3F99]  }
0x2f: {  	lr =	sadd.s32 s0, s3;
	s0 =	sld [smem:$0x3F90]  }
0x30: {  	s3 =	sld [smem:$0x3F93]  }
0x31: {  	[smem:$0x3F9C] =	sst s10  }
0x32: {  	s10 =	sld [smem:$0x3F9A];
	_ =	sdelay $0x3  }
0x33: {  	p0 =	seq.s32 s10, $0x1;
	s10 =	sld [smem:$0x3F9C];
	_ =	sdelay $0x3  }
0x34: {  	[smem:$0x3F9C] =	sst s10  }
0x35: {  	s10 =	sld [smem:$0x3F9B];
	_ =	sdelay $0x3  }
0x36: {  	p1 =	seq.s32 s10, $0x1;
	s10 =	sld [smem:$0x3F9C];
	_ =	sdelay $0x3  }
0x37: {  	[smem:$0x3F9C] =	sst s10  }
0x38: {  	s10 =	sld [smem:$0x3F9D]  }
0x39: {  	_ = 	snop;
	(pc) =	sbr.ind lr, $3  }
0x3a: {  	_ = 	snop  }
0x3b: {  	_ = 	snop  }
0x3c: {  	p2 =	seq.s32 s10, $0x1;
	s10 =	sld [smem:$0x3F9C]  }
0x3d: {  	_ =	shalt  }
0x3e: {  	_ =	shalt  }
0x3f: {  	_ =	shalt  }
0x40: {  	_ =	shalt  }
0x41: {  	_ =	shalt  }
0x42: {  	_ =	shalt  }
0x43: {  	_ =	shalt  }
0x44: {  	_ =	shalt  }
0x45: {  	_ =	shalt  }
0x46: {  	_ =	shalt  }
0x47: {  	_ =	shalt  }
0x48: {  	_ =	shalt  }
0x49: {  	_ =	shalt  }
0x4a: {  	_ =	shalt  }
0x4b: {  	_ =	shalt  }
0x4c: {  	_ =	shalt  }
0x4d: {  	_ =	shalt  }
0x4e: {  	_ =	shalt  }
0x4f: {  	_ =	shalt  }
0x50: {  	_ =	shalt  }
0x51: {  	_ =	shalt  }
0x52: {  	_ =	shalt  }
0x53: {  	_ =	shalt  }
0x54: {  	_ =	shalt  }
0x55: {  	_ =	shalt  }
0x56: {  	_ =	shalt  }
0x57: {  	_ =	shalt  }
0x58: {  	_ =	shalt  }
0x59: {  	_ =	shalt  }
0x5a: {  	_ =	shalt  }
0x5b: {  	_ =	shalt  }
0x5c: {  	_ =	shalt  }
0x5d: {  	_ =	shalt  }
0x5e: {  	_ =	shalt  }
0x5f: {  	_ =	shalt  }
0x60: {  	_ =	shalt  }
0x61: {  	_ =	shalt  }
0x62: {  	_ =	shalt  }
0x63: {  	_ =	shalt  }
0x64: {  	_ =	shalt  }
0x65: {  	_ =	shalt  }
0x66: {  	_ =	shalt  }
0x67: {  	_ =	shalt  }
0x68: {  	_ =	shalt  }
0x69: {  	_ =	shalt  }
0x6a: {  	_ =	shalt  }
0x6b: {  	_ =	shalt  }
0x6c: {  	_ =	shalt  }
0x6d: {  	_ =	shalt  }
0x6e: {  	_ =	shalt  }
0x6f: {  	_ =	shalt  }
0x70: {  	_ =	shalt  }
0x71: {  	_ =	shalt  }
0x72: {  	_ =	shalt  }
0x73: {  	_ =	shalt  }
0x74: {  	_ =	shalt  }
0x75: {  	_ =	shalt  }
0x76: {  	_ =	shalt  }
0x77: {  	_ =	shalt  }
0x78: {  	_ =	shalt  }
0x79: {  	_ =	shalt  }
0x7a: {  	_ =	shalt  }
0x7b: {  	_ =	shalt  }
0x7c: {  	_ =	shalt  }
0x7d: {  	_ =	shalt  }
0x7e: {  	_ =	shalt  }
0x7f: {  	_ =	shalt  }
0x80: {  	_ =	shalt  }
0x81: {  	_ =	shalt  }
0x82: {  	_ =	shalt  }
0x83: {  	_ =	shalt  }
0x84: {  	_ =	shalt  }
0x85: {  	_ =	shalt  }
0x86: {  	_ =	shalt  }
0x87: {  	_ =	shalt  }
.Lfunc_end0:
.L_simem_size_0:
called_computation_lowered:
.L_overlay_start_0:
0x88: {  	s2 =	sld [smem:$0x3FD9]  }
0x89: {  	s3 =	sld [smem:$0x3FFE];
	_ =	sdelay $0x1  }
0x8a: {  	s1 =	srdreg.scid  }
0x8b: {  	s0 =	sand.u32 $0x1, s1  }
0x8c: {  	s14 =	sshll.u32 s0, $0xA;
	s2 =	sadd.s32 s3, s2  }
0x8d: {  	s2 =	sadd.s32 s2, s14  }
0x8e: {  	[smem:$0x3FA8] =	sst s2  }
0x8f: {  	_ = 	snop  }
0x90: {  	s2 =	sld [smem:$0x3FD0];
	_ =	sdelay $0x2  }
0x91: {  	s4 =	simm.s32 $0xA;
	s5 =	simm.s32 $0x10;
	s15 =	sld [smem:$0x3FC7]  }
0x92: {  	[smem:s5], [sflag:s4] =	dma.local [hbm:s2], $0x1  }
0x93: {  	_ =	swait.eq [sflag:s4], $0x1  }
0x94: {  	[sflag:s4] =	ssyncset.done $0x0  }
0x95: {  	[sflag:s4] =	ssyncadd.s32 $0xFFFFFFFF  }
0x96: {  	s16 =	sld [smem:$0x13];
	(tm) =	ssettm $0x1  }
0x97: {  	s17 =	sld [smem:$0x3FFB];
	_ =	sdelay $0x3  }
0x98: {  	_ =	strace s17  }
0x99: {  	s4 =	sld [smem:$0x3FFC];
	_ =	sdelay $0x3  }
0x9a: {  	_ =	strace s4  }
0x9b: {  	s4 =	sld [smem:$0x3FFD];
	_ =	sdelay $0x3  }
0x9c: {  	_ =	strace s4  }
0x9d: {  	_ =	strace $0x8FFFFFFF  }
0x9e: {  	s18 =	sld [smem:$0x3FDB];
	_ =	sdelay $0x1  }
0x9f: {  	s19 =	simm.s32 $_scs_section_size  }
0xa0: {  	s6 =	simm.s32 $_size__tile_overlayer_lowered;
	s7 =	simm.s32 $_tile_overlayer_lowered  }
0xa1: {  	s22 =	simm.s32 $0x1BFF;
	s21 =	sshll.u32 s7, $0x1;
	s4 =	sadd.s32 s19, s18  }
0xa2: {  	s8 =	simm.s32 $0x0;
	s20 =	sshll.u32 s6, $0x1;
	s6 =	sadd.s32 s21, s4  }
0xa3: {  	[timem:s8], [sflag:s22] =	dma.local [hbm:s6], s20  }
0xa4: {  	_ =	swait.ge [sflag:s22], s20  }
0xa5: {  	s5 =	ssub.s32 $0x0, s20;
	[sflag:s22] =	ssyncset.done $0x0  }
0xa6: {  	[sflag:s22] =	ssyncadd.s32 s5;
	_ =	sdelay $0x1  }
0xa7: {  	s23 =	simm.s32 $0x1B8B  }
0xa8: {  	_ =	swait.ge [sflag:s23], $0x1  }
0xa9: {  	[sflag:s23] =	ssyncset.done $0x0  }
0xaa: {  	s25 =	simm.s32 $0x1B8E;
	s24 =	sld [smem:$0x3FFE];
	[sflag:s23] =	ssyncadd.s32 $0xFFFFFFFF  }
0xab: {  	s26 =	simm.s32 $execute0_lowered;
	[smem:$0x3FD2] =	sst s25  }
0xac: {  	s6 =	sshll.u32 s26, $0x1;
	_ =	strace $0x80000046;
	[dreg:$0x1] =	wrdreg $0xFFFFFFFF  }
0xad: {  	s28 =	simm.s32 $_size_execute0_lowered;
	s4 =	sadd.s32 s4, s6;
	[dreg:$0x0] =	wrdreg $0x0  }
0xae: {  	s6 =	sshll.u32 s28, $0x1;
	[dreg:$0x2] =	wrdreg s4  }
0xaf: {  	[dreg:$0x3] =	wrdreg s6  }
0xb0: {  	[dreg:$0x4] =	wrdreg $0xC0  }
0xb1: {  	_ =	task [dreg:s8], $0x5FFFF  }
0xb2: {  	[dreg:$0x1] =	wrdreg $0xFFFFFFFF  }
0xb3: {  	[dreg:$0x0] =	wrdreg $0x60  }
0xb4: {  	[dreg:$0x2] =	wrdreg s24  }
0xb5: {  	[dreg:$0x3] =	wrdreg s16  }
0xb6: {  	[dreg:$0x4] =	wrdreg s15  }
0xb7: {  	[dreg:$0x5] =	wrdreg $0x9  }
0xb8: {  	_ =	task.clear_ibuf [dreg:s8], $0x6FFFF;
	_ =	strace $0x90000046  }
0xb9: {  	s29 =	simm.s32 $0x9;
	_ =	strace $0x80000048  }
0xba: {  	_ =	swait.ge [sflag:s29], $0x1  }
0xbb: {  	[sflag:s29] =	ssyncadd.s32 $0xFFFFFFFF  }
0xbc: {  	_ =	strace $0x90000048  }
0xbd: {  	_ =	sfence  }
0xbe: {  	s30 =	sld [smem:$0x0];
	_ =	sdelay $0x2  }
0xbf: {  	s31 =	sshll.u32 s1, $0xD;
	s1 =	sshrl.u32 s1, $0x2  }
0xc0: {  	s3 =	sand.u32 $0x4000, s31;
	s1 =	sadd.s32 s1, s30  }
0xc1: {  	s0 =	sor.u32 s3, s0;
	s1 =	sshll.u32 s1, $0x11  }
0xc2: {  	s0 =	sor.u32 s1, s0  }
0xc3: {  	s0 =	sadd.s32 $0x8F2B, s0  }
0xc4: {  	[sflag:s0] =	ssyncadd.remote.s32 $0x1  }
0xc5: {  	_ =	sfence.sel $0xFFFF  }
0xc6: {  	[dreg:$0x0] =	wrdreg $0xFFFFFFFF;
	(pc) =	sbr.abs _section_cstart, $3  }
0xc7: {  	[dreg:$0x1] =	wrdreg $0xFFFFFFFF  }
0xc8: {  	_ =	task.clear_ibuf [dreg:s8], $0x2FFFF;
	_ =	strace $0x9FFFFFFF  }
0xc9: {  	(tm) =	ssettm $0x7FFFFFFF  }
tec
execute0_lowered:
.L_overlay_start_1:
0x0: {  	(tag) =	ssettag $0x1  }
0x1: {  	s0 =	rddreg [dreg:$0x0]  }
0x2: {  	s2 =	rddreg [dreg:$0x1]  }
0x3: {  	s3 =	rddreg [dreg:$0x2]  }
0x4: {  	s1 =	srdreg.scid;
	s5 =	stileid.u32;
	s4 =	simm.s32 $0x0  }
0x5: {  	s15 =	simm.s32 $0x1700;
	s16 =	simm.s32 $0x2E00;
	s17 =	simm.s32 $0xB80  }
0x6: {  	s18 =	simm.s32 $0x2280;
	s19 =	simm.s32 $0x3980;
	s20 =	simm.s32 $0x4500  }
0x7: {  	s21 =	simm.s32 $0x1;
	s22 =	simm.s32 $0x4;
	s23 =	simm.s32 $0x7500  }
0x8: {  	s24 =	simm.s32 $0x2;
	s1 =	sand.u32 $0x1, s1;
	s5 =	sshll.u32 s5, $0x1  }
0x9: {  	s25 =	simm.s32 $0x3;
	s26 =	simm.s32 $0x0;
	s7 =	sor.u32 s1, s5  }
0xa: {  	[smem:$0x7FF] =	sst s4;
	s6 =	sadd.s32 $0x31A00, s0;
	s8 =	smul.u32 $0xB400, s7  }
0xb: {  	_ =	strace $0x80000047;
	s1 =	ssub.s32 $0x2, s1;
	s10 =	smul.u32 $0x1680, s7  }
.Ltmp0:
0xc: {  	v0 =	vlaneseq.u32;
	s5 =	sadd.s32 $0x4A00, s0;
	s9 =	sshrl.u32 s1, $0x1;
	(pc) =	sbr.rel .LBB2_1-.Ltmp0, $4  }
0xd: {  	v0 =	vmul.u32 $0x81, v0;
	s7 =	sshll.u32 s7, $0x4;
	s29 =	ssub.s32 s1, s9;
	s30 =	sshrl.u32 s8, $0x3  }
0xe: {  	v1 =	vimm.f32 $0.0e+00;
	s31 =	sadd.s32 s5, s10;
	s9 =	sadd.s32 s2, s10;
	s10 =	sadd.s32 s3, s10  }
0xf: {  	v2 =	vimm.f32 $1.000000000e+00;
	v3 =	vadd.s32 $0x810, v0;
	v4 =	vadd.s32 $0x1020, v0;
	s14 =	smax.u32 s29, $0x1;
	[dreg:$0x4] =	wrdreg s31;
	s1 =	sadd.s32 $0x168, s30  }
0x10: {  	v5 =	vadd.s32 $0x1830, v0;
	v6 =	vadd.s32 $0x2040, v0;
	v7 =	vadd.s32 $0x2850, v0;
	s11 =	sadd.s32 s5, s1;
	s12 =	sadd.s32 s2, s1;
	s13 =	sadd.s32 s3, s1  }
.LBB2_15:
0x11: {  	s26 =	sadd.s32 $0x1, s26  }
0x12: {  	_ =	swait.ge [sflag:s25], $0x3000;
	p0 =	sne.s32 s26, s14  }
.Ltmp1:
0x13: {  	[sflag:s25] =	ssyncset.done $0x0;
	(pc) =	sbr.rel @!p0 .LBB2_16-.Ltmp1, $4  }
0x14: {  	[sflag:s25] =	ssyncadd.s32 $0xFFFFD000  }
0x15: {  	_ =	swait.ge [sflag:s22], $0x3000  }
0x16: {  	[sflag:s22] =	ssyncset.done $0x0  }
0x17: {  	[sflag:s22] =	ssyncadd.s32 $0xFFFFD000  }
.LBB2_1:
0x18: {  	s0 =	rddreg [dreg:$0x4]  }
0x19: {  	[tilespmem:s4], [sflag:$0x1] =	stream.linear.gather [hbm4b:s0+s4], $0xB40, $0x38;
	[tilespmem:$0xA500] =	vst v63  }
0x1a: {  	_ = 	snop  }
0x1b: {  	[tilespmem:s15], [sflag:$0x1] =	stream.linear.gather [hbm4b:s9+s4], $0xB40, $0x38;
	[tilespmem:$0xA500] =	vst v63  }
0x1c: {  	_ = 	snop  }
0x1d: {  	[tilespmem:s16], [sflag:$0x1] =	stream.linear.gather [hbm4b:s10+s4], $0xB40, $0x38;
	[tilespmem:$0xA500] =	vst v63  }
0x1e: {  	_ = 	snop  }
0x1f: {  	[tilespmem:s17], [sflag:$0x2] =	stream.linear.gather [hbm4b:s11+s4], $0xB40, $0x38;
	[tilespmem:$0xA500] =	vst v63  }
0x20: {  	_ = 	snop  }
0x21: {  	[tilespmem:s18], [sflag:$0x2] =	stream.linear.gather [hbm4b:s12+s4], $0xB40, $0x38;
	[tilespmem:$0xA500] =	vst v63  }
0x22: {  	s28 =	simm.s32 $0x0  }
0x23: {  	[tilespmem:s19], [sflag:$0x2] =	stream.linear.gather [hbm4b:s13+s4], $0xB40, $0x38;
	[tilespmem:$0xA500] =	vst v63  }
.LBB2_2:
0x24: {  	p0 =	seq.s32 s28, $0x0  }
0x25: {  	s0 =	simm.s32 @!p0 $0x3  }
0x26: {  	_ =	swait.ge @!p0 [sflag:s0], $0x3000  }
0x27: {  	[sflag:s0] =	ssyncset.done @!p0 $0x0  }
0x28: {  	s30 =	simm.s32 $0x4700;
	[sflag:s0] =	ssyncadd.s32 @!p0 $0xFFFFD000  }
0x29: {  	[tilespmem:s30+$0xFFFFFE00] =	vst v1  }
0x2a: {  	[tilespmem:s30+$0x1D0] =	vst v1  }
0x2b: {  	[tilespmem:s30+$0x1C0] =	vst v1  }
0x2c: {  	[tilespmem:s30+$0x1B0] =	vst v1  }
0x2d: {  	[tilespmem:s30+$0x1A0] =	vst v1  }
0x2e: {  	[tilespmem:s30+$0x190] =	vst v1  }
0x2f: {  	[tilespmem:s30+$0x180] =	vst v1  }
0x30: {  	[tilespmem:s30+$0x150] =	vst v1  }
0x31: {  	[tilespmem:s30+$0x140] =	vst v1  }
0x32: {  	[tilespmem:s30+$0x130] =	vst v1  }
0x33: {  	[tilespmem:s30+$0x120] =	vst v1  }
0x34: {  	[tilespmem:s30+$0x110] =	vst v1  }
0x35: {  	[tilespmem:s30+$0x100] =	vst v1  }
0x36: {  	[tilespmem:s30+$0xD0] =	vst v1  }
0x37: {  	[tilespmem:s30+$0xC0] =	vst v1  }
0x38: {  	[tilespmem:s30+$0xB0] =	vst v1  }
0x39: {  	[tilespmem:s30+$0xA0] =	vst v1  }
0x3a: {  	[tilespmem:s30+$0x90] =	vst v1  }
0x3b: {  	[tilespmem:s30+$0x80] =	vst v1  }
0x3c: {  	[tilespmem:s30+$0x50] =	vst v1  }
0x3d: {  	[tilespmem:s30+$0x40] =	vst v1  }
0x3e: {  	[tilespmem:s30+$0x30] =	vst v1  }
0x3f: {  	[tilespmem:s30+$0x20] =	vst v1  }
0x40: {  	[tilespmem:s30+$0x10] =	vst v1  }
0x41: {  	[tilespmem:s30+$0x0] =	vst v1  }
0x42: {  	[tilespmem:s30+$0xFFFFFFD0] =	vst v1  }
0x43: {  	[tilespmem:s30+$0xFFFFFFC0] =	vst v1  }
0x44: {  	[tilespmem:s30+$0xFFFFFFB0] =	vst v1  }
0x45: {  	[tilespmem:s30+$0xFFFFFFA0] =	vst v1  }
0x46: {  	[tilespmem:s30+$0xFFFFFF90] =	vst v1  }
0x47: {  	[tilespmem:s30+$0xFFFFFF80] =	vst v1  }
0x48: {  	[tilespmem:s30+$0xFFFFFF50] =	vst v1  }
0x49: {  	[tilespmem:s30+$0xFFFFFF40] =	vst v1  }
0x4a: {  	[tilespmem:s30+$0xFFFFFF30] =	vst v1  }
0x4b: {  	[tilespmem:s30+$0xFFFFFF20] =	vst v1  }
0x4c: {  	[tilespmem:s30+$0xFFFFFF10] =	vst v1  }
0x4d: {  	[tilespmem:s30+$0xFFFFFF00] =	vst v1  }
0x4e: {  	[tilespmem:s30+$0xFFFFFED0] =	vst v1  }
0x4f: {  	[tilespmem:s30+$0xFFFFFEC0] =	vst v1  }
0x50: {  	[tilespmem:s30+$0xFFFFFEB0] =	vst v1  }
0x51: {  	[tilespmem:s30+$0xFFFFFEA0] =	vst v1  }
0x52: {  	[tilespmem:s30+$0xFFFFFE90] =	vst v1  }
0x53: {  	[tilespmem:s30+$0xFFFFFE80] =	vst v1  }
0x54: {  	[tilespmem:s30+$0xFFFFFE50] =	vst v1  }
0x55: {  	[tilespmem:s30+$0xFFFFFE40] =	vst v1  }
0x56: {  	s8 =	sshll.u32 s28, $0x1;
	[tilespmem:s30+$0xFFFFFE30] =	vst v1  }
0x57: {  	s31 =	simm.s32 $0x0;
	s29 =	sadd.s32 s7, s8;
	[tilespmem:s30+$0xFFFFFE20] =	vst v1  }
.LBB2_3:
0x58: {  	s31 =	sadd.s32 $0x8, s31;
	[tilespmem:s30+$0xFFFFFE10] =	vst v1;
	s30 =	sadd.s32 $0x400, s30  }
0x59: {  	[tilespmem:s30+$0xFFFFFE00] =	vst v1;
	p1 =	slt.u32 s31, $0x58  }
0x5a: {  	[tilespmem:s30+$0x1D0] =	vst v1  }
0x5b: {  	[tilespmem:s30+$0x1C0] =	vst v1  }
0x5c: {  	[tilespmem:s30+$0x1B0] =	vst v1  }
0x5d: {  	[tilespmem:s30+$0x1A0] =	vst v1  }
0x5e: {  	[tilespmem:s30+$0x190] =	vst v1  }
0x5f: {  	[tilespmem:s30+$0x180] =	vst v1  }
0x60: {  	[tilespmem:s30+$0x150] =	vst v1  }
0x61: {  	[tilespmem:s30+$0x140] =	vst v1  }
0x62: {  	[tilespmem:s30+$0x130] =	vst v1  }
0x63: {  	[tilespmem:s30+$0x120] =	vst v1  }
0x64: {  	[tilespmem:s30+$0x110] =	vst v1  }
0x65: {  	[tilespmem:s30+$0x100] =	vst v1  }
0x66: {  	[tilespmem:s30+$0xD0] =	vst v1  }
0x67: {  	[tilespmem:s30+$0xC0] =	vst v1  }
0x68: {  	[tilespmem:s30+$0xB0] =	vst v1  }
0x69: {  	[tilespmem:s30+$0xA0] =	vst v1  }
0x6a: {  	[tilespmem:s30+$0x90] =	vst v1  }
0x6b: {  	[tilespmem:s30+$0x80] =	vst v1  }
0x6c: {  	[tilespmem:s30+$0x50] =	vst v1  }
0x6d: {  	[tilespmem:s30+$0x40] =	vst v1  }
0x6e: {  	[tilespmem:s30+$0x30] =	vst v1  }
0x6f: {  	[tilespmem:s30+$0x20] =	vst v1  }
0x70: {  	[tilespmem:s30+$0x10] =	vst v1  }
0x71: {  	[tilespmem:s30+$0x0] =	vst v1  }
0x72: {  	[tilespmem:s30+$0xFFFFFFD0] =	vst v1  }
0x73: {  	[tilespmem:s30+$0xFFFFFFC0] =	vst v1  }
0x74: {  	[tilespmem:s30+$0xFFFFFFB0] =	vst v1  }
0x75: {  	[tilespmem:s30+$0xFFFFFFA0] =	vst v1  }
0x76: {  	[tilespmem:s30+$0xFFFFFF90] =	vst v1  }
0x77: {  	[tilespmem:s30+$0xFFFFFF80] =	vst v1  }
0x78: {  	[tilespmem:s30+$0xFFFFFF50] =	vst v1  }
0x79: {  	[tilespmem:s30+$0xFFFFFF40] =	vst v1  }
0x7a: {  	[tilespmem:s30+$0xFFFFFF30] =	vst v1  }
0x7b: {  	[tilespmem:s30+$0xFFFFFF20] =	vst v1  }
0x7c: {  	[tilespmem:s30+$0xFFFFFF10] =	vst v1  }
0x7d: {  	[tilespmem:s30+$0xFFFFFF00] =	vst v1  }
0x7e: {  	[tilespmem:s30+$0xFFFFFED0] =	vst v1  }
0x7f: {  	[tilespmem:s30+$0xFFFFFEC0] =	vst v1  }
0x80: {  	[tilespmem:s30+$0xFFFFFEB0] =	vst v1  }
0x81: {  	[tilespmem:s30+$0xFFFFFEA0] =	vst v1  }
0x82: {  	[tilespmem:s30+$0xFFFFFE90] =	vst v1  }
.Ltmp2:
0x83: {  	[tilespmem:s30+$0xFFFFFE80] =	vst v1;
	(pc) =	sbr.rel @p1 .LBB2_3-.Ltmp2, $4  }
0x84: {  	[tilespmem:s30+$0xFFFFFE50] =	vst v1  }
0x85: {  	[tilespmem:s30+$0xFFFFFE40] =	vst v1  }
0x86: {  	[tilespmem:s30+$0xFFFFFE30] =	vst v1  }
0x87: {  	[tilespmem:s30+$0xFFFFFE20] =	vst v1  }
0x88: {  	_ =	sdelay $0x2  }
0x89: {  	[tilespmem:s30+$0xFFFFFE10] =	vst v1  }
0x8a: {  	[tilespmem:v0+s20+$0x0] =	vst.idx.add.f32.msk $0xffff, v2  }
0x8b: {  	[tilespmem:v3+s20+$0x0] =	vst.idx.add.f32.msk $0xffff, v2  }
0x8c: {  	[tilespmem:v4+s20+$0x0] =	vst.idx.add.f32.msk $0xffff, v2  }
0x8d: {  	[tilespmem:v5+s20+$0x0] =	vst.idx.add.f32.msk $0xffff, v2  }
0x8e: {  	[tilespmem:v6+s20+$0x0] =	vst.idx.add.f32.msk $0xffff, v2  }
0x8f: {  	[tilespmem:v7+s20+$0x0] =	vst.idx.add.f32.msk $0xffff, v2  }
0x90: {  	_ =	swait.ge [sflag:s21], $0xB40  }
0x91: {  	[sflag:s21] =	ssyncset.done $0x0  }
0x92: {  	[sflag:s21] =	ssyncadd.s32 $0xFFFFF4C0  }
0x93: {  	_ =	swait.ge [sflag:s21], $0xB40  }
0x94: {  	[sflag:s21] =	ssyncset.done $0x0  }
0x95: {  	[sflag:s21] =	ssyncadd.s32 $0xFFFFF4C0  }
0x96: {  	s1 =	smul.u32 $0x5A, s29;
	_ =	swait.ge [sflag:s21], $0xB40  }
0x97: {  	s0 =	simm.s32 $0xFFFFFFF8;
	s30 =	simm.s32 $0x40;
	[sflag:s21] =	ssyncset.done $0x0  }
0x98: {  	s31 =	simm.s32 $0x1740;
	v8 =	vmov s1;
	s1 =	simm.s32 $0x2E40;
	[sflag:s21] =	ssyncadd.s32 $0xFFFFF4C0  }
.LBB2_5:
0x99: {  	v9 =	vld [tilespmem:s30+$0xFFFFFFC0]  }
0x9a: {  	v10 =	vld [tilespmem:s31+$0xFFFFFFC0];
	_ =	sdelay $0x4  }
0x9b: {  	v9 =	vsub.s32 v9, v8;
	v10 =	vsub.s32 v10, v8  }
0x9c: {  	v11 =	vand.u32 $0xFFFFFF80, v9;
	v10 =	vshll.u32 v10, $0x7  }
0x9d: {  	v9 =	vand.u32 $0x7F, v9;
	v10 =	vadd.s32 v11, v10  }
0x9e: {  	v11 =	vld [tilespmem:s1+$0xFFFFFFC0];
	v9 =	vor.u32 v9, v10;
	_ =	sdelay $0x4  }
0x9f: {  	[tilespmem:v9+s20+$0x0] =	vst.idx.add.f32.msk $0xffff, v11  }
0xa0: {  	v9 =	vld [tilespmem:s30+$0xFFFFFFD0]  }
0xa1: {  	v10 =	vld [tilespmem:s31+$0xFFFFFFD0];
	_ =	sdelay $0x4  }
0xa2: {  	v9 =	vsub.s32 v9, v8;
	v10 =	vsub.s32 v10, v8  }
0xa3: {  	v11 =	vand.u32 $0xFFFFFF80, v9;
	v10 =	vshll.u32 v10, $0x7  }
0xa4: {  	v9 =	vand.u32 $0x7F, v9;
	v10 =	vadd.s32 v11, v10  }
0xa5: {  	v11 =	vld [tilespmem:s1+$0xFFFFFFD0];
	v9 =	vor.u32 v9, v10;
	_ =	sdelay $0x4  }
0xa6: {  	[tilespmem:v9+s20+$0x0] =	vst.idx.add.f32.msk $0xffff, v11  }
0xa7: {  	v9 =	vld [tilespmem:s30+$0xFFFFFFE0]  }
0xa8: {  	v10 =	vld [tilespmem:s31+$0xFFFFFFE0];
	_ =	sdelay $0x4  }
0xa9: {  	v9 =	vsub.s32 v9, v8;
	v10 =	vsub.s32 v10, v8  }
0xaa: {  	v11 =	vand.u32 $0xFFFFFF80, v9;
	v10 =	vshll.u32 v10, $0x7  }
0xab: {  	v9 =	vand.u32 $0x7F, v9;
	v10 =	vadd.s32 v11, v10  }
0xac: {  	v11 =	vld [tilespmem:s1+$0xFFFFFFE0];
	v9 =	vor.u32 v9, v10;
	_ =	sdelay $0x4  }
0xad: {  	[tilespmem:v9+s20+$0x0] =	vst.idx.add.f32.msk $0xffff, v11  }
0xae: {  	v9 =	vld [tilespmem:s30+$0xFFFFFFF0]  }
0xaf: {  	v10 =	vld [tilespmem:s31+$0xFFFFFFF0];
	_ =	sdelay $0x4  }
0xb0: {  	v9 =	vsub.s32 v9, v8;
	v10 =	vsub.s32 v10, v8  }
0xb1: {  	v11 =	vand.u32 $0xFFFFFF80, v9;
	v10 =	vshll.u32 v10, $0x7  }
0xb2: {  	v9 =	vand.u32 $0x7F, v9;
	v10 =	vadd.s32 v11, v10  }
0xb3: {  	v11 =	vld [tilespmem:s1+$0xFFFFFFF0];
	v9 =	vor.u32 v9, v10;
	_ =	sdelay $0x4  }
0xb4: {  	[tilespmem:v9+s20+$0x0] =	vst.idx.add.f32.msk $0xffff, v11  }
0xb5: {  	v9 =	vld [tilespmem:s30+$0x0]  }
0xb6: {  	v10 =	vld [tilespmem:s31+$0x0];
	_ =	sdelay $0x4  }
0xb7: {  	v9 =	vsub.s32 v9, v8;
	v10 =	vsub.s32 v10, v8  }
0xb8: {  	v11 =	vand.u32 $0xFFFFFF80, v9;
	v10 =	vshll.u32 v10, $0x7  }
0xb9: {  	v9 =	vand.u32 $0x7F, v9;
	v10 =	vadd.s32 v11, v10  }
0xba: {  	v11 =	vld [tilespmem:s1+$0x0];
	v9 =	vor.u32 v9, v10;
	_ =	sdelay $0x4  }
0xbb: {  	[tilespmem:v9+s20+$0x0] =	vst.idx.add.f32.msk $0xffff, v11  }
0xbc: {  	v9 =	vld [tilespmem:s30+$0x10]  }
0xbd: {  	v10 =	vld [tilespmem:s31+$0x10];
	_ =	sdelay $0x4  }
0xbe: {  	v9 =	vsub.s32 v9, v8;
	v10 =	vsub.s32 v10, v8  }
0xbf: {  	v11 =	vand.u32 $0xFFFFFF80, v9;
	v10 =	vshll.u32 v10, $0x7  }
0xc0: {  	v9 =	vand.u32 $0x7F, v9;
	v10 =	vadd.s32 v11, v10  }
0xc1: {  	v11 =	vld [tilespmem:s1+$0x10];
	v9 =	vor.u32 v9, v10;
	_ =	sdelay $0x4  }
0xc2: {  	[tilespmem:v9+s20+$0x0] =	vst.idx.add.f32.msk $0xffff, v11  }
0xc3: {  	v9 =	vld [tilespmem:s30+$0x20]  }
0xc4: {  	v10 =	vld [tilespmem:s31+$0x20];
	_ =	sdelay $0x4  }
0xc5: {  	v9 =	vsub.s32 v9, v8;
	v10 =	vsub.s32 v10, v8  }
0xc6: {  	v11 =	vand.u32 $0xFFFFFF80, v9;
	v10 =	vshll.u32 v10, $0x7  }
0xc7: {  	v9 =	vand.u32 $0x7F, v9;
	v10 =	vadd.s32 v11, v10  }
0xc8: {  	v11 =	vld [tilespmem:s1+$0x20];
	v9 =	vor.u32 v9, v10;
	_ =	sdelay $0x4  }
0xc9: {  	[tilespmem:v9+s20+$0x0] =	vst.idx.add.f32.msk $0xffff, v11  }
0xca: {  	v9 =	vld [tilespmem:s30+$0x30]  }
0xcb: {  	v10 =	vld [tilespmem:s31+$0x30];
	_ =	sdelay $0x4  }
0xcc: {  	v9 =	vsub.s32 v9, v8;
	v10 =	vsub.s32 v10, v8  }
0xcd: {  	v11 =	vand.u32 $0xFFFFFF80, v9;
	v10 =	vshll.u32 v10, $0x7  }
0xce: {  	s0 =	sadd.s32 $0x8, s0;
	v9 =	vand.u32 $0x7F, v9;
	v10 =	vadd.s32 v11, v10  }
0xcf: {  	p1 =	slt.u32 s0, $0xA8;
	v11 =	vld [tilespmem:s1+$0x30];
	v9 =	vor.u32 v9, v10  }
.Ltmp3:
0xd0: {  	_ = 	snop;
	(pc) =	sbr.rel @p1 .LBB2_5-.Ltmp3, $2  }
0xd1: {  	_ =	sdelay $0x2  }
0xd2: {  	s30 =	sadd.s32 $0x80, s30;
	s31 =	sadd.s32 $0x80, s31;
	s1 =	sadd.s32 $0x80, s1;
	[tilespmem:v9+s20+$0x0] =	vst.idx.add.f32.msk $0xffff, v11  }
0xd3: {  	v9 =	vld [tilespmem:$0xB00]  }
0xd4: {  	v10 =	vld [tilespmem:$0x2200];
	_ =	sdelay $0x4  }
0xd5: {  	v9 =	vsub.s32 v9, v8;
	v10 =	vsub.s32 v10, v8  }
0xd6: {  	v11 =	vand.u32 $0xFFFFFF80, v9;
	v10 =	vshll.u32 v10, $0x7  }
0xd7: {  	v9 =	vand.u32 $0x7F, v9;
	v10 =	vadd.s32 v11, v10  }
0xd8: {  	v54 =	vld [tilespmem:$0x3900];
	v9 =	vor.u32 v9, v10;
	_ =	sdelay $0x4  }
0xd9: {  	[tilespmem:v9+s20+$0x0] =	vst.idx.add.f32.msk $0xffff, v54  }
0xda: {  	v9 =	vld [tilespmem:$0xB10]  }
0xdb: {  	v55 =	vld [tilespmem:$0x2210];
	_ =	sdelay $0x4  }
0xdc: {  	v9 =	vsub.s32 v9, v8;
	v10 =	vsub.s32 v55, v8  }
0xdd: {  	v56 =	vand.u32 $0xFFFFFF80, v9;
	v10 =	vshll.u32 v10, $0x7  }
0xde: {  	v9 =	vand.u32 $0x7F, v9;
	v10 =	vadd.s32 v56, v10  }
0xdf: {  	v57 =	vld [tilespmem:$0x3910];
	v9 =	vor.u32 v9, v10;
	_ =	sdelay $0x4  }
0xe0: {  	[tilespmem:v9+s20+$0x0] =	vst.idx.add.f32.msk $0xffff, v57  }
0xe1: {  	v9 =	vld [tilespmem:$0xB20]  }
0xe2: {  	v58 =	vld [tilespmem:$0x2220];
	_ =	sdelay $0x4  }
0xe3: {  	v9 =	vsub.s32 v9, v8;
	v10 =	vsub.s32 v58, v8  }
0xe4: {  	v59 =	vand.u32 $0xFFFFFF80, v9;
	v10 =	vshll.u32 v10, $0x7  }
0xe5: {  	v9 =	vand.u32 $0x7F, v9;
	v10 =	vadd.s32 v59, v10  }
0xe6: {  	v60 =	vld [tilespmem:$0x3920];
	v9 =	vor.u32 v9, v10;
	_ =	sdelay $0x4  }
0xe7: {  	[tilespmem:v9+s20+$0x0] =	vst.idx.add.f32.msk $0xffff, v60  }
0xe8: {  	v9 =	vld [tilespmem:$0xB30]  }
0xe9: {  	v61 =	vld [tilespmem:$0x2230];
	_ =	sdelay $0x4  }
0xea: {  	v9 =	vsub.s32 v9, v8;
	v8 =	vsub.s32 v61, v8  }
0xeb: {  	v62 =	vand.u32 $0xFFFFFF80, v9;
	v8 =	vshll.u32 v8, $0x7  }
0xec: {  	v9 =	vand.u32 $0x7F, v9;
	v8 =	vadd.s32 v62, v8  }
0xed: {  	v63 =	vld [tilespmem:$0x3930];
	v8 =	vor.u32 v9, v8  }
0xee: {  	p1 =	sne.s32 s28, $0x7  }
.Ltmp4:
0xef: {  	_ = 	snop;
	(pc) =	sbr.rel @!p1 .LBB2_8-.Ltmp4, $3  }
0xf0: {  	s0 =	smul.u32 $0x600, s29;
	_ =	sdelay $0x1  }
0xf1: {  	s30 =	sor.u32 $0x1, s29;
	s0 =	sadd.s32 s6, s0;
	[tilespmem:v8+s20+$0x0] =	vst.idx.add.f32.msk $0xffff, v63  }
0xf2: {  	[hbm4b:s0+s4] =	stream.linear.scatter [tilespmem:s20], [sflag:$0x3], $0x3000, $0x38;
	[tilespmem:$0xA500] =	vst v63  }
0xf3: {  	s0 =	smul.u32 $0xB40, s29;
	_ =	sdelay $0x1  }
0xf4: {  	s0 =	sshrl.u32 s0, $0x3  }
0xf5: {  	s0 =	sadd.s32 $0x2D0, s0  }
0xf6: {  	s1 =	sadd.s32 s5, s0  }
0xf7: {  	[tilespmem:s4], [sflag:$0x1] =	stream.linear.gather [hbm4b:s1+s4], $0xB40, $0x38;
	[tilespmem:$0xA500] =	vst v63  }
.Ltmp5:
0xf8: {  	_ = 	snop;
	(pc) =	sbr.rel @p0 .LBB2_9-.Ltmp5, $4  }
0xf9: {  	s31 =	sadd.s32 s2, s0  }
0xfa: {  	[tilespmem:s15], [sflag:$0x1] =	stream.linear.gather [hbm4b:s31+s4], $0xB40, $0x38;
	[tilespmem:$0xA500] =	vst v63  }
0xfb: {  	s0 =	sadd.s32 s3, s0  }
0xfc: {  	[tilespmem:s16], [sflag:$0x1] =	stream.linear.gather [hbm4b:s0+s4], $0xB40, $0x38;
	[tilespmem:$0xA500] =	vst v63  }
.LBB2_8:
0xfd: {  	_ =	swait.ge [sflag:s22], $0x3000  }
0xfe: {  	[sflag:s22] =	ssyncset.done $0x0  }
0xff: {  	[sflag:s22] =	ssyncadd.s32 $0xFFFFD000  }
.LBB2_9:
0x100: {  	s31 =	simm.s32 $0x7700  }
0x101: {  	[tilespmem:s31+$0xFFFFFE00] =	vst v1  }
0x102: {  	[tilespmem:s31+$0x1D0] =	vst v1  }
0x103: {  	[tilespmem:s31+$0x1C0] =	vst v1  }
0x104: {  	[tilespmem:s31+$0x1B0] =	vst v1  }
0x105: {  	[tilespmem:s31+$0x1A0] =	vst v1  }
0x106: {  	[tilespmem:s31+$0x190] =	vst v1  }
0x107: {  	[tilespmem:s31+$0x180] =	vst v1  }
0x108: {  	[tilespmem:s31+$0x150] =	vst v1  }
0x109: {  	[tilespmem:s31+$0x140] =	vst v1  }
0x10a: {  	[tilespmem:s31+$0x130] =	vst v1  }
0x10b: {  	[tilespmem:s31+$0x120] =	vst v1  }
0x10c: {  	[tilespmem:s31+$0x110] =	vst v1  }
0x10d: {  	[tilespmem:s31+$0x100] =	vst v1  }
0x10e: {  	[tilespmem:s31+$0xD0] =	vst v1  }
0x10f: {  	[tilespmem:s31+$0xC0] =	vst v1  }
0x110: {  	[tilespmem:s31+$0xB0] =	vst v1  }
0x111: {  	[tilespmem:s31+$0xA0] =	vst v1  }
0x112: {  	[tilespmem:s31+$0x90] =	vst v1  }
0x113: {  	[tilespmem:s31+$0x80] =	vst v1  }
0x114: {  	[tilespmem:s31+$0x50] =	vst v1  }
0x115: {  	[tilespmem:s31+$0x40] =	vst v1  }
0x116: {  	[tilespmem:s31+$0x30] =	vst v1  }
0x117: {  	[tilespmem:s31+$0x20] =	vst v1  }
0x118: {  	[tilespmem:s31+$0x10] =	vst v1  }
0x119: {  	[tilespmem:s31+$0x0] =	vst v1  }
0x11a: {  	[tilespmem:s31+$0xFFFFFFD0] =	vst v1  }
0x11b: {  	[tilespmem:s31+$0xFFFFFFC0] =	vst v1  }
0x11c: {  	[tilespmem:s31+$0xFFFFFFB0] =	vst v1  }
0x11d: {  	[tilespmem:s31+$0xFFFFFFA0] =	vst v1  }
0x11e: {  	[tilespmem:s31+$0xFFFFFF90] =	vst v1  }
0x11f: {  	[tilespmem:s31+$0xFFFFFF80] =	vst v1  }
0x120: {  	[tilespmem:s31+$0xFFFFFF50] =	vst v1  }
0x121: {  	[tilespmem:s31+$0xFFFFFF40] =	vst v1  }
0x122: {  	[tilespmem:s31+$0xFFFFFF30] =	vst v1  }
0x123: {  	[tilespmem:s31+$0xFFFFFF20] =	vst v1  }
0x124: {  	[tilespmem:s31+$0xFFFFFF10] =	vst v1  }
0x125: {  	[tilespmem:s31+$0xFFFFFF00] =	vst v1  }
0x126: {  	[tilespmem:s31+$0xFFFFFED0] =	vst v1  }
0x127: {  	[tilespmem:s31+$0xFFFFFEC0] =	vst v1  }
0x128: {  	[tilespmem:s31+$0xFFFFFEB0] =	vst v1  }
0x129: {  	[tilespmem:s31+$0xFFFFFEA0] =	vst v1  }
0x12a: {  	[tilespmem:s31+$0xFFFFFE90] =	vst v1  }
0x12b: {  	[tilespmem:s31+$0xFFFFFE80] =	vst v1  }
0x12c: {  	[tilespmem:s31+$0xFFFFFE50] =	vst v1  }
0x12d: {  	[tilespmem:s31+$0xFFFFFE40] =	vst v1  }
0x12e: {  	[tilespmem:s31+$0xFFFFFE30] =	vst v1  }
0x12f: {  	s0 =	simm.s32 $0x0;
	[tilespmem:s31+$0xFFFFFE20] =	vst v1  }
.LBB2_10:
0x130: {  	s0 =	sadd.s32 $0x8, s0;
	[tilespmem:s31+$0xFFFFFE10] =	vst v1;
	s31 =	sadd.s32 $0x400, s31  }
0x131: {  	[tilespmem:s31+$0xFFFFFE00] =	vst v1;
	p0 =	slt.u32 s0, $0x58  }
0x132: {  	[tilespmem:s31+$0x1D0] =	vst v1  }
0x133: {  	[tilespmem:s31+$0x1C0] =	vst v1  }
0x134: {  	[tilespmem:s31+$0x1B0] =	vst v1  }
0x135: {  	[tilespmem:s31+$0x1A0] =	vst v1  }
0x136: {  	[tilespmem:s31+$0x190] =	vst v1  }
0x137: {  	[tilespmem:s31+$0x180] =	vst v1  }
0x138: {  	[tilespmem:s31+$0x150] =	vst v1  }
0x139: {  	[tilespmem:s31+$0x140] =	vst v1  }
0x13a: {  	[tilespmem:s31+$0x130] =	vst v1  }
0x13b: {  	[tilespmem:s31+$0x120] =	vst v1  }
0x13c: {  	[tilespmem:s31+$0x110] =	vst v1  }
0x13d: {  	[tilespmem:s31+$0x100] =	vst v1  }
0x13e: {  	[tilespmem:s31+$0xD0] =	vst v1  }
0x13f: {  	[tilespmem:s31+$0xC0] =	vst v1  }
0x140: {  	[tilespmem:s31+$0xB0] =	vst v1  }
0x141: {  	[tilespmem:s31+$0xA0] =	vst v1  }
0x142: {  	[tilespmem:s31+$0x90] =	vst v1  }
0x143: {  	[tilespmem:s31+$0x80] =	vst v1  }
0x144: {  	[tilespmem:s31+$0x50] =	vst v1  }
0x145: {  	[tilespmem:s31+$0x40] =	vst v1  }
0x146: {  	[tilespmem:s31+$0x30] =	vst v1  }
0x147: {  	[tilespmem:s31+$0x20] =	vst v1  }
0x148: {  	[tilespmem:s31+$0x10] =	vst v1  }
0x149: {  	[tilespmem:s31+$0x0] =	vst v1  }
0x14a: {  	[tilespmem:s31+$0xFFFFFFD0] =	vst v1  }
0x14b: {  	[tilespmem:s31+$0xFFFFFFC0] =	vst v1  }
0x14c: {  	[tilespmem:s31+$0xFFFFFFB0] =	vst v1  }
0x14d: {  	[tilespmem:s31+$0xFFFFFFA0] =	vst v1  }
0x14e: {  	[tilespmem:s31+$0xFFFFFF90] =	vst v1  }
0x14f: {  	[tilespmem:s31+$0xFFFFFF80] =	vst v1  }
0x150: {  	[tilespmem:s31+$0xFFFFFF50] =	vst v1  }
0x151: {  	[tilespmem:s31+$0xFFFFFF40] =	vst v1  }
0x152: {  	[tilespmem:s31+$0xFFFFFF30] =	vst v1  }
0x153: {  	[tilespmem:s31+$0xFFFFFF20] =	vst v1  }
0x154: {  	[tilespmem:s31+$0xFFFFFF10] =	vst v1  }
0x155: {  	[tilespmem:s31+$0xFFFFFF00] =	vst v1  }
0x156: {  	[tilespmem:s31+$0xFFFFFED0] =	vst v1  }
0x157: {  	[tilespmem:s31+$0xFFFFFEC0] =	vst v1  }
0x158: {  	[tilespmem:s31+$0xFFFFFEB0] =	vst v1  }
0x159: {  	[tilespmem:s31+$0xFFFFFEA0] =	vst v1  }
0x15a: {  	[tilespmem:s31+$0xFFFFFE90] =	vst v1  }
.Ltmp6:
0x15b: {  	[tilespmem:s31+$0xFFFFFE80] =	vst v1;
	(pc) =	sbr.rel @p0 .LBB2_10-.Ltmp6, $4  }
0x15c: {  	[tilespmem:s31+$0xFFFFFE50] =	vst v1  }
0x15d: {  	[tilespmem:s31+$0xFFFFFE40] =	vst v1  }
0x15e: {  	[tilespmem:s31+$0xFFFFFE30] =	vst v1  }
0x15f: {  	[tilespmem:s31+$0xFFFFFE20] =	vst v1  }
0x160: {  	_ =	sdelay $0x2  }
0x161: {  	[tilespmem:s31+$0xFFFFFE10] =	vst v1  }
0x162: {  	[tilespmem:v0+s23+$0x0] =	vst.idx.add.f32.msk $0xffff, v2  }
0x163: {  	[tilespmem:v3+s23+$0x0] =	vst.idx.add.f32.msk $0xffff, v2  }
0x164: {  	[tilespmem:v4+s23+$0x0] =	vst.idx.add.f32.msk $0xffff, v2  }
0x165: {  	[tilespmem:v5+s23+$0x0] =	vst.idx.add.f32.msk $0xffff, v2  }
0x166: {  	[tilespmem:v6+s23+$0x0] =	vst.idx.add.f32.msk $0xffff, v2  }
0x167: {  	[tilespmem:v7+s23+$0x0] =	vst.idx.add.f32.msk $0xffff, v2  }
0x168: {  	_ =	swait.ge [sflag:s24], $0xB40  }
0x169: {  	[sflag:s24] =	ssyncset.done $0x0  }
0x16a: {  	[sflag:s24] =	ssyncadd.s32 $0xFFFFF4C0  }
0x16b: {  	_ =	swait.ge [sflag:s24], $0xB40  }
0x16c: {  	[sflag:s24] =	ssyncset.done $0x0  }
0x16d: {  	[sflag:s24] =	ssyncadd.s32 $0xFFFFF4C0  }
0x16e: {  	s1 =	smul.u32 $0x5A, s30;
	_ =	swait.ge [sflag:s24], $0xB40  }
0x16f: {  	s0 =	simm.s32 $0xFFFFFFF8;
	s31 =	simm.s32 $0xBC0;
	[sflag:s24] =	ssyncset.done $0x0  }
0x170: {  	s8 =	simm.s32 $0x39C0;
	v8 =	vmov s1;
	s1 =	simm.s32 $0x22C0;
	[sflag:s24] =	ssyncadd.s32 $0xFFFFF4C0  }
.LBB2_12:
0x171: {  	v9 =	vld [tilespmem:s31+$0xFFFFFFC0]  }
0x172: {  	v10 =	vld [tilespmem:s1+$0xFFFFFFC0];
	_ =	sdelay $0x4  }
0x173: {  	v9 =	vsub.s32 v9, v8;
	v10 =	vsub.s32 v10, v8  }
0x174: {  	v11 =	vand.u32 $0xFFFFFF80, v9;
	v10 =	vshll.u32 v10, $0x7  }
0x175: {  	v9 =	vand.u32 $0x7F, v9;
	v10 =	vadd.s32 v11, v10  }
0x176: {  	v11 =	vld [tilespmem:s8+$0xFFFFFFC0];
	v9 =	vor.u32 v9, v10;
	_ =	sdelay $0x4  }
0x177: {  	[tilespmem:v9+s23+$0x0] =	vst.idx.add.f32.msk $0xffff, v11  }
0x178: {  	v9 =	vld [tilespmem:s31+$0xFFFFFFD0]  }
0x179: {  	v10 =	vld [tilespmem:s1+$0xFFFFFFD0];
	_ =	sdelay $0x4  }
0x17a: {  	v9 =	vsub.s32 v9, v8;
	v10 =	vsub.s32 v10, v8  }
0x17b: {  	v11 =	vand.u32 $0xFFFFFF80, v9;
	v10 =	vshll.u32 v10, $0x7  }
0x17c: {  	v9 =	vand.u32 $0x7F, v9;
	v10 =	vadd.s32 v11, v10  }
0x17d: {  	v11 =	vld [tilespmem:s8+$0xFFFFFFD0];
	v9 =	vor.u32 v9, v10;
	_ =	sdelay $0x4  }
0x17e: {  	[tilespmem:v9+s23+$0x0] =	vst.idx.add.f32.msk $0xffff, v11  }
0x17f: {  	v9 =	vld [tilespmem:s31+$0xFFFFFFE0]  }
0x180: {  	v10 =	vld [tilespmem:s1+$0xFFFFFFE0];
	_ =	sdelay $0x4  }
0x181: {  	v9 =	vsub.s32 v9, v8;
	v10 =	vsub.s32 v10, v8  }
0x182: {  	v11 =	vand.u32 $0xFFFFFF80, v9;
	v10 =	vshll.u32 v10, $0x7  }
0x183: {  	v9 =	vand.u32 $0x7F, v9;
	v10 =	vadd.s32 v11, v10  }
0x184: {  	v11 =	vld [tilespmem:s8+$0xFFFFFFE0];
	v9 =	vor.u32 v9, v10;
	_ =	sdelay $0x4  }
0x185: {  	[tilespmem:v9+s23+$0x0] =	vst.idx.add.f32.msk $0xffff, v11  }
0x186: {  	v9 =	vld [tilespmem:s31+$0xFFFFFFF0]  }
0x187: {  	v10 =	vld [tilespmem:s1+$0xFFFFFFF0];
	_ =	sdelay $0x4  }
0x188: {  	v9 =	vsub.s32 v9, v8;
	v10 =	vsub.s32 v10, v8  }
0x189: {  	v11 =	vand.u32 $0xFFFFFF80, v9;
	v10 =	vshll.u32 v10, $0x7  }
0x18a: {  	v9 =	vand.u32 $0x7F, v9;
	v10 =	vadd.s32 v11, v10  }
0x18b: {  	v11 =	vld [tilespmem:s8+$0xFFFFFFF0];
	v9 =	vor.u32 v9, v10;
	_ =	sdelay $0x4  }
0x18c: {  	[tilespmem:v9+s23+$0x0] =	vst.idx.add.f32.msk $0xffff, v11  }
0x18d: {  	v9 =	vld [tilespmem:s31+$0x0]  }
0x18e: {  	v10 =	vld [tilespmem:s1+$0x0];
	_ =	sdelay $0x4  }
0x18f: {  	v9 =	vsub.s32 v9, v8;
	v10 =	vsub.s32 v10, v8  }
0x190: {  	v11 =	vand.u32 $0xFFFFFF80, v9;
	v10 =	vshll.u32 v10, $0x7  }
0x191: {  	v9 =	vand.u32 $0x7F, v9;
	v10 =	vadd.s32 v11, v10  }
0x192: {  	v11 =	vld [tilespmem:s8+$0x0];
	v9 =	vor.u32 v9, v10;
	_ =	sdelay $0x4  }
0x193: {  	[tilespmem:v9+s23+$0x0] =	vst.idx.add.f32.msk $0xffff, v11  }
0x194: {  	v9 =	vld [tilespmem:s31+$0x10]  }
0x195: {  	v10 =	vld [tilespmem:s1+$0x10];
	_ =	sdelay $0x4  }
0x196: {  	v9 =	vsub.s32 v9, v8;
	v10 =	vsub.s32 v10, v8  }
0x197: {  	v11 =	vand.u32 $0xFFFFFF80, v9;
	v10 =	vshll.u32 v10, $0x7  }
0x198: {  	v9 =	vand.u32 $0x7F, v9;
	v10 =	vadd.s32 v11, v10  }
0x199: {  	v11 =	vld [tilespmem:s8+$0x10];
	v9 =	vor.u32 v9, v10;
	_ =	sdelay $0x4  }
0x19a: {  	[tilespmem:v9+s23+$0x0] =	vst.idx.add.f32.msk $0xffff, v11  }
0x19b: {  	v9 =	vld [tilespmem:s31+$0x20]  }
0x19c: {  	v10 =	vld [tilespmem:s1+$0x20];
	_ =	sdelay $0x4  }
0x19d: {  	v9 =	vsub.s32 v9, v8;
	v10 =	vsub.s32 v10, v8  }
0x19e: {  	v11 =	vand.u32 $0xFFFFFF80, v9;
	v10 =	vshll.u32 v10, $0x7  }
0x19f: {  	v9 =	vand.u32 $0x7F, v9;
	v10 =	vadd.s32 v11, v10  }
0x1a0: {  	v11 =	vld [tilespmem:s8+$0x20];
	v9 =	vor.u32 v9, v10;
	_ =	sdelay $0x4  }
0x1a1: {  	[tilespmem:v9+s23+$0x0] =	vst.idx.add.f32.msk $0xffff, v11  }
0x1a2: {  	v9 =	vld [tilespmem:s31+$0x30]  }
0x1a3: {  	v10 =	vld [tilespmem:s1+$0x30];
	_ =	sdelay $0x4  }
0x1a4: {  	v9 =	vsub.s32 v9, v8;
	v10 =	vsub.s32 v10, v8  }
0x1a5: {  	v11 =	vand.u32 $0xFFFFFF80, v9;
	v10 =	vshll.u32 v10, $0x7  }
0x1a6: {  	s0 =	sadd.s32 $0x8, s0;
	v9 =	vand.u32 $0x7F, v9;
	v10 =	vadd.s32 v11, v10  }
0x1a7: {  	p0 =	slt.u32 s0, $0xA8;
	v11 =	vld [tilespmem:s8+$0x30];
	v9 =	vor.u32 v9, v10  }
.Ltmp7:
0x1a8: {  	_ = 	snop;
	(pc) =	sbr.rel @p0 .LBB2_12-.Ltmp7, $2  }
0x1a9: {  	_ =	sdelay $0x2  }
0x1aa: {  	s31 =	sadd.s32 $0x80, s31;
	s1 =	sadd.s32 $0x80, s1;
	s8 =	sadd.s32 $0x80, s8;
	[tilespmem:v9+s23+$0x0] =	vst.idx.add.f32.msk $0xffff, v11  }
0x1ab: {  	v9 =	vld [tilespmem:$0x1680]  }
0x1ac: {  	v10 =	vld [tilespmem:$0x2D80];
	_ =	sdelay $0x4  }
0x1ad: {  	v9 =	vsub.s32 v9, v8;
	v10 =	vsub.s32 v10, v8  }
0x1ae: {  	v11 =	vand.u32 $0xFFFFFF80, v9;
	v10 =	vshll.u32 v10, $0x7  }
0x1af: {  	v9 =	vand.u32 $0x7F, v9;
	v10 =	vadd.s32 v11, v10  }
0x1b0: {  	v54 =	vld [tilespmem:$0x4480];
	v9 =	vor.u32 v9, v10;
	_ =	sdelay $0x4  }
0x1b1: {  	[tilespmem:v9+s23+$0x0] =	vst.idx.add.f32.msk $0xffff, v54  }
0x1b2: {  	v9 =	vld [tilespmem:$0x1690]  }
0x1b3: {  	v55 =	vld [tilespmem:$0x2D90];
	_ =	sdelay $0x4  }
0x1b4: {  	v9 =	vsub.s32 v9, v8;
	v10 =	vsub.s32 v55, v8  }
0x1b5: {  	v56 =	vand.u32 $0xFFFFFF80, v9;
	v10 =	vshll.u32 v10, $0x7  }
0x1b6: {  	v9 =	vand.u32 $0x7F, v9;
	v10 =	vadd.s32 v56, v10  }
0x1b7: {  	v57 =	vld [tilespmem:$0x4490];
	v9 =	vor.u32 v9, v10;
	_ =	sdelay $0x4  }
0x1b8: {  	[tilespmem:v9+s23+$0x0] =	vst.idx.add.f32.msk $0xffff, v57  }
0x1b9: {  	v9 =	vld [tilespmem:$0x16A0]  }
0x1ba: {  	v58 =	vld [tilespmem:$0x2DA0];
	_ =	sdelay $0x4  }
0x1bb: {  	v9 =	vsub.s32 v9, v8;
	v10 =	vsub.s32 v58, v8  }
0x1bc: {  	v59 =	vand.u32 $0xFFFFFF80, v9;
	v10 =	vshll.u32 v10, $0x7  }
0x1bd: {  	v9 =	vand.u32 $0x7F, v9;
	v10 =	vadd.s32 v59, v10  }
0x1be: {  	v60 =	vld [tilespmem:$0x44A0];
	v9 =	vor.u32 v9, v10;
	_ =	sdelay $0x4  }
0x1bf: {  	[tilespmem:v9+s23+$0x0] =	vst.idx.add.f32.msk $0xffff, v60  }
0x1c0: {  	v9 =	vld [tilespmem:$0x16B0]  }
0x1c1: {  	v61 =	vld [tilespmem:$0x2DB0];
	_ =	sdelay $0x4  }
0x1c2: {  	v9 =	vsub.s32 v9, v8;
	v8 =	vsub.s32 v61, v8  }
0x1c3: {  	v62 =	vand.u32 $0xFFFFFF80, v9;
	v8 =	vshll.u32 v8, $0x7  }
0x1c4: {  	v9 =	vand.u32 $0x7F, v9;
	v8 =	vadd.s32 v62, v8  }
0x1c5: {  	v63 =	vld [tilespmem:$0x44B0];
	v8 =	vor.u32 v9, v8  }
0x1c6: {  	p0 =	seq.s32 s28, $0x7  }
.Ltmp8:
0x1c7: {  	_ = 	snop;
	(pc) =	sbr.rel @p0 .LBB2_15-.Ltmp8, $3  }
0x1c8: {  	s0 =	smul.u32 $0x600, s30;
	_ =	sdelay $0x1  }
0x1c9: {  	s0 =	sadd.s32 s6, s0;
	[tilespmem:v8+s23+$0x0] =	vst.idx.add.f32.msk $0xffff, v63  }
0x1ca: {  	[hbm4b:s0+s4] =	stream.linear.scatter [tilespmem:s23], [sflag:$0x4], $0x3000, $0x38;
	[tilespmem:$0xA500] =	vst v63  }
0x1cb: {  	s0 =	smul.u32 $0xB40, s29;
	_ =	sdelay $0x1  }
0x1cc: {  	s0 =	sshrl.u32 s0, $0x3  }
0x1cd: {  	s0 =	sadd.s32 $0x438, s0  }
0x1ce: {  	s1 =	sadd.s32 s5, s0  }
0x1cf: {  	[tilespmem:s17], [sflag:$0x2] =	stream.linear.gather [hbm4b:s1+s4], $0xB40, $0x38;
	[tilespmem:$0xA500] =	vst v63  }
.Ltmp9:
0x1d0: {  	_ = 	snop;
	(pc) =	sbr.rel .LBB2_2-.Ltmp9, $4  }
0x1d1: {  	s31 =	sadd.s32 s2, s0  }
0x1d2: {  	[tilespmem:s18], [sflag:$0x2] =	stream.linear.gather [hbm4b:s31+s4], $0xB40, $0x38;
	[tilespmem:$0xA500] =	vst v63  }
0x1d3: {  	s28 =	sadd.s32 $0x1, s28;
	s0 =	sadd.s32 s3, s0  }
0x1d4: {  	[tilespmem:s19], [sflag:$0x2] =	stream.linear.gather [hbm4b:s0+s4], $0xB40, $0x38;
	[tilespmem:$0xA500] =	vst v63  }
.LBB2_16:
0x1d5: {  	_ =	sfence.sel $0x180000  }
0x1d6: {  	[bflag:$0x0] =	sbarrier.arrive $0xFFFF  }
0x1d7: {  	_ =	strace $0x90000047  }
0x1d8: {  	s0 =	stileid.u32;
	[bflag:$0x2] =	sbarrier.arrive $0xFFFF  }
0x1d9: {  	p0 =	sne.s32 s0, $0x0;
	s0 =	rddreg [dreg:$0x3]  }
0x1da: {  	s0 =	sadd.s32 @!p0 $0x100000, s0  }
0x1db: {  	[sflag:s0] =	ssyncadd.tile.s32 @!p0 $0x1;
	_ =	shalt  }
.Lfunc_end2:
_tile_overlayer_lowered:
.L_overlay_start_2:
0x1dc: {  	(tag) =	ssettag $0x2  }
0x1dd: {  	s0 =	rddreg [dreg:$0x0];
	s2 =	stileid.u32  }
0x1de: {  	s1 =	rddreg [dreg:$0x1];
	p0 =	sne.s32 s2, $0x0  }
0x1df: {  	s3 =	rddreg [dreg:$0x2];
	[bflag:$0x3] =	sbarrier.arrive $0xFFFF;
	s2 =	simm.s32 @!p0 $0x1C05  }
0x1e0: {  	[timem:s3], [sflag:s2] =	dma.local @!p0 [hbm:s0], s1  }
0x1e1: {  	s0 =	simm.s32 @!p0 $0x5  }
0x1e2: {  	_ =	swait.ge @!p0 [sflag:s0], s1  }
0x1e3: {  	s1 =	ssub.s32 @!p0 $0x0, s1;
	[sflag:s0] =	ssyncset.done @!p0 $0x0  }
0x1e4: {  	[sflag:s0] =	ssyncadd.s32 @!p0 s1  }
0x1e5: {  	[bflag:$0x3] =	sbarrier.arrive $0xFFFF  }
0x1e6: {  	_ =	shalt  }

</sc_bundles>
